<compile_context>
chip_gen: v7x
topology: tpu7x:2x2x1
jax: 0.10.2.dev20260603
libtpu: 0.0.44.dev20260713+nightly
codegen_flags: <defaults>
</compile_context>

<pallas_src>
import functools

import jax
import jax.numpy as jnp
from jax import lax
from jax.experimental import pallas as pl
from jax.experimental.pallas import tpu as pltpu
from jax.experimental.pallas import tpu_sc as plsc

N = 10000
E = 160000
HID = 256
LANES = 16
NT = 16
EP = E // NT
NPAD = 10240
NSL = NPAD // NT
VPN = NSL // LANES
VPE = EP // LANES
NVP = NPAD // LANES


def _rsqrt16(d):
    i = lax.bitcast_convert_type(d, jnp.int32)
    y = lax.bitcast_convert_type(jnp.int32(0x5F3759DF) - (i >> 1), jnp.float32)
    for _ in range(3):
        y = y * (1.5 - 0.5 * d * y * y)
    return jnp.where(d > 0.0, y, 0.0)


UNROLL_E = 5
UNROLL_Z = 8


def _sc_body(edge_hbm, out_hbm,
             src_v, dst_v, xs_v, acc_v, innorm_v, outnorm_v,
             u_v, red_v, red_b, out_v, fin_v, innf_v, sem, sem2,
             xch_a, xch_b, xs_s, inn_s, fin_s):
    wid = lax.axis_index("s")
    cid = lax.axis_index("c")
    base_e = wid * EP
    base_n = wid * NSL

    cp1 = pltpu.async_copy(edge_hbm.at[pl.ds(base_e, EP)], src_v, sem)
    cp2 = pltpu.async_copy(edge_hbm.at[pl.ds(E + base_e, EP)], dst_v, sem2)

    zeros16 = jnp.zeros((LANES,), jnp.float32)
    ones16 = jnp.ones((LANES,), jnp.float32)

    @plsc.parallel_loop(0, NVP, unroll=UNROLL_Z)
    def _zero2(i):
        sl = pl.ds(i * LANES, LANES)
        acc_v[sl] = zeros16
        xs_v[sl] = zeros16

    cp1.wait()
    cp2.wait()

    @plsc.parallel_loop(0, VPE, unroll=UNROLL_E)
    def _hist(i):
        sl = pl.ds(i * LANES, LANES)
        plsc.addupdate_scatter(acc_v, [dst_v[sl]], ones16)
        plsc.addupdate_scatter(xs_v, [src_v[sl]], ones16)

    pltpu.sync_copy(acc_v, xch_a.at[wid])
    pltpu.sync_copy(xs_v, xch_b.at[wid])
    plsc.subcore_barrier()

    cpa = pltpu.async_copy(xch_a.at[:, pl.ds(base_n, NSL)], red_v, sem)
    cpb = pltpu.async_copy(xch_b.at[:, pl.ds(base_n, NSL)], red_b, sem2)
    cpa.wait()

    @plsc.parallel_loop(0, VPN, unroll=2)
    def _red_in(i):
        sl = pl.ds(i * LANES, LANES)
        t = red_v[0, sl]
        for s in range(1, NT):
            t = t + red_v[s, sl]
        u_v[sl] = t

    cpb.wait()

    @plsc.parallel_loop(0, VPN, unroll=2)
    def _red_out_norms(i):
        sl = pl.ds(i * LANES, LANES)
        t = red_b[0, sl]
        for s in range(1, NT):
            t = t + red_b[s, sl]
        ind = u_v[sl]
        outn = _rsqrt16(t)
        innorm_v[sl] = _rsqrt16(ind)
        outnorm_v[sl] = outn
        u_v[sl] = ind * outn

    pltpu.sync_copy(u_v, xs_s.at[pl.ds(base_n, NSL)])
    pltpu.sync_copy(innorm_v, inn_s.at[pl.ds(base_n, NSL)])
    plsc.subcore_barrier()
    cpi = pltpu.async_copy(inn_s, innf_v, sem2)

    for k in range(2):
        cp = pltpu.async_copy(xs_s, xs_v, sem)

        @plsc.parallel_loop(0, NVP, unroll=UNROLL_Z)
        def _zero_acc(i):
            acc_v[pl.ds(i * LANES, LANES)] = zeros16

        cp.wait()

        @plsc.parallel_loop(0, VPE, unroll=UNROLL_E)
        def _edge(i):
            sl = pl.ds(i * LANES, LANES)
            vals = plsc.load_gather(xs_v, [src_v[sl]])
            plsc.addupdate_scatter(acc_v, [dst_v[sl]], vals)

        pltpu.sync_copy(acc_v, xch_a.at[wid])
        plsc.subcore_barrier()

        pltpu.sync_copy(xch_a.at[:, pl.ds(base_n, NSL)], red_v)

        @plsc.parallel_loop(0, VPN, unroll=2)
        def _red_scale(i):
            sl = pl.ds(i * LANES, LANES)
            t = red_v[0, sl]
            for s in range(1, NT):
                t = t + red_v[s, sl]
            u_v[sl] = t * innorm_v[sl] * outnorm_v[sl]

        pltpu.sync_copy(u_v, xs_s.at[pl.ds(base_n, NSL)])
        plsc.subcore_barrier()

    cp = pltpu.async_copy(xs_s, xs_v, sem)
    cpi.wait()
    cp.wait()

    @plsc.parallel_loop(0, VPE, step=UNROLL_E, carry=(zeros16,) * UNROLL_E)
    def _dot(i, accs):
        new = []
        for j in range(UNROLL_E):
            sl = pl.ds((i + j) * LANES, LANES)
            new.append(accs[j] + (plsc.load_gather(xs_v, [src_v[sl]])
                                  * plsc.load_gather(innf_v, [dst_v[sl]])))
        return tuple(new)

    tot = _dot[0]
    for j in range(1, UNROLL_E):
        tot = tot + _dot[j]
    out_v[...] = tot
    pltpu.sync_copy(out_v, fin_s.at[pl.ds(wid * LANES, LANES)])
    plsc.subcore_barrier()

    @pl.when(jnp.logical_and(wid == 0, cid == 0))
    def _write_out():
        pltpu.sync_copy(fin_s, fin_v)
        tot16 = zeros16
        for s in range(NT):
            tot16 = tot16 + fin_v[pl.ds(s * LANES, LANES)]
        total = jnp.sum(tot16)
        out_v[...] = jnp.full((LANES,), total, jnp.float32)
        pltpu.sync_copy(out_v, out_hbm)


_sc_graph = functools.partial(
    pl.kernel,
    out_type=jax.ShapeDtypeStruct((LANES,), jnp.float32),
    mesh=plsc.VectorSubcoreMesh(
        core_axis_name="c", subcore_axis_name="s", num_cores=1),
    compiler_params=pltpu.CompilerParams(needs_layout_passes=False),
    scratch_types=[
        pltpu.VMEM((EP,), jnp.int32),
        pltpu.VMEM((EP,), jnp.int32),
        pltpu.VMEM((NPAD,), jnp.float32),
        pltpu.VMEM((NPAD,), jnp.float32),
        pltpu.VMEM((NSL,), jnp.float32),
        pltpu.VMEM((NSL,), jnp.float32),
        pltpu.VMEM((NSL,), jnp.float32),
        pltpu.VMEM((NT, NSL), jnp.float32),
        pltpu.VMEM((NT, NSL), jnp.float32),
        pltpu.VMEM((LANES,), jnp.float32),
        pltpu.VMEM((NT * LANES,), jnp.float32),
        pltpu.VMEM((NPAD,), jnp.float32),
        pltpu.SemaphoreType.DMA,
        pltpu.SemaphoreType.DMA,
        pltpu.VMEM_SHARED((NT, NPAD), jnp.float32),
        pltpu.VMEM_SHARED((NT, NPAD), jnp.float32),
        pltpu.VMEM_SHARED((NPAD,), jnp.float32),
        pltpu.VMEM_SHARED((NPAD,), jnp.float32),
        pltpu.VMEM_SHARED((NT * LANES,), jnp.float32),
    ],
)(_sc_body)


def _tc_chain_body(w0, W1, W2, Wl, out_ref):
    dot = functools.partial(jnp.dot, precision=lax.Precision.HIGHEST,
                            preferred_element_type=jnp.float32)
    g0 = jnp.maximum(w0[...], 0.0)
    g1 = jnp.maximum(dot(g0, W1[...]), 0.0)
    g2 = jnp.maximum(dot(g1, W2[...]), 0.0)
    out_ref[...] = dot(g2, Wl[...])


_tc_chain = pl.pallas_call(
    _tc_chain_body,
    out_shape=jax.ShapeDtypeStruct((1, 1), jnp.float32),
)


def _tc_combine_body(svec, c, blr, nn, out_ref):
    s_in = svec[0:1, 0:1]
    z = s_in / nn[...].astype(jnp.float32) * c[...] + blr[...]
    out_ref[...] = 1.0 / (1.0 + jnp.exp(-z))


_tc_combine = pl.pallas_call(
    _tc_combine_body,
    out_shape=jax.ShapeDtypeStruct((1, 1), jnp.float32),
)


def kernel(edge_index, num_nodes, W0, b0, W1, b1, W2, b2, Wl, bl):
    svec = _sc_graph(edge_index.astype(jnp.int32).reshape(2 * E))
    c = _tc_chain(W0, W1, W2, Wl)
    nn = jnp.asarray(num_nodes).reshape(1, 1)
    blr = jnp.asarray(bl, jnp.float32).reshape(1, 1)
    return _tc_combine(svec.reshape(1, LANES), c, blr, nn)

# --- scband reference (transcript-rebuilt; emitter-appended) ---
"""Pipeline reference for scband-simple-classifier-67087389163973 (READ-ONLY COPY).

The authoritative reference and input builder live on the scoring server;
editing this copy changes nothing except your own understanding.
"""

import jax, jax.numpy as jnp
import numpy as np

N = 10000
E = 160000
HID = 256

def setup_inputs(seed: int = 0) -> dict:
    key = jax.random.key(seed)
    ks = jax.random.split(key, 10)
    edge_index = jax.random.randint(ks[0], (2, E), 0, N)
    W0 = jax.random.normal(ks[1], (1, HID), dtype=jnp.float32) * 0.1
    b0 = jnp.zeros((HID,), dtype=jnp.float32)
    W1 = jax.random.normal(ks[2], (HID, HID), dtype=jnp.float32) * 0.05
    b1 = jnp.zeros((HID,), dtype=jnp.float32)
    W2 = jax.random.normal(ks[3], (HID, HID), dtype=jnp.float32) * 0.05
    b2 = jnp.zeros((HID,), dtype=jnp.float32)
    Wl = jax.random.normal(ks[4], (HID, 1), dtype=jnp.float32) * 0.05
    bl = jnp.zeros((1,), dtype=jnp.float32)
    return {"edge_index": edge_index, "num_nodes": N,
            "W0": W0, "b0": b0, "W1": W1, "b1": b1,
            "W2": W2, "b2": b2, "Wl": Wl, "bl": bl}

def _graph_conv(h, W, b, src, dst, out_norm, in_norm, num_nodes):
    # DGL GraphConv with norm='both': D_dst^{-1/2} A D_src^{-1/2} (h W) + b
    h = h * out_norm[:, None]
    h = h @ W
    agg = jax.ops.segment_sum(h[src], dst, num_segments=num_nodes)
    return agg * in_norm[:, None] + b

def reference(edge_index, num_nodes, W0, b0, W1, b1, W2, b2, Wl, bl):
    src = edge_index[0]
    dst = edge_index[1]
    num_nodes_static = N
    in_deg = jnp.bincount(dst, length=num_nodes_static)
    out_deg = jnp.bincount(src, length=num_nodes_static)
    in_deg_f = in_deg.astype(jnp.float32)
    out_deg_f = out_deg.astype(jnp.float32)
    in_norm = jnp.where(in_deg_f > 0, 1.0 / jnp.sqrt(in_deg_f), 0.0)
    out_norm = jnp.where(out_deg_f > 0, 1.0 / jnp.sqrt(out_deg_f), 0.0)
    # node features = in-degrees, shape [N, 1]
    h = in_deg_f[:, None]
    for (W, b) in ((W0, b0), (W1, b1), (W2, b2)):
        h = _graph_conv(h, W, b, src, dst, out_norm, in_norm, num_nodes_static)
        h = jax.nn.relu(h)
    # dgl.mean_nodes over a single graph -> mean over all nodes
    h_mean = jnp.sum(h, axis=0, keepdims=True) / jnp.asarray(num_nodes).astype(jnp.float32)
    return jax.nn.sigmoid(h_mean @ Wl + bl)

if __name__ == "__main__":
    import jax
    _d = setup_inputs()
    print(jax.jit(kernel)(*tuple(_d.values())))

</pallas_src>

<mosaic_0001>
#map = affine_map<(d0, d1) -> (0)>
module attributes {stable_mosaic.version = 14 : i64} {
  func.func @_sc_body(%arg0: i32, %arg1: i32, %arg2: memref<320000xi32, #tpu.memory_space<hbm>>, %arg3: memref<16xf32, #tpu.memory_space<hbm>>, %arg4: memref<10000xi32, #tpu.memory_space<vmem>>, %arg5: memref<10000xi32, #tpu.memory_space<vmem>>, %arg6: memref<10240xf32, #tpu.memory_space<vmem>>, %arg7: memref<10240xf32, #tpu.memory_space<vmem>>, %arg8: memref<640xf32, #tpu.memory_space<vmem>>, %arg9: memref<640xf32, #tpu.memory_space<vmem>>, %arg10: memref<640xf32, #tpu.memory_space<vmem>>, %arg11: memref<16x640xf32, #tpu.memory_space<vmem>>, %arg12: memref<16x640xf32, #tpu.memory_space<vmem>>, %arg13: memref<16xf32, #tpu.memory_space<vmem>>, %arg14: memref<256xf32, #tpu.memory_space<vmem>>, %arg15: memref<10240xf32, #tpu.memory_space<vmem>>, %arg16: memref<!tpu.dma_semaphore, #tpu.memory_space<semaphore_mem>>, %arg17: memref<!tpu.dma_semaphore, #tpu.memory_space<semaphore_mem>>, %arg18: memref<16x10240xf32, #tpu.memory_space<vmem_shared>>, %arg19: memref<16x10240xf32, #tpu.memory_space<vmem_shared>>, %arg20: memref<10240xf32, #tpu.memory_space<vmem_shared>>, %arg21: memref<10240xf32, #tpu.memory_space<vmem_shared>>, %arg22: memref<256xf32, #tpu.memory_space<vmem_shared>>) attributes {dimension_semantics = [#tpu.dimension_semantics<core_parallel>, #tpu.dimension_semantics<subcore_parallel>], iteration_bounds = array<i64: 1, 16>, scalar_prefetch = 0 : i64, scratch_operands = 19 : i64, tpu.core_type = #tpu.core_type<sc_vector_subcore>, window_params = [{transform_indices = #map}, {transform_indices = #map}]} {
    %mul3A = arith.constant 10000 : i32
    %mul3A_0 = arith.muli %arg1, %mul3A : i32
    %mul3A_1 = arith.constant 640 : i32
    %mul3A_2 = arith.muli %arg1, %mul3A_1 : i32
    %dma_start3A = tpu.memref_slice %arg2[%mul3A_0] : memref<320000xi32, #tpu.memory_space<hbm>> -> memref<10000xi32, #tpu.memory_space<hbm>>
    %dma_start3A_3 = tpu.memref_slice %arg2[%mul3A_0] : memref<320000xi32, #tpu.memory_space<hbm>> -> memref<10000xi32, #tpu.memory_space<hbm>>
    tpu.enqueue_dma source(%dma_start3A_3 : memref<10000xi32, #tpu.memory_space<hbm>>) target(%arg4 : memref<10000xi32, #tpu.memory_space<vmem>>) target_semaphore(%arg16 : memref<!tpu.dma_semaphore, #tpu.memory_space<semaphore_mem>>)
    %add3A = arith.constant 160000 : i32
    %add3A_4 = arith.addi %add3A, %mul3A_0 : i32
    %dma_start3A_5 = tpu.memref_slice %arg2[%add3A_4] : memref<320000xi32, #tpu.memory_space<hbm>> -> memref<10000xi32, #tpu.memory_space<hbm>>
    %dma_start3A_6 = tpu.memref_slice %arg2[%add3A_4] : memref<320000xi32, #tpu.memory_space<hbm>> -> memref<10000xi32, #tpu.memory_space<hbm>>
    tpu.enqueue_dma source(%dma_start3A_6 : memref<10000xi32, #tpu.memory_space<hbm>>) target(%arg5 : memref<10000xi32, #tpu.memory_space<vmem>>) target_semaphore(%arg17 : memref<!tpu.dma_semaphore, #tpu.memory_space<semaphore_mem>>)
    %broadcast_in_dim3A = arith.constant 0.000000e+00 : f32
    %broadcast_in_dim3A_7 = vector.broadcast %broadcast_in_dim3A : f32 to vector<16xf32>
    %broadcast_in_dim3A_8 = arith.constant 1.000000e+00 : f32
    %broadcast_in_dim3A_9 = vector.broadcast %broadcast_in_dim3A_8 : f32 to vector<16xf32>
    %parallel_loop3A = arith.constant 0 : i32
    %parallel_loop3A_10 = arith.constant 640 : i32
    %parallel_loop3A_11 = arith.constant 1 : i32
    scf.for %parallel_loop3A_79 = %parallel_loop3A to %parallel_loop3A_10 step %parallel_loop3A_11  : i32 {
      %parallel_loop3A_80 = arith.constant 16 : i32
      %parallel_loop3A_81 = arith.muli %parallel_loop3A_79, %parallel_loop3A_80 : i32
      %parallel_loop3A_82 = arith.index_cast %parallel_loop3A_81 : i32 to index
      %parallel_loop3A_83 = tpu.vector_load %arg7[%parallel_loop3A_82] {strides = array<i32>} : memref<10240xf32, #tpu.memory_space<vmem>>, vector<16xf32>,
      tpu.vector_store %arg7[%parallel_loop3A_82], %broadcast_in_dim3A_7 {strides = array<i32>} : memref<10240xf32, #tpu.memory_space<vmem>>, vector<16xf32>,
      %parallel_loop3A_84 = arith.index_cast %parallel_loop3A_81 : i32 to index
      %parallel_loop3A_85 = tpu.vector_load %arg6[%parallel_loop3A_84] {strides = array<i32>} : memref<10240xf32, #tpu.memory_space<vmem>>, vector<16xf32>,
      tpu.vector_store %arg6[%parallel_loop3A_84], %broadcast_in_dim3A_7 {strides = array<i32>} : memref<10240xf32, #tpu.memory_space<vmem>>, vector<16xf32>,
    } {sc.loop_unroll_factor = 8 : i64, sc.parallel_access}
    %dma_wait3A = tpu.memref_slice %arg2[%mul3A_0] : memref<320000xi32, #tpu.memory_space<hbm>> -> memref<10000xi32, #tpu.memory_space<hbm>>
    %dma_wait3A_12 = tpu.memref_slice %arg2[%mul3A_0] : memref<320000xi32, #tpu.memory_space<hbm>> -> memref<10000xi32, #tpu.memory_space<hbm>>
    tpu.wait_dma2 semaphore(%arg16 : memref<!tpu.dma_semaphore, #tpu.memory_space<semaphore_mem>>) src(%dma_wait3A_12 : memref<10000xi32, #tpu.memory_space<hbm>>) dst(%arg4 : memref<10000xi32, #tpu.memory_space<vmem>>)
    %dma_wait3A_13 = tpu.memref_slice %arg2[%add3A_4] : memref<320000xi32, #tpu.memory_space<hbm>> -> memref<10000xi32, #tpu.memory_space<hbm>>
    %dma_wait3A_14 = tpu.memref_slice %arg2[%add3A_4] : memref<320000xi32, #tpu.memory_space<hbm>> -> memref<10000xi32, #tpu.memory_space<hbm>>
    tpu.wait_dma2 semaphore(%arg17 : memref<!tpu.dma_semaphore, #tpu.memory_space<semaphore_mem>>) src(%dma_wait3A_14 : memref<10000xi32, #tpu.memory_space<hbm>>) dst(%arg5 : memref<10000xi32, #tpu.memory_space<vmem>>)
    %parallel_loop3A_15 = arith.constant 0 : i32
    %parallel_loop3A_16 = arith.constant 625 : i32
    %parallel_loop3A_17 = arith.constant 1 : i32
    scf.for %parallel_loop3A_79 = %parallel_loop3A_15 to %parallel_loop3A_16 step %parallel_loop3A_17  : i32 {
      %parallel_loop3A_80 = arith.constant 16 : i32
      %parallel_loop3A_81 = arith.muli %parallel_loop3A_79, %parallel_loop3A_80 : i32
      %parallel_loop3A_82 = arith.index_cast %parallel_loop3A_81 : i32 to index
      %parallel_loop3A_83 = tpu.vector_load %arg5[%parallel_loop3A_82] {strides = array<i32>} : memref<10000xi32, #tpu.memory_space<vmem>>, vector<16xi32>,
      tpu.vector_store_idx %arg7[%parallel_loop3A_83], %broadcast_in_dim3A_9 {add = true} : memref<10240xf32, #tpu.memory_space<vmem>>[vector<16xi32>], vector<16xf32>,
      %parallel_loop3A_84 = arith.index_cast %parallel_loop3A_81 : i32 to index
      %parallel_loop3A_85 = tpu.vector_load %arg4[%parallel_loop3A_84] {strides = array<i32>} : memref<10000xi32, #tpu.memory_space<vmem>>, vector<16xi32>,
      tpu.vector_store_idx %arg6[%parallel_loop3A_85], %broadcast_in_dim3A_9 {add = true} : memref<10240xf32, #tpu.memory_space<vmem>>[vector<16xi32>], vector<16xf32>,
    } {sc.loop_unroll_factor = 5 : i64, sc.parallel_access}
    "tpu.region"() ({
      %run_scoped3A = tpu.sem_alloc : memref<!tpu.dma_semaphore, #tpu.memory_space<semaphore_mem>>
      %dma_start3A_79 = arith.constant 0 : i32
      %dma_start3A_80 = tpu.memref_slice %arg18[%arg1, %dma_start3A_79] : memref<16x10240xf32, #tpu.memory_space<vmem_shared>> -> memref<1x10240xf32, #tpu.memory_space<vmem_shared>>
      %dma_start3A_81 = tpu.memref_squeeze %dma_start3A_80 : memref<1x10240xf32, #tpu.memory_space<vmem_shared>> -> memref<10240xf32, #tpu.memory_space<vmem_shared>>
      %dma_start3A_82 = arith.constant 0 : i32
      %dma_start3A_83 = tpu.memref_slice %arg18[%arg1, %dma_start3A_82] : memref<16x10240xf32, #tpu.memory_space<vmem_shared>> -> memref<1x10240xf32, #tpu.memory_space<vmem_shared>>
      %dma_start3A_84 = tpu.memref_squeeze %dma_start3A_83 : memref<1x10240xf32, #tpu.memory_space<vmem_shared>> -> memref<10240xf32, #tpu.memory_space<vmem_shared>>
      tpu.enqueue_dma source(%arg7 : memref<10240xf32, #tpu.memory_space<vmem>>) target(%dma_start3A_84 : memref<10240xf32, #tpu.memory_space<vmem_shared>>) target_semaphore(%run_scoped3A : memref<!tpu.dma_semaphore, #tpu.memory_space<semaphore_mem>>)
      %dma_wait3A_85 = arith.constant 0 : i32
      %dma_wait3A_86 = tpu.memref_slice %arg18[%arg1, %dma_wait3A_85] : memref<16x10240xf32, #tpu.memory_space<vmem_shared>> -> memref<1x10240xf32, #tpu.memory_space<vmem_shared>>
      %dma_wait3A_87 = tpu.memref_squeeze %dma_wait3A_86 : memref<1x10240xf32, #tpu.memory_space<vmem_shared>> -> memref<10240xf32, #tpu.memory_space<vmem_shared>>
      %dma_wait3A_88 = arith.constant 0 : i32
      %dma_wait3A_89 = tpu.memref_slice %arg18[%arg1, %dma_wait3A_88] : memref<16x10240xf32, #tpu.memory_space<vmem_shared>> -> memref<1x10240xf32, #tpu.memory_space<vmem_shared>>
      %dma_wait3A_90 = tpu.memref_squeeze %dma_wait3A_89 : memref<1x10240xf32, #tpu.memory_space<vmem_shared>> -> memref<10240xf32, #tpu.memory_space<vmem_shared>>
      tpu.wait_dma2 semaphore(%run_scoped3A : memref<!tpu.dma_semaphore, #tpu.memory_space<semaphore_mem>>) src(%arg7 : memref<10240xf32, #tpu.memory_space<vmem>>) dst(%dma_wait3A_90 : memref<10240xf32, #tpu.memory_space<vmem_shared>>)
      tpu.yield
    }) : () -> ()
    "tpu.region"() ({
      %run_scoped3A = tpu.sem_alloc : memref<!tpu.dma_semaphore, #tpu.memory_space<semaphore_mem>>
      %dma_start3A_79 = arith.constant 0 : i32
      %dma_start3A_80 = tpu.memref_slice %arg19[%arg1, %dma_start3A_79] : memref<16x10240xf32, #tpu.memory_space<vmem_shared>> -> memref<1x10240xf32, #tpu.memory_space<vmem_shared>>
      %dma_start3A_81 = tpu.memref_squeeze %dma_start3A_80 : memref<1x10240xf32, #tpu.memory_space<vmem_shared>> -> memref<10240xf32, #tpu.memory_space<vmem_shared>>
      %dma_start3A_82 = arith.constant 0 : i32
      %dma_start3A_83 = tpu.memref_slice %arg19[%arg1, %dma_start3A_82] : memref<16x10240xf32, #tpu.memory_space<vmem_shared>> -> memref<1x10240xf32, #tpu.memory_space<vmem_shared>>
      %dma_start3A_84 = tpu.memref_squeeze %dma_start3A_83 : memref<1x10240xf32, #tpu.memory_space<vmem_shared>> -> memref<10240xf32, #tpu.memory_space<vmem_shared>>
      tpu.enqueue_dma source(%arg6 : memref<10240xf32, #tpu.memory_space<vmem>>) target(%dma_start3A_84 : memref<10240xf32, #tpu.memory_space<vmem_shared>>) target_semaphore(%run_scoped3A : memref<!tpu.dma_semaphore, #tpu.memory_space<semaphore_mem>>)
      %dma_wait3A_85 = arith.constant 0 : i32
      %dma_wait3A_86 = tpu.memref_slice %arg19[%arg1, %dma_wait3A_85] : memref<16x10240xf32, #tpu.memory_space<vmem_shared>> -> memref<1x10240xf32, #tpu.memory_space<vmem_shared>>
      %dma_wait3A_87 = tpu.memref_squeeze %dma_wait3A_86 : memref<1x10240xf32, #tpu.memory_space<vmem_shared>> -> memref<10240xf32, #tpu.memory_space<vmem_shared>>
      %dma_wait3A_88 = arith.constant 0 : i32
      %dma_wait3A_89 = tpu.memref_slice %arg19[%arg1, %dma_wait3A_88] : memref<16x10240xf32, #tpu.memory_space<vmem_shared>> -> memref<1x10240xf32, #tpu.memory_space<vmem_shared>>
      %dma_wait3A_90 = tpu.memref_squeeze %dma_wait3A_89 : memref<1x10240xf32, #tpu.memory_space<vmem_shared>> -> memref<10240xf32, #tpu.memory_space<vmem_shared>>
      tpu.wait_dma2 semaphore(%run_scoped3A : memref<!tpu.dma_semaphore, #tpu.memory_space<semaphore_mem>>) src(%arg6 : memref<10240xf32, #tpu.memory_space<vmem>>) dst(%dma_wait3A_90 : memref<10240xf32, #tpu.memory_space<vmem_shared>>)
      tpu.yield
    }) : () -> ()
    %barrier3A = arith.constant 0 : index
    tpu.barrier barrier_id(%barrier3A)
    %dma_start3A_18 = arith.constant 0 : i32
    %dma_start3A_19 = tpu.memref_slice %arg18[%dma_start3A_18, %mul3A_2] : memref<16x10240xf32, #tpu.memory_space<vmem_shared>> -> memref<16x640xf32, #tpu.memory_space<vmem_shared>>
    %dma_start3A_20 = arith.constant 0 : i32
    %dma_start3A_21 = tpu.memref_slice %arg18[%dma_start3A_20, %mul3A_2] : memref<16x10240xf32, #tpu.memory_space<vmem_shared>> -> memref<16x640xf32, #tpu.memory_space<vmem_shared>>
    tpu.enqueue_dma source(%dma_start3A_21 : memref<16x640xf32, #tpu.memory_space<vmem_shared>>) target(%arg11 : memref<16x640xf32, #tpu.memory_space<vmem>>) target_semaphore(%arg16 : memref<!tpu.dma_semaphore, #tpu.memory_space<semaphore_mem>>)
    %dma_start3A_22 = arith.constant 0 : i32
    %dma_start3A_23 = tpu.memref_slice %arg19[%dma_start3A_22, %mul3A_2] : memref<16x10240xf32, #tpu.memory_space<vmem_shared>> -> memref<16x640xf32, #tpu.memory_space<vmem_shared>>
    %dma_start3A_24 = arith.constant 0 : i32
    %dma_start3A_25 = tpu.memref_slice %arg19[%dma_start3A_24, %mul3A_2] : memref<16x10240xf32, #tpu.memory_space<vmem_shared>> -> memref<16x640xf32, #tpu.memory_space<vmem_shared>>
    tpu.enqueue_dma source(%dma_start3A_25 : memref<16x640xf32, #tpu.memory_space<vmem_shared>>) target(%arg12 : memref<16x640xf32, #tpu.memory_space<vmem>>) target_semaphore(%arg17 : memref<!tpu.dma_semaphore, #tpu.memory_space<semaphore_mem>>)
    %dma_wait3A_26 = arith.constant 0 : i32
    %dma_wait3A_27 = tpu.memref_slice %arg18[%dma_wait3A_26, %mul3A_2] : memref<16x10240xf32, #tpu.memory_space<vmem_shared>> -> memref<16x640xf32, #tpu.memory_space<vmem_shared>>
    %dma_wait3A_28 = arith.constant 0 : i32
    %dma_wait3A_29 = tpu.memref_slice %arg18[%dma_wait3A_28, %mul3A_2] : memref<16x10240xf32, #tpu.memory_space<vmem_shared>> -> memref<16x640xf32, #tpu.memory_space<vmem_shared>>
    tpu.wait_dma2 semaphore(%arg16 : memref<!tpu.dma_semaphore, #tpu.memory_space<semaphore_mem>>) src(%dma_wait3A_29 : memref<16x640xf32, #tpu.memory_space<vmem_shared>>) dst(%arg11 : memref<16x640xf32, #tpu.memory_space<vmem>>)
    %parallel_loop3A_30 = arith.constant 0 : i32
    %parallel_loop3A_31 = arith.constant 40 : i32
    %parallel_loop3A_32 = arith.constant 1 : i32
    scf.for %parallel_loop3A_79 = %parallel_loop3A_30 to %parallel_loop3A_31 step %parallel_loop3A_32  : i32 {
      %parallel_loop3A_80 = arith.constant 16 : i32
      %parallel_loop3A_81 = arith.muli %parallel_loop3A_79, %parallel_loop3A_80 : i32
      %parallel_loop3A_82 = arith.constant 0 : i32
      %parallel_loop3A_83 = arith.index_cast %parallel_loop3A_82 : i32 to index
      %parallel_loop3A_84 = arith.index_cast %parallel_loop3A_81 : i32 to index
      %parallel_loop3A_85 = tpu.vector_load %arg11[%parallel_loop3A_83, %parallel_loop3A_84] {strides = array<i32>} : memref<16x640xf32, #tpu.memory_space<vmem>>, vector<16xf32>,
      %parallel_loop3A_86 = arith.constant 1 : i32
      %parallel_loop3A_87 = arith.index_cast %parallel_loop3A_86 : i32 to index
      %parallel_loop3A_88 = arith.index_cast %parallel_loop3A_81 : i32 to index
      %parallel_loop3A_89 = tpu.vector_load %arg11[%parallel_loop3A_87, %parallel_loop3A_88] {strides = array<i32>} : memref<16x640xf32, #tpu.memory_space<vmem>>, vector<16xf32>,
      %parallel_loop3A_90 = arith.addf %parallel_loop3A_85, %parallel_loop3A_89 : vector<16xf32>
      %parallel_loop3A_91 = arith.constant 2 : i32
      %parallel_loop3A_92 = arith.index_cast %parallel_loop3A_91 : i32 to index
      %parallel_loop3A_93 = arith.index_cast %parallel_loop3A_81 : i32 to index
      %parallel_loop3A_94 = tpu.vector_load %arg11[%parallel_loop3A_92, %parallel_loop3A_93] {strides = array<i32>} : memref<16x640xf32, #tpu.memory_space<vmem>>, vector<16xf32>,
      %parallel_loop3A_95 = arith.addf %parallel_loop3A_90, %parallel_loop3A_94 : vector<16xf32>
      %parallel_loop3A_96 = arith.constant 3 : i32
      %parallel_loop3A_97 = arith.index_cast %parallel_loop3A_96 : i32 to index
      %parallel_loop3A_98 = arith.index_cast %parallel_loop3A_81 : i32 to index
      %parallel_loop3A_99 = tpu.vector_load %arg11[%parallel_loop3A_97, %parallel_loop3A_98] {strides = array<i32>} : memref<16x640xf32, #tpu.memory_space<vmem>>, vector<16xf32>,
      %parallel_loop3A_100 = arith.addf %parallel_loop3A_95, %parallel_loop3A_99 : vector<16xf32>
      %parallel_loop3A_101 = arith.constant 4 : i32
      %parallel_loop3A_102 = arith.index_cast %parallel_loop3A_101 : i32 to index
      %parallel_loop3A_103 = arith.index_cast %parallel_loop3A_81 : i32 to index
      %parallel_loop3A_104 = tpu.vector_load %arg11[%parallel_loop3A_102, %parallel_loop3A_103] {strides = array<i32>} : memref<16x640xf32, #tpu.memory_space<vmem>>, vector<16xf32>,
      %parallel_loop3A_105 = arith.addf %parallel_loop3A_100, %parallel_loop3A_104 : vector<16xf32>
      %parallel_loop3A_106 = arith.constant 5 : i32
      %parallel_loop3A_107 = arith.index_cast %parallel_loop3A_106 : i32 to index
      %parallel_loop3A_108 = arith.index_cast %parallel_loop3A_81 : i32 to index
      %parallel_loop3A_109 = tpu.vector_load %arg11[%parallel_loop3A_107, %parallel_loop3A_108] {strides = array<i32>} : memref<16x640xf32, #tpu.memory_space<vmem>>, vector<16xf32>,
      %parallel_loop3A_110 = arith.addf %parallel_loop3A_105, %parallel_loop3A_109 : vector<16xf32>
      %parallel_loop3A_111 = arith.constant 6 : i32
      %parallel_loop3A_112 = arith.index_cast %parallel_loop3A_111 : i32 to index
      %parallel_loop3A_113 = arith.index_cast %parallel_loop3A_81 : i32 to index
      %parallel_loop3A_114 = tpu.vector_load %arg11[%parallel_loop3A_112, %parallel_loop3A_113] {strides = array<i32>} : memref<16x640xf32, #tpu.memory_space<vmem>>, vector<16xf32>,
      %parallel_loop3A_115 = arith.addf %parallel_loop3A_110, %parallel_loop3A_114 : vector<16xf32>
      %parallel_loop3A_116 = arith.constant 7 : i32
      %parallel_loop3A_117 = arith.index_cast %parallel_loop3A_116 : i32 to index
      %parallel_loop3A_118 = arith.index_cast %parallel_loop3A_81 : i32 to index
      %parallel_loop3A_119 = tpu.vector_load %arg11[%parallel_loop3A_117, %parallel_loop3A_118] {strides = array<i32>} : memref<16x640xf32, #tpu.memory_space<vmem>>, vector<16xf32>,
      %parallel_loop3A_120 = arith.addf %parallel_loop3A_115, %parallel_loop3A_119 : vector<16xf32>
      %parallel_loop3A_121 = arith.constant 8 : i32
      %parallel_loop3A_122 = arith.index_cast %parallel_loop3A_121 : i32 to index
      %parallel_loop3A_123 = arith.index_cast %parallel_loop3A_81 : i32 to index
      %parallel_loop3A_124 = tpu.vector_load %arg11[%parallel_loop3A_122, %parallel_loop3A_123] {strides = array<i32>} : memref<16x640xf32, #tpu.memory_space<vmem>>, vector<16xf32>,
      %parallel_loop3A_125 = arith.addf %parallel_loop3A_120, %parallel_loop3A_124 : vector<16xf32>
      %parallel_loop3A_126 = arith.constant 9 : i32
      %parallel_loop3A_127 = arith.index_cast %parallel_loop3A_126 : i32 to index
      %parallel_loop3A_128 = arith.index_cast %parallel_loop3A_81 : i32 to index
      %parallel_loop3A_129 = tpu.vector_load %arg11[%parallel_loop3A_127, %parallel_loop3A_128] {strides = array<i32>} : memref<16x640xf32, #tpu.memory_space<vmem>>, vector<16xf32>,
      %parallel_loop3A_130 = arith.addf %parallel_loop3A_125, %parallel_loop3A_129 : vector<16xf32>
      %parallel_loop3A_131 = arith.constant 10 : i32
      %parallel_loop3A_132 = arith.index_cast %parallel_loop3A_131 : i32 to index
      %parallel_loop3A_133 = arith.index_cast %parallel_loop3A_81 : i32 to index
      %parallel_loop3A_134 = tpu.vector_load %arg11[%parallel_loop3A_132, %parallel_loop3A_133] {strides = array<i32>} : memref<16x640xf32, #tpu.memory_space<vmem>>, vector<16xf32>,
      %parallel_loop3A_135 = arith.addf %parallel_loop3A_130, %parallel_loop3A_134 : vector<16xf32>
      %parallel_loop3A_136 = arith.constant 11 : i32
      %parallel_loop3A_137 = arith.index_cast %parallel_loop3A_136 : i32 to index
      %parallel_loop3A_138 = arith.index_cast %parallel_loop3A_81 : i32 to index
      %parallel_loop3A_139 = tpu.vector_load %arg11[%parallel_loop3A_137, %parallel_loop3A_138] {strides = array<i32>} : memref<16x640xf32, #tpu.memory_space<vmem>>, vector<16xf32>,
      %parallel_loop3A_140 = arith.addf %parallel_loop3A_135, %parallel_loop3A_139 : vector<16xf32>
      %parallel_loop3A_141 = arith.constant 12 : i32
      %parallel_loop3A_142 = arith.index_cast %parallel_loop3A_141 : i32 to index
      %parallel_loop3A_143 = arith.index_cast %parallel_loop3A_81 : i32 to index
      %parallel_loop3A_144 = tpu.vector_load %arg11[%parallel_loop3A_142, %parallel_loop3A_143] {strides = array<i32>} : memref<16x640xf32, #tpu.memory_space<vmem>>, vector<16xf32>,
      %parallel_loop3A_145 = arith.addf %parallel_loop3A_140, %parallel_loop3A_144 : vector<16xf32>
      %parallel_loop3A_146 = arith.constant 13 : i32
      %parallel_loop3A_147 = arith.index_cast %parallel_loop3A_146 : i32 to index
      %parallel_loop3A_148 = arith.index_cast %parallel_loop3A_81 : i32 to index
      %parallel_loop3A_149 = tpu.vector_load %arg11[%parallel_loop3A_147, %parallel_loop3A_148] {strides = array<i32>} : memref<16x640xf32, #tpu.memory_space<vmem>>, vector<16xf32>,
      %parallel_loop3A_150 = arith.addf %parallel_loop3A_145, %parallel_loop3A_149 : vector<16xf32>
      %parallel_loop3A_151 = arith.constant 14 : i32
      %parallel_loop3A_152 = arith.index_cast %parallel_loop3A_151 : i32 to index
      %parallel_loop3A_153 = arith.index_cast %parallel_loop3A_81 : i32 to index
      %parallel_loop3A_154 = tpu.vector_load %arg11[%parallel_loop3A_152, %parallel_loop3A_153] {strides = array<i32>} : memref<16x640xf32, #tpu.memory_space<vmem>>, vector<16xf32>,
      %parallel_loop3A_155 = arith.addf %parallel_loop3A_150, %parallel_loop3A_154 : vector<16xf32>
      %parallel_loop3A_156 = arith.constant 15 : i32
      %parallel_loop3A_157 = arith.index_cast %parallel_loop3A_156 : i32 to index
      %parallel_loop3A_158 = arith.index_cast %parallel_loop3A_81 : i32 to index
      %parallel_loop3A_159 = tpu.vector_load %arg11[%parallel_loop3A_157, %parallel_loop3A_158] {strides = array<i32>} : memref<16x640xf32, #tpu.memory_space<vmem>>, vector<16xf32>,
      %parallel_loop3A_160 = arith.addf %parallel_loop3A_155, %parallel_loop3A_159 : vector<16xf32>
      %parallel_loop3A_161 = arith.index_cast %parallel_loop3A_81 : i32 to index
      %parallel_loop3A_162 = tpu.vector_load %arg10[%parallel_loop3A_161] {strides = array<i32>} : memref<640xf32, #tpu.memory_space<vmem>>, vector<16xf32>,
      tpu.vector_store %arg10[%parallel_loop3A_161], %parallel_loop3A_160 {strides = array<i32>} : memref<640xf32, #tpu.memory_space<vmem>>, vector<16xf32>,
    } {sc.loop_unroll_factor = 2 : i64, sc.parallel_access}
    %dma_wait3A_33 = arith.constant 0 : i32
    %dma_wait3A_34 = tpu.memref_slice %arg19[%dma_wait3A_33, %mul3A_2] : memref<16x10240xf32, #tpu.memory_space<vmem_shared>> -> memref<16x640xf32, #tpu.memory_space<vmem_shared>>
    %dma_wait3A_35 = arith.constant 0 : i32
    %dma_wait3A_36 = tpu.memref_slice %arg19[%dma_wait3A_35, %mul3A_2] : memref<16x10240xf32, #tpu.memory_space<vmem_shared>> -> memref<16x640xf32, #tpu.memory_space<vmem_shared>>
    tpu.wait_dma2 semaphore(%arg17 : memref<!tpu.dma_semaphore, #tpu.memory_space<semaphore_mem>>) src(%dma_wait3A_36 : memref<16x640xf32, #tpu.memory_space<vmem_shared>>) dst(%arg12 : memref<16x640xf32, #tpu.memory_space<vmem>>)
    %parallel_loop3A_37 = arith.constant 0 : i32
    %parallel_loop3A_38 = arith.constant 40 : i32
    %parallel_loop3A_39 = arith.constant 1 : i32
    scf.for %parallel_loop3A_79 = %parallel_loop3A_37 to %parallel_loop3A_38 step %parallel_loop3A_39  : i32 {
      %parallel_loop3A_80 = arith.constant 16 : i32
      %parallel_loop3A_81 = arith.muli %parallel_loop3A_79, %parallel_loop3A_80 : i32
      %parallel_loop3A_82 = arith.constant 0 : i32
      %parallel_loop3A_83 = arith.index_cast %parallel_loop3A_82 : i32 to index
      %parallel_loop3A_84 = arith.index_cast %parallel_loop3A_81 : i32 to index
      %parallel_loop3A_85 = tpu.vector_load %arg12[%parallel_loop3A_83, %parallel_loop3A_84] {strides = array<i32>} : memref<16x640xf32, #tpu.memory_space<vmem>>, vector<16xf32>,
      %parallel_loop3A_86 = arith.constant 1 : i32
      %parallel_loop3A_87 = arith.index_cast %parallel_loop3A_86 : i32 to index
      %parallel_loop3A_88 = arith.index_cast %parallel_loop3A_81 : i32 to index
      %parallel_loop3A_89 = tpu.vector_load %arg12[%parallel_loop3A_87, %parallel_loop3A_88] {strides = array<i32>} : memref<16x640xf32, #tpu.memory_space<vmem>>, vector<16xf32>,
      %parallel_loop3A_90 = arith.addf %parallel_loop3A_85, %parallel_loop3A_89 : vector<16xf32>
      %parallel_loop3A_91 = arith.constant 2 : i32
      %parallel_loop3A_92 = arith.index_cast %parallel_loop3A_91 : i32 to index
      %parallel_loop3A_93 = arith.index_cast %parallel_loop3A_81 : i32 to index
      %parallel_loop3A_94 = tpu.vector_load %arg12[%parallel_loop3A_92, %parallel_loop3A_93] {strides = array<i32>} : memref<16x640xf32, #tpu.memory_space<vmem>>, vector<16xf32>,
      %parallel_loop3A_95 = arith.addf %parallel_loop3A_90, %parallel_loop3A_94 : vector<16xf32>
      %parallel_loop3A_96 = arith.constant 3 : i32
      %parallel_loop3A_97 = arith.index_cast %parallel_loop3A_96 : i32 to index
      %parallel_loop3A_98 = arith.index_cast %parallel_loop3A_81 : i32 to index
      %parallel_loop3A_99 = tpu.vector_load %arg12[%parallel_loop3A_97, %parallel_loop3A_98] {strides = array<i32>} : memref<16x640xf32, #tpu.memory_space<vmem>>, vector<16xf32>,
      %parallel_loop3A_100 = arith.addf %parallel_loop3A_95, %parallel_loop3A_99 : vector<16xf32>
      %parallel_loop3A_101 = arith.constant 4 : i32
      %parallel_loop3A_102 = arith.index_cast %parallel_loop3A_101 : i32 to index
      %parallel_loop3A_103 = arith.index_cast %parallel_loop3A_81 : i32 to index
      %parallel_loop3A_104 = tpu.vector_load %arg12[%parallel_loop3A_102, %parallel_loop3A_103] {strides = array<i32>} : memref<16x640xf32, #tpu.memory_space<vmem>>, vector<16xf32>,
      %parallel_loop3A_105 = arith.addf %parallel_loop3A_100, %parallel_loop3A_104 : vector<16xf32>
      %parallel_loop3A_106 = arith.constant 5 : i32
      %parallel_loop3A_107 = arith.index_cast %parallel_loop3A_106 : i32 to index
      %parallel_loop3A_108 = arith.index_cast %parallel_loop3A_81 : i32 to index
      %parallel_loop3A_109 = tpu.vector_load %arg12[%parallel_loop3A_107, %parallel_loop3A_108] {strides = array<i32>} : memref<16x640xf32, #tpu.memory_space<vmem>>, vector<16xf32>,
      %parallel_loop3A_110 = arith.addf %parallel_loop3A_105, %parallel_loop3A_109 : vector<16xf32>
      %parallel_loop3A_111 = arith.constant 6 : i32
      %parallel_loop3A_112 = arith.index_cast %parallel_loop3A_111 : i32 to index
      %parallel_loop3A_113 = arith.index_cast %parallel_loop3A_81 : i32 to index
      %parallel_loop3A_114 = tpu.vector_load %arg12[%parallel_loop3A_112, %parallel_loop3A_113] {strides = array<i32>} : memref<16x640xf32, #tpu.memory_space<vmem>>, vector<16xf32>,
      %parallel_loop3A_115 = arith.addf %parallel_loop3A_110, %parallel_loop3A_114 : vector<16xf32>
      %parallel_loop3A_116 = arith.constant 7 : i32
      %parallel_loop3A_117 = arith.index_cast %parallel_loop3A_116 : i32 to index
      %parallel_loop3A_118 = arith.index_cast %parallel_loop3A_81 : i32 to index
      %parallel_loop3A_119 = tpu.vector_load %arg12[%parallel_loop3A_117, %parallel_loop3A_118] {strides = array<i32>} : memref<16x640xf32, #tpu.memory_space<vmem>>, vector<16xf32>,
      %parallel_loop3A_120 = arith.addf %parallel_loop3A_115, %parallel_loop3A_119 : vector<16xf32>
      %parallel_loop3A_121 = arith.constant 8 : i32
      %parallel_loop3A_122 = arith.index_cast %parallel_loop3A_121 : i32 to index
      %parallel_loop3A_123 = arith.index_cast %parallel_loop3A_81 : i32 to index
      %parallel_loop3A_124 = tpu.vector_load %arg12[%parallel_loop3A_122, %parallel_loop3A_123] {strides = array<i32>} : memref<16x640xf32, #tpu.memory_space<vmem>>, vector<16xf32>,
      %parallel_loop3A_125 = arith.addf %parallel_loop3A_120, %parallel_loop3A_124 : vector<16xf32>
      %parallel_loop3A_126 = arith.constant 9 : i32
      %parallel_loop3A_127 = arith.index_cast %parallel_loop3A_126 : i32 to index
      %parallel_loop3A_128 = arith.index_cast %parallel_loop3A_81 : i32 to index
      %parallel_loop3A_129 = tpu.vector_load %arg12[%parallel_loop3A_127, %parallel_loop3A_128] {strides = array<i32>} : memref<16x640xf32, #tpu.memory_space<vmem>>, vector<16xf32>,
      %parallel_loop3A_130 = arith.addf %parallel_loop3A_125, %parallel_loop3A_129 : vector<16xf32>
      %parallel_loop3A_131 = arith.constant 10 : i32
      %parallel_loop3A_132 = arith.index_cast %parallel_loop3A_131 : i32 to index
      %parallel_loop3A_133 = arith.index_cast %parallel_loop3A_81 : i32 to index
      %parallel_loop3A_134 = tpu.vector_load %arg12[%parallel_loop3A_132, %parallel_loop3A_133] {strides = array<i32>} : memref<16x640xf32, #tpu.memory_space<vmem>>, vector<16xf32>,
      %parallel_loop3A_135 = arith.addf %parallel_loop3A_130, %parallel_loop3A_134 : vector<16xf32>
      %parallel_loop3A_136 = arith.constant 11 : i32
      %parallel_loop3A_137 = arith.index_cast %parallel_loop3A_136 : i32 to index
      %parallel_loop3A_138 = arith.index_cast %parallel_loop3A_81 : i32 to index
      %parallel_loop3A_139 = tpu.vector_load %arg12[%parallel_loop3A_137, %parallel_loop3A_138] {strides = array<i32>} : memref<16x640xf32, #tpu.memory_space<vmem>>, vector<16xf32>,
      %parallel_loop3A_140 = arith.addf %parallel_loop3A_135, %parallel_loop3A_139 : vector<16xf32>
      %parallel_loop3A_141 = arith.constant 12 : i32
      %parallel_loop3A_142 = arith.index_cast %parallel_loop3A_141 : i32 to index
      %parallel_loop3A_143 = arith.index_cast %parallel_loop3A_81 : i32 to index
      %parallel_loop3A_144 = tpu.vector_load %arg12[%parallel_loop3A_142, %parallel_loop3A_143] {strides = array<i32>} : memref<16x640xf32, #tpu.memory_space<vmem>>, vector<16xf32>,
      %parallel_loop3A_145 = arith.addf %parallel_loop3A_140, %parallel_loop3A_144 : vector<16xf32>
      %parallel_loop3A_146 = arith.constant 13 : i32
      %parallel_loop3A_147 = arith.index_cast %parallel_loop3A_146 : i32 to index
      %parallel_loop3A_148 = arith.index_cast %parallel_loop3A_81 : i32 to index
      %parallel_loop3A_149 = tpu.vector_load %arg12[%parallel_loop3A_147, %parallel_loop3A_148] {strides = array<i32>} : memref<16x640xf32, #tpu.memory_space<vmem>>, vector<16xf32>,
      %parallel_loop3A_150 = arith.addf %parallel_loop3A_145, %parallel_loop3A_149 : vector<16xf32>
      %parallel_loop3A_151 = arith.constant 14 : i32
      %parallel_loop3A_152 = arith.index_cast %parallel_loop3A_151 : i32 to index
      %parallel_loop3A_153 = arith.index_cast %parallel_loop3A_81 : i32 to index
      %parallel_loop3A_154 = tpu.vector_load %arg12[%parallel_loop3A_152, %parallel_loop3A_153] {strides = array<i32>} : memref<16x640xf32, #tpu.memory_space<vmem>>, vector<16xf32>,
      %parallel_loop3A_155 = arith.addf %parallel_loop3A_150, %parallel_loop3A_154 : vector<16xf32>
      %parallel_loop3A_156 = arith.constant 15 : i32
      %parallel_loop3A_157 = arith.index_cast %parallel_loop3A_156 : i32 to index
      %parallel_loop3A_158 = arith.index_cast %parallel_loop3A_81 : i32 to index
      %parallel_loop3A_159 = tpu.vector_load %arg12[%parallel_loop3A_157, %parallel_loop3A_158] {strides = array<i32>} : memref<16x640xf32, #tpu.memory_space<vmem>>, vector<16xf32>,
      %parallel_loop3A_160 = arith.addf %parallel_loop3A_155, %parallel_loop3A_159 : vector<16xf32>
      %parallel_loop3A_161 = arith.index_cast %parallel_loop3A_81 : i32 to index
      %parallel_loop3A_162 = tpu.vector_load %arg10[%parallel_loop3A_161] {strides = array<i32>} : memref<640xf32, #tpu.memory_space<vmem>>, vector<16xf32>,
      %parallel_loop3A_163 = tpu.bitcast %parallel_loop3A_160 : vector<16xf32> -> vector<16xi32>
      %parallel_loop3A_164 = arith.constant 1 : i32
      %parallel_loop3A_165 = vector.broadcast %parallel_loop3A_164 : i32 to vector<16xi32>
      %parallel_loop3A_166 = arith.shrsi %parallel_loop3A_163, %parallel_loop3A_165 : vector<16xi32>
      %parallel_loop3A_167 = arith.constant 1597463007 : i32
      %parallel_loop3A_168 = vector.broadcast %parallel_loop3A_167 : i32 to vector<16xi32>
      %parallel_loop3A_169 = arith.subi %parallel_loop3A_168, %parallel_loop3A_166 : vector<16xi32>
      %parallel_loop3A_170 = tpu.bitcast %parallel_loop3A_169 : vector<16xi32> -> vector<16xf32>
      %parallel_loop3A_171 = arith.constant 5.000000e-01 : f32
      %parallel_loop3A_172 = vector.broadcast %parallel_loop3A_171 : f32 to vector<16xf32>
      %parallel_loop3A_173 = arith.mulf %parallel_loop3A_172, %parallel_loop3A_160 : vector<16xf32>
      %parallel_loop3A_174 = arith.mulf %parallel_loop3A_173, %parallel_loop3A_170 : vector<16xf32>
      %parallel_loop3A_175 = arith.mulf %parallel_loop3A_174, %parallel_loop3A_170 : vector<16xf32>
      %parallel_loop3A_176 = arith.constant 1.500000e+00 : f32
      %parallel_loop3A_177 = vector.broadcast %parallel_loop3A_176 : f32 to vector<16xf32>
      %parallel_loop3A_178 = arith.subf %parallel_loop3A_177, %parallel_loop3A_175 : vector<16xf32>
      %parallel_loop3A_179 = arith.mulf %parallel_loop3A_170, %parallel_loop3A_178 : vector<16xf32>
      %parallel_loop3A_180 = arith.constant 5.000000e-01 : f32
      %parallel_loop3A_181 = vector.broadcast %parallel_loop3A_180 : f32 to vector<16xf32>
      %parallel_loop3A_182 = arith.mulf %parallel_loop3A_181, %parallel_loop3A_160 : vector<16xf32>
      %parallel_loop3A_183 = arith.mulf %parallel_loop3A_182, %parallel_loop3A_179 : vector<16xf32>
      %parallel_loop3A_184 = arith.mulf %parallel_loop3A_183, %parallel_loop3A_179 : vector<16xf32>
      %parallel_loop3A_185 = arith.constant 1.500000e+00 : f32
      %parallel_loop3A_186 = vector.broadcast %parallel_loop3A_185 : f32 to vector<16xf32>
      %parallel_loop3A_187 = arith.subf %parallel_loop3A_186, %parallel_loop3A_184 : vector<16xf32>
      %parallel_loop3A_188 = arith.mulf %parallel_loop3A_179, %parallel_loop3A_187 : vector<16xf32>
      %parallel_loop3A_189 = arith.constant 5.000000e-01 : f32
      %parallel_loop3A_190 = vector.broadcast %parallel_loop3A_189 : f32 to vector<16xf32>
      %parallel_loop3A_191 = arith.mulf %parallel_loop3A_190, %parallel_loop3A_160 : vector<16xf32>
      %parallel_loop3A_192 = arith.mulf %parallel_loop3A_191, %parallel_loop3A_188 : vector<16xf32>
      %parallel_loop3A_193 = arith.mulf %parallel_loop3A_192, %parallel_loop3A_188 : vector<16xf32>
      %parallel_loop3A_194 = arith.constant 1.500000e+00 : f32
      %parallel_loop3A_195 = vector.broadcast %parallel_loop3A_194 : f32 to vector<16xf32>
      %parallel_loop3A_196 = arith.subf %parallel_loop3A_195, %parallel_loop3A_193 : vector<16xf32>
      %parallel_loop3A_197 = arith.mulf %parallel_loop3A_188, %parallel_loop3A_196 : vector<16xf32>
      %parallel_loop3A_198 = arith.constant 0.000000e+00 : f32
      %parallel_loop3A_199 = vector.broadcast %parallel_loop3A_198 : f32 to vector<16xf32>
      %parallel_loop3A_200 = arith.cmpf ogt, %parallel_loop3A_160, %parallel_loop3A_199 : vector<16xf32>
      %parallel_loop3A_201 = arith.constant 0.000000e+00 : f32
      %parallel_loop3A_202 = vector.broadcast %parallel_loop3A_201 : f32 to vector<16xf32>
      %parallel_loop3A_203 = arith.select %parallel_loop3A_200, %parallel_loop3A_197, %parallel_loop3A_202 : vector<16xi1>, vector<16xf32>
      %parallel_loop3A_204 = tpu.bitcast %parallel_loop3A_162 : vector<16xf32> -> vector<16xi32>
      %parallel_loop3A_205 = arith.constant 1 : i32
      %parallel_loop3A_206 = vector.broadcast %parallel_loop3A_205 : i32 to vector<16xi32>
      %parallel_loop3A_207 = arith.shrsi %parallel_loop3A_204, %parallel_loop3A_206 : vector<16xi32>
      %parallel_loop3A_208 = arith.constant 1597463007 : i32
      %parallel_loop3A_209 = vector.broadcast %parallel_loop3A_208 : i32 to vector<16xi32>
      %parallel_loop3A_210 = arith.subi %parallel_loop3A_209, %parallel_loop3A_207 : vector<16xi32>
      %parallel_loop3A_211 = tpu.bitcast %parallel_loop3A_210 : vector<16xi32> -> vector<16xf32>
      %parallel_loop3A_212 = arith.constant 5.000000e-01 : f32
      %parallel_loop3A_213 = vector.broadcast %parallel_loop3A_212 : f32 to vector<16xf32>
      %parallel_loop3A_214 = arith.mulf %parallel_loop3A_213, %parallel_loop3A_162 : vector<16xf32>
      %parallel_loop3A_215 = arith.mulf %parallel_loop3A_214, %parallel_loop3A_211 : vector<16xf32>
      %parallel_loop3A_216 = arith.mulf %parallel_loop3A_215, %parallel_loop3A_211 : vector<16xf32>
      %parallel_loop3A_217 = arith.constant 1.500000e+00 : f32
      %parallel_loop3A_218 = vector.broadcast %parallel_loop3A_217 : f32 to vector<16xf32>
      %parallel_loop3A_219 = arith.subf %parallel_loop3A_218, %parallel_loop3A_216 : vector<16xf32>
      %parallel_loop3A_220 = arith.mulf %parallel_loop3A_211, %parallel_loop3A_219 : vector<16xf32>
      %parallel_loop3A_221 = arith.constant 5.000000e-01 : f32
      %parallel_loop3A_222 = vector.broadcast %parallel_loop3A_221 : f32 to vector<16xf32>
      %parallel_loop3A_223 = arith.mulf %parallel_loop3A_222, %parallel_loop3A_162 : vector<16xf32>
      %parallel_loop3A_224 = arith.mulf %parallel_loop3A_223, %parallel_loop3A_220 : vector<16xf32>
      %parallel_loop3A_225 = arith.mulf %parallel_loop3A_224, %parallel_loop3A_220 : vector<16xf32>
      %parallel_loop3A_226 = arith.constant 1.500000e+00 : f32
      %parallel_loop3A_227 = vector.broadcast %parallel_loop3A_226 : f32 to vector<16xf32>
      %parallel_loop3A_228 = arith.subf %parallel_loop3A_227, %parallel_loop3A_225 : vector<16xf32>
      %parallel_loop3A_229 = arith.mulf %parallel_loop3A_220, %parallel_loop3A_228 : vector<16xf32>
      %parallel_loop3A_230 = arith.constant 5.000000e-01 : f32
      %parallel_loop3A_231 = vector.broadcast %parallel_loop3A_230 : f32 to vector<16xf32>
      %parallel_loop3A_232 = arith.mulf %parallel_loop3A_231, %parallel_loop3A_162 : vector<16xf32>
      %parallel_loop3A_233 = arith.mulf %parallel_loop3A_232, %parallel_loop3A_229 : vector<16xf32>
      %parallel_loop3A_234 = arith.mulf %parallel_loop3A_233, %parallel_loop3A_229 : vector<16xf32>
      %parallel_loop3A_235 = arith.constant 1.500000e+00 : f32
      %parallel_loop3A_236 = vector.broadcast %parallel_loop3A_235 : f32 to vector<16xf32>
      %parallel_loop3A_237 = arith.subf %parallel_loop3A_236, %parallel_loop3A_234 : vector<16xf32>
      %parallel_loop3A_238 = arith.mulf %parallel_loop3A_229, %parallel_loop3A_237 : vector<16xf32>
      %parallel_loop3A_239 = arith.constant 0.000000e+00 : f32
      %parallel_loop3A_240 = vector.broadcast %parallel_loop3A_239 : f32 to vector<16xf32>
      %parallel_loop3A_241 = arith.cmpf ogt, %parallel_loop3A_162, %parallel_loop3A_240 : vector<16xf32>
      %parallel_loop3A_242 = arith.constant 0.000000e+00 : f32
      %parallel_loop3A_243 = vector.broadcast %parallel_loop3A_242 : f32 to vector<16xf32>
      %parallel_loop3A_244 = arith.select %parallel_loop3A_241, %parallel_loop3A_238, %parallel_loop3A_243 : vector<16xi1>, vector<16xf32>
      %parallel_loop3A_245 = arith.index_cast %parallel_loop3A_81 : i32 to index
      %parallel_loop3A_246 = tpu.vector_load %arg8[%parallel_loop3A_245] {strides = array<i32>} : memref<640xf32, #tpu.memory_space<vmem>>, vector<16xf32>,
      tpu.vector_store %arg8[%parallel_loop3A_245], %parallel_loop3A_244 {strides = array<i32>} : memref<640xf32, #tpu.memory_space<vmem>>, vector<16xf32>,
      %parallel_loop3A_247 = arith.index_cast %parallel_loop3A_81 : i32 to index
      %parallel_loop3A_248 = tpu.vector_load %arg9[%parallel_loop3A_247] {strides = array<i32>} : memref<640xf32, #tpu.memory_space<vmem>>, vector<16xf32>,
      tpu.vector_store %arg9[%parallel_loop3A_247], %parallel_loop3A_203 {strides = array<i32>} : memref<640xf32, #tpu.memory_space<vmem>>, vector<16xf32>,
      %parallel_loop3A_249 = arith.mulf %parallel_loop3A_162, %parallel_loop3A_203 : vector<16xf32>
      %parallel_loop3A_250 = arith.index_cast %parallel_loop3A_81 : i32 to index
      %parallel_loop3A_251 = tpu.vector_load %arg10[%parallel_loop3A_250] {strides = array<i32>} : memref<640xf32, #tpu.memory_space<vmem>>, vector<16xf32>,
      tpu.vector_store %arg10[%parallel_loop3A_250], %parallel_loop3A_249 {strides = array<i32>} : memref<640xf32, #tpu.memory_space<vmem>>, vector<16xf32>,
    } {sc.loop_unroll_factor = 2 : i64, sc.parallel_access}
    "tpu.region"() ({
      %run_scoped3A = tpu.sem_alloc : memref<!tpu.dma_semaphore, #tpu.memory_space<semaphore_mem>>
      %dma_start3A_79 = tpu.memref_slice %arg20[%mul3A_2] : memref<10240xf32, #tpu.memory_space<vmem_shared>> -> memref<640xf32, #tpu.memory_space<vmem_shared>>
      %dma_start3A_80 = tpu.memref_slice %arg20[%mul3A_2] : memref<10240xf32, #tpu.memory_space<vmem_shared>> -> memref<640xf32, #tpu.memory_space<vmem_shared>>
      tpu.enqueue_dma source(%arg10 : memref<640xf32, #tpu.memory_space<vmem>>) target(%dma_start3A_80 : memref<640xf32, #tpu.memory_space<vmem_shared>>) target_semaphore(%run_scoped3A : memref<!tpu.dma_semaphore, #tpu.memory_space<semaphore_mem>>)
      %dma_wait3A_81 = tpu.memref_slice %arg20[%mul3A_2] : memref<10240xf32, #tpu.memory_space<vmem_shared>> -> memref<640xf32, #tpu.memory_space<vmem_shared>>
      %dma_wait3A_82 = tpu.memref_slice %arg20[%mul3A_2] : memref<10240xf32, #tpu.memory_space<vmem_shared>> -> memref<640xf32, #tpu.memory_space<vmem_shared>>
      tpu.wait_dma2 semaphore(%run_scoped3A : memref<!tpu.dma_semaphore, #tpu.memory_space<semaphore_mem>>) src(%arg10 : memref<640xf32, #tpu.memory_space<vmem>>) dst(%dma_wait3A_82 : memref<640xf32, #tpu.memory_space<vmem_shared>>)
      tpu.yield
    }) : () -> ()
    "tpu.region"() ({
      %run_scoped3A = tpu.sem_alloc : memref<!tpu.dma_semaphore, #tpu.memory_space<semaphore_mem>>
      %dma_start3A_79 = tpu.memref_slice %arg21[%mul3A_2] : memref<10240xf32, #tpu.memory_space<vmem_shared>> -> memref<640xf32, #tpu.memory_space<vmem_shared>>
      %dma_start3A_80 = tpu.memref_slice %arg21[%mul3A_2] : memref<10240xf32, #tpu.memory_space<vmem_shared>> -> memref<640xf32, #tpu.memory_space<vmem_shared>>
      tpu.enqueue_dma source(%arg8 : memref<640xf32, #tpu.memory_space<vmem>>) target(%dma_start3A_80 : memref<640xf32, #tpu.memory_space<vmem_shared>>) target_semaphore(%run_scoped3A : memref<!tpu.dma_semaphore, #tpu.memory_space<semaphore_mem>>)
      %dma_wait3A_81 = tpu.memref_slice %arg21[%mul3A_2] : memref<10240xf32, #tpu.memory_space<vmem_shared>> -> memref<640xf32, #tpu.memory_space<vmem_shared>>
      %dma_wait3A_82 = tpu.memref_slice %arg21[%mul3A_2] : memref<10240xf32, #tpu.memory_space<vmem_shared>> -> memref<640xf32, #tpu.memory_space<vmem_shared>>
      tpu.wait_dma2 semaphore(%run_scoped3A : memref<!tpu.dma_semaphore, #tpu.memory_space<semaphore_mem>>) src(%arg8 : memref<640xf32, #tpu.memory_space<vmem>>) dst(%dma_wait3A_82 : memref<640xf32, #tpu.memory_space<vmem_shared>>)
      tpu.yield
    }) : () -> ()
    %barrier3A_40 = arith.constant 0 : index
    tpu.barrier barrier_id(%barrier3A_40)
    tpu.enqueue_dma source(%arg21 : memref<10240xf32, #tpu.memory_space<vmem_shared>>) target(%arg15 : memref<10240xf32, #tpu.memory_space<vmem>>) target_semaphore(%arg17 : memref<!tpu.dma_semaphore, #tpu.memory_space<semaphore_mem>>)
    tpu.enqueue_dma source(%arg20 : memref<10240xf32, #tpu.memory_space<vmem_shared>>) target(%arg6 : memref<10240xf32, #tpu.memory_space<vmem>>) target_semaphore(%arg16 : memref<!tpu.dma_semaphore, #tpu.memory_space<semaphore_mem>>)
    %parallel_loop3A_41 = arith.constant 0 : i32
    %parallel_loop3A_42 = arith.constant 640 : i32
    %parallel_loop3A_43 = arith.constant 1 : i32
    scf.for %parallel_loop3A_79 = %parallel_loop3A_41 to %parallel_loop3A_42 step %parallel_loop3A_43  : i32 {
      %parallel_loop3A_80 = arith.constant 16 : i32
      %parallel_loop3A_81 = arith.muli %parallel_loop3A_79, %parallel_loop3A_80 : i32
      %parallel_loop3A_82 = arith.index_cast %parallel_loop3A_81 : i32 to index
      %parallel_loop3A_83 = tpu.vector_load %arg7[%parallel_loop3A_82] {strides = array<i32>} : memref<10240xf32, #tpu.memory_space<vmem>>, vector<16xf32>,
      tpu.vector_store %arg7[%parallel_loop3A_82], %broadcast_in_dim3A_7 {strides = array<i32>} : memref<10240xf32, #tpu.memory_space<vmem>>, vector<16xf32>,
    } {sc.loop_unroll_factor = 8 : i64, sc.parallel_access}
    tpu.wait_dma2 semaphore(%arg16 : memref<!tpu.dma_semaphore, #tpu.memory_space<semaphore_mem>>) src(%arg20 : memref<10240xf32, #tpu.memory_space<vmem_shared>>) dst(%arg6 : memref<10240xf32, #tpu.memory_space<vmem>>)
    %parallel_loop3A_44 = arith.constant 0 : i32
    %parallel_loop3A_45 = arith.constant 625 : i32
    %parallel_loop3A_46 = arith.constant 1 : i32
    scf.for %parallel_loop3A_79 = %parallel_loop3A_44 to %parallel_loop3A_45 step %parallel_loop3A_46  : i32 {
      %parallel_loop3A_80 = arith.constant 16 : i32
      %parallel_loop3A_81 = arith.muli %parallel_loop3A_79, %parallel_loop3A_80 : i32
      %parallel_loop3A_82 = arith.index_cast %parallel_loop3A_81 : i32 to index
      %parallel_loop3A_83 = tpu.vector_load %arg4[%parallel_loop3A_82] {strides = array<i32>} : memref<10000xi32, #tpu.memory_space<vmem>>, vector<16xi32>,
      %parallel_loop3A_84 = tpu.vector_load_idx %arg6[%parallel_loop3A_83] : memref<10240xf32, #tpu.memory_space<vmem>>[vector<16xi32>], vector<16xf32>,
      %parallel_loop3A_85 = arith.index_cast %parallel_loop3A_81 : i32 to index
      %parallel_loop3A_86 = tpu.vector_load %arg5[%parallel_loop3A_85] {strides = array<i32>} : memref<10000xi32, #tpu.memory_space<vmem>>, vector<16xi32>,
      tpu.vector_store_idx %arg7[%parallel_loop3A_86], %parallel_loop3A_84 {add = true} : memref<10240xf32, #tpu.memory_space<vmem>>[vector<16xi32>], vector<16xf32>,
    } {sc.loop_unroll_factor = 5 : i64, sc.parallel_access}
    "tpu.region"() ({
      %run_scoped3A = tpu.sem_alloc : memref<!tpu.dma_semaphore, #tpu.memory_space<semaphore_mem>>
      %dma_start3A_79 = arith.constant 0 : i32
      %dma_start3A_80 = tpu.memref_slice %arg18[%arg1, %dma_start3A_79] : memref<16x10240xf32, #tpu.memory_space<vmem_shared>> -> memref<1x10240xf32, #tpu.memory_space<vmem_shared>>
      %dma_start3A_81 = tpu.memref_squeeze %dma_start3A_80 : memref<1x10240xf32, #tpu.memory_space<vmem_shared>> -> memref<10240xf32, #tpu.memory_space<vmem_shared>>
      %dma_start3A_82 = arith.constant 0 : i32
      %dma_start3A_83 = tpu.memref_slice %arg18[%arg1, %dma_start3A_82] : memref<16x10240xf32, #tpu.memory_space<vmem_shared>> -> memref<1x10240xf32, #tpu.memory_space<vmem_shared>>
      %dma_start3A_84 = tpu.memref_squeeze %dma_start3A_83 : memref<1x10240xf32, #tpu.memory_space<vmem_shared>> -> memref<10240xf32, #tpu.memory_space<vmem_shared>>
      tpu.enqueue_dma source(%arg7 : memref<10240xf32, #tpu.memory_space<vmem>>) target(%dma_start3A_84 : memref<10240xf32, #tpu.memory_space<vmem_shared>>) target_semaphore(%run_scoped3A : memref<!tpu.dma_semaphore, #tpu.memory_space<semaphore_mem>>)
      %dma_wait3A_85 = arith.constant 0 : i32
      %dma_wait3A_86 = tpu.memref_slice %arg18[%arg1, %dma_wait3A_85] : memref<16x10240xf32, #tpu.memory_space<vmem_shared>> -> memref<1x10240xf32, #tpu.memory_space<vmem_shared>>
      %dma_wait3A_87 = tpu.memref_squeeze %dma_wait3A_86 : memref<1x10240xf32, #tpu.memory_space<vmem_shared>> -> memref<10240xf32, #tpu.memory_space<vmem_shared>>
      %dma_wait3A_88 = arith.constant 0 : i32
      %dma_wait3A_89 = tpu.memref_slice %arg18[%arg1, %dma_wait3A_88] : memref<16x10240xf32, #tpu.memory_space<vmem_shared>> -> memref<1x10240xf32, #tpu.memory_space<vmem_shared>>
      %dma_wait3A_90 = tpu.memref_squeeze %dma_wait3A_89 : memref<1x10240xf32, #tpu.memory_space<vmem_shared>> -> memref<10240xf32, #tpu.memory_space<vmem_shared>>
      tpu.wait_dma2 semaphore(%run_scoped3A : memref<!tpu.dma_semaphore, #tpu.memory_space<semaphore_mem>>) src(%arg7 : memref<10240xf32, #tpu.memory_space<vmem>>) dst(%dma_wait3A_90 : memref<10240xf32, #tpu.memory_space<vmem_shared>>)
      tpu.yield
    }) : () -> ()
    %barrier3A_47 = arith.constant 0 : index
    tpu.barrier barrier_id(%barrier3A_47)
    "tpu.region"() ({
      %run_scoped3A = tpu.sem_alloc : memref<!tpu.dma_semaphore, #tpu.memory_space<semaphore_mem>>
      %dma_start3A_79 = arith.constant 0 : i32
      %dma_start3A_80 = tpu.memref_slice %arg18[%dma_start3A_79, %mul3A_2] : memref<16x10240xf32, #tpu.memory_space<vmem_shared>> -> memref<16x640xf32, #tpu.memory_space<vmem_shared>>
      %dma_start3A_81 = arith.constant 0 : i32
      %dma_start3A_82 = tpu.memref_slice %arg18[%dma_start3A_81, %mul3A_2] : memref<16x10240xf32, #tpu.memory_space<vmem_shared>> -> memref<16x640xf32, #tpu.memory_space<vmem_shared>>
      tpu.enqueue_dma source(%dma_start3A_82 : memref<16x640xf32, #tpu.memory_space<vmem_shared>>) target(%arg11 : memref<16x640xf32, #tpu.memory_space<vmem>>) target_semaphore(%run_scoped3A : memref<!tpu.dma_semaphore, #tpu.memory_space<semaphore_mem>>)
      %dma_wait3A_83 = arith.constant 0 : i32
      %dma_wait3A_84 = tpu.memref_slice %arg18[%dma_wait3A_83, %mul3A_2] : memref<16x10240xf32, #tpu.memory_space<vmem_shared>> -> memref<16x640xf32, #tpu.memory_space<vmem_shared>>
      %dma_wait3A_85 = arith.constant 0 : i32
      %dma_wait3A_86 = tpu.memref_slice %arg18[%dma_wait3A_85, %mul3A_2] : memref<16x10240xf32, #tpu.memory_space<vmem_shared>> -> memref<16x640xf32, #tpu.memory_space<vmem_shared>>
      tpu.wait_dma2 semaphore(%run_scoped3A : memref<!tpu.dma_semaphore, #tpu.memory_space<semaphore_mem>>) src(%dma_wait3A_86 : memref<16x640xf32, #tpu.memory_space<vmem_shared>>) dst(%arg11 : memref<16x640xf32, #tpu.memory_space<vmem>>)
      tpu.yield
    }) : () -> ()
    %parallel_loop3A_48 = arith.constant 0 : i32
    %parallel_loop3A_49 = arith.constant 40 : i32
    %parallel_loop3A_50 = arith.constant 1 : i32
    scf.for %parallel_loop3A_79 = %parallel_loop3A_48 to %parallel_loop3A_49 step %parallel_loop3A_50  : i32 {
      %parallel_loop3A_80 = arith.constant 16 : i32
      %parallel_loop3A_81 = arith.muli %parallel_loop3A_79, %parallel_loop3A_80 : i32
      %parallel_loop3A_82 = arith.constant 0 : i32
      %parallel_loop3A_83 = arith.index_cast %parallel_loop3A_82 : i32 to index
      %parallel_loop3A_84 = arith.index_cast %parallel_loop3A_81 : i32 to index
      %parallel_loop3A_85 = tpu.vector_load %arg11[%parallel_loop3A_83, %parallel_loop3A_84] {strides = array<i32>} : memref<16x640xf32, #tpu.memory_space<vmem>>, vector<16xf32>,
      %parallel_loop3A_86 = arith.constant 1 : i32
      %parallel_loop3A_87 = arith.index_cast %parallel_loop3A_86 : i32 to index
      %parallel_loop3A_88 = arith.index_cast %parallel_loop3A_81 : i32 to index
      %parallel_loop3A_89 = tpu.vector_load %arg11[%parallel_loop3A_87, %parallel_loop3A_88] {strides = array<i32>} : memref<16x640xf32, #tpu.memory_space<vmem>>, vector<16xf32>,
      %parallel_loop3A_90 = arith.addf %parallel_loop3A_85, %parallel_loop3A_89 : vector<16xf32>
      %parallel_loop3A_91 = arith.constant 2 : i32
      %parallel_loop3A_92 = arith.index_cast %parallel_loop3A_91 : i32 to index
      %parallel_loop3A_93 = arith.index_cast %parallel_loop3A_81 : i32 to index
      %parallel_loop3A_94 = tpu.vector_load %arg11[%parallel_loop3A_92, %parallel_loop3A_93] {strides = array<i32>} : memref<16x640xf32, #tpu.memory_space<vmem>>, vector<16xf32>,
      %parallel_loop3A_95 = arith.addf %parallel_loop3A_90, %parallel_loop3A_94 : vector<16xf32>
      %parallel_loop3A_96 = arith.constant 3 : i32
      %parallel_loop3A_97 = arith.index_cast %parallel_loop3A_96 : i32 to index
      %parallel_loop3A_98 = arith.index_cast %parallel_loop3A_81 : i32 to index
      %parallel_loop3A_99 = tpu.vector_load %arg11[%parallel_loop3A_97, %parallel_loop3A_98] {strides = array<i32>} : memref<16x640xf32, #tpu.memory_space<vmem>>, vector<16xf32>,
      %parallel_loop3A_100 = arith.addf %parallel_loop3A_95, %parallel_loop3A_99 : vector<16xf32>
      %parallel_loop3A_101 = arith.constant 4 : i32
      %parallel_loop3A_102 = arith.index_cast %parallel_loop3A_101 : i32 to index
      %parallel_loop3A_103 = arith.index_cast %parallel_loop3A_81 : i32 to index
      %parallel_loop3A_104 = tpu.vector_load %arg11[%parallel_loop3A_102, %parallel_loop3A_103] {strides = array<i32>} : memref<16x640xf32, #tpu.memory_space<vmem>>, vector<16xf32>,
      %parallel_loop3A_105 = arith.addf %parallel_loop3A_100, %parallel_loop3A_104 : vector<16xf32>
      %parallel_loop3A_106 = arith.constant 5 : i32
      %parallel_loop3A_107 = arith.index_cast %parallel_loop3A_106 : i32 to index
      %parallel_loop3A_108 = arith.index_cast %parallel_loop3A_81 : i32 to index
      %parallel_loop3A_109 = tpu.vector_load %arg11[%parallel_loop3A_107, %parallel_loop3A_108] {strides = array<i32>} : memref<16x640xf32, #tpu.memory_space<vmem>>, vector<16xf32>,
      %parallel_loop3A_110 = arith.addf %parallel_loop3A_105, %parallel_loop3A_109 : vector<16xf32>
      %parallel_loop3A_111 = arith.constant 6 : i32
      %parallel_loop3A_112 = arith.index_cast %parallel_loop3A_111 : i32 to index
      %parallel_loop3A_113 = arith.index_cast %parallel_loop3A_81 : i32 to index
      %parallel_loop3A_114 = tpu.vector_load %arg11[%parallel_loop3A_112, %parallel_loop3A_113] {strides = array<i32>} : memref<16x640xf32, #tpu.memory_space<vmem>>, vector<16xf32>,
      %parallel_loop3A_115 = arith.addf %parallel_loop3A_110, %parallel_loop3A_114 : vector<16xf32>
      %parallel_loop3A_116 = arith.constant 7 : i32
      %parallel_loop3A_117 = arith.index_cast %parallel_loop3A_116 : i32 to index
      %parallel_loop3A_118 = arith.index_cast %parallel_loop3A_81 : i32 to index
      %parallel_loop3A_119 = tpu.vector_load %arg11[%parallel_loop3A_117, %parallel_loop3A_118] {strides = array<i32>} : memref<16x640xf32, #tpu.memory_space<vmem>>, vector<16xf32>,
      %parallel_loop3A_120 = arith.addf %parallel_loop3A_115, %parallel_loop3A_119 : vector<16xf32>
      %parallel_loop3A_121 = arith.constant 8 : i32
      %parallel_loop3A_122 = arith.index_cast %parallel_loop3A_121 : i32 to index
      %parallel_loop3A_123 = arith.index_cast %parallel_loop3A_81 : i32 to index
      %parallel_loop3A_124 = tpu.vector_load %arg11[%parallel_loop3A_122, %parallel_loop3A_123] {strides = array<i32>} : memref<16x640xf32, #tpu.memory_space<vmem>>, vector<16xf32>,
      %parallel_loop3A_125 = arith.addf %parallel_loop3A_120, %parallel_loop3A_124 : vector<16xf32>
      %parallel_loop3A_126 = arith.constant 9 : i32
      %parallel_loop3A_127 = arith.index_cast %parallel_loop3A_126 : i32 to index
      %parallel_loop3A_128 = arith.index_cast %parallel_loop3A_81 : i32 to index
      %parallel_loop3A_129 = tpu.vector_load %arg11[%parallel_loop3A_127, %parallel_loop3A_128] {strides = array<i32>} : memref<16x640xf32, #tpu.memory_space<vmem>>, vector<16xf32>,
      %parallel_loop3A_130 = arith.addf %parallel_loop3A_125, %parallel_loop3A_129 : vector<16xf32>
      %parallel_loop3A_131 = arith.constant 10 : i32
      %parallel_loop3A_132 = arith.index_cast %parallel_loop3A_131 : i32 to index
      %parallel_loop3A_133 = arith.index_cast %parallel_loop3A_81 : i32 to index
      %parallel_loop3A_134 = tpu.vector_load %arg11[%parallel_loop3A_132, %parallel_loop3A_133] {strides = array<i32>} : memref<16x640xf32, #tpu.memory_space<vmem>>, vector<16xf32>,
      %parallel_loop3A_135 = arith.addf %parallel_loop3A_130, %parallel_loop3A_134 : vector<16xf32>
      %parallel_loop3A_136 = arith.constant 11 : i32
      %parallel_loop3A_137 = arith.index_cast %parallel_loop3A_136 : i32 to index
      %parallel_loop3A_138 = arith.index_cast %parallel_loop3A_81 : i32 to index
      %parallel_loop3A_139 = tpu.vector_load %arg11[%parallel_loop3A_137, %parallel_loop3A_138] {strides = array<i32>} : memref<16x640xf32, #tpu.memory_space<vmem>>, vector<16xf32>,
      %parallel_loop3A_140 = arith.addf %parallel_loop3A_135, %parallel_loop3A_139 : vector<16xf32>
      %parallel_loop3A_141 = arith.constant 12 : i32
      %parallel_loop3A_142 = arith.index_cast %parallel_loop3A_141 : i32 to index
      %parallel_loop3A_143 = arith.index_cast %parallel_loop3A_81 : i32 to index
      %parallel_loop3A_144 = tpu.vector_load %arg11[%parallel_loop3A_142, %parallel_loop3A_143] {strides = array<i32>} : memref<16x640xf32, #tpu.memory_space<vmem>>, vector<16xf32>,
      %parallel_loop3A_145 = arith.addf %parallel_loop3A_140, %parallel_loop3A_144 : vector<16xf32>
      %parallel_loop3A_146 = arith.constant 13 : i32
      %parallel_loop3A_147 = arith.index_cast %parallel_loop3A_146 : i32 to index
      %parallel_loop3A_148 = arith.index_cast %parallel_loop3A_81 : i32 to index
      %parallel_loop3A_149 = tpu.vector_load %arg11[%parallel_loop3A_147, %parallel_loop3A_148] {strides = array<i32>} : memref<16x640xf32, #tpu.memory_space<vmem>>, vector<16xf32>,
      %parallel_loop3A_150 = arith.addf %parallel_loop3A_145, %parallel_loop3A_149 : vector<16xf32>
      %parallel_loop3A_151 = arith.constant 14 : i32
      %parallel_loop3A_152 = arith.index_cast %parallel_loop3A_151 : i32 to index
      %parallel_loop3A_153 = arith.index_cast %parallel_loop3A_81 : i32 to index
      %parallel_loop3A_154 = tpu.vector_load %arg11[%parallel_loop3A_152, %parallel_loop3A_153] {strides = array<i32>} : memref<16x640xf32, #tpu.memory_space<vmem>>, vector<16xf32>,
      %parallel_loop3A_155 = arith.addf %parallel_loop3A_150, %parallel_loop3A_154 : vector<16xf32>
      %parallel_loop3A_156 = arith.constant 15 : i32
      %parallel_loop3A_157 = arith.index_cast %parallel_loop3A_156 : i32 to index
      %parallel_loop3A_158 = arith.index_cast %parallel_loop3A_81 : i32 to index
      %parallel_loop3A_159 = tpu.vector_load %arg11[%parallel_loop3A_157, %parallel_loop3A_158] {strides = array<i32>} : memref<16x640xf32, #tpu.memory_space<vmem>>, vector<16xf32>,
      %parallel_loop3A_160 = arith.addf %parallel_loop3A_155, %parallel_loop3A_159 : vector<16xf32>
      %parallel_loop3A_161 = arith.index_cast %parallel_loop3A_81 : i32 to index
      %parallel_loop3A_162 = tpu.vector_load %arg8[%parallel_loop3A_161] {strides = array<i32>} : memref<640xf32, #tpu.memory_space<vmem>>, vector<16xf32>,
      %parallel_loop3A_163 = arith.mulf %parallel_loop3A_160, %parallel_loop3A_162 : vector<16xf32>
      %parallel_loop3A_164 = arith.index_cast %parallel_loop3A_81 : i32 to index
      %parallel_loop3A_165 = tpu.vector_load %arg9[%parallel_loop3A_164] {strides = array<i32>} : memref<640xf32, #tpu.memory_space<vmem>>, vector<16xf32>,
      %parallel_loop3A_166 = arith.mulf %parallel_loop3A_163, %parallel_loop3A_165 : vector<16xf32>
      %parallel_loop3A_167 = arith.index_cast %parallel_loop3A_81 : i32 to index
      %parallel_loop3A_168 = tpu.vector_load %arg10[%parallel_loop3A_167] {strides = array<i32>} : memref<640xf32, #tpu.memory_space<vmem>>, vector<16xf32>,
      tpu.vector_store %arg10[%parallel_loop3A_167], %parallel_loop3A_166 {strides = array<i32>} : memref<640xf32, #tpu.memory_space<vmem>>, vector<16xf32>,
    } {sc.loop_unroll_factor = 2 : i64, sc.parallel_access}
    "tpu.region"() ({
      %run_scoped3A = tpu.sem_alloc : memref<!tpu.dma_semaphore, #tpu.memory_space<semaphore_mem>>
      %dma_start3A_79 = tpu.memref_slice %arg20[%mul3A_2] : memref<10240xf32, #tpu.memory_space<vmem_shared>> -> memref<640xf32, #tpu.memory_space<vmem_shared>>
      %dma_start3A_80 = tpu.memref_slice %arg20[%mul3A_2] : memref<10240xf32, #tpu.memory_space<vmem_shared>> -> memref<640xf32, #tpu.memory_space<vmem_shared>>
      tpu.enqueue_dma source(%arg10 : memref<640xf32, #tpu.memory_space<vmem>>) target(%dma_start3A_80 : memref<640xf32, #tpu.memory_space<vmem_shared>>) target_semaphore(%run_scoped3A : memref<!tpu.dma_semaphore, #tpu.memory_space<semaphore_mem>>)
      %dma_wait3A_81 = tpu.memref_slice %arg20[%mul3A_2] : memref<10240xf32, #tpu.memory_space<vmem_shared>> -> memref<640xf32, #tpu.memory_space<vmem_shared>>
      %dma_wait3A_82 = tpu.memref_slice %arg20[%mul3A_2] : memref<10240xf32, #tpu.memory_space<vmem_shared>> -> memref<640xf32, #tpu.memory_space<vmem_shared>>
      tpu.wait_dma2 semaphore(%run_scoped3A : memref<!tpu.dma_semaphore, #tpu.memory_space<semaphore_mem>>) src(%arg10 : memref<640xf32, #tpu.memory_space<vmem>>) dst(%dma_wait3A_82 : memref<640xf32, #tpu.memory_space<vmem_shared>>)
      tpu.yield
    }) : () -> ()
    %barrier3A_51 = arith.constant 0 : index
    tpu.barrier barrier_id(%barrier3A_51)
    tpu.enqueue_dma source(%arg20 : memref<10240xf32, #tpu.memory_space<vmem_shared>>) target(%arg6 : memref<10240xf32, #tpu.memory_space<vmem>>) target_semaphore(%arg16 : memref<!tpu.dma_semaphore, #tpu.memory_space<semaphore_mem>>)
    %parallel_loop3A_52 = arith.constant 0 : i32
    %parallel_loop3A_53 = arith.constant 640 : i32
    %parallel_loop3A_54 = arith.constant 1 : i32
    scf.for %parallel_loop3A_79 = %parallel_loop3A_52 to %parallel_loop3A_53 step %parallel_loop3A_54  : i32 {
      %parallel_loop3A_80 = arith.constant 16 : i32
      %parallel_loop3A_81 = arith.muli %parallel_loop3A_79, %parallel_loop3A_80 : i32
      %parallel_loop3A_82 = arith.index_cast %parallel_loop3A_81 : i32 to index
      %parallel_loop3A_83 = tpu.vector_load %arg7[%parallel_loop3A_82] {strides = array<i32>} : memref<10240xf32, #tpu.memory_space<vmem>>, vector<16xf32>,
      tpu.vector_store %arg7[%parallel_loop3A_82], %broadcast_in_dim3A_7 {strides = array<i32>} : memref<10240xf32, #tpu.memory_space<vmem>>, vector<16xf32>,
    } {sc.loop_unroll_factor = 8 : i64, sc.parallel_access}
    tpu.wait_dma2 semaphore(%arg16 : memref<!tpu.dma_semaphore, #tpu.memory_space<semaphore_mem>>) src(%arg20 : memref<10240xf32, #tpu.memory_space<vmem_shared>>) dst(%arg6 : memref<10240xf32, #tpu.memory_space<vmem>>)
    %parallel_loop3A_55 = arith.constant 0 : i32
    %parallel_loop3A_56 = arith.constant 625 : i32
    %parallel_loop3A_57 = arith.constant 1 : i32
    scf.for %parallel_loop3A_79 = %parallel_loop3A_55 to %parallel_loop3A_56 step %parallel_loop3A_57  : i32 {
      %parallel_loop3A_80 = arith.constant 16 : i32
      %parallel_loop3A_81 = arith.muli %parallel_loop3A_79, %parallel_loop3A_80 : i32
      %parallel_loop3A_82 = arith.index_cast %parallel_loop3A_81 : i32 to index
      %parallel_loop3A_83 = tpu.vector_load %arg4[%parallel_loop3A_82] {strides = array<i32>} : memref<10000xi32, #tpu.memory_space<vmem>>, vector<16xi32>,
      %parallel_loop3A_84 = tpu.vector_load_idx %arg6[%parallel_loop3A_83] : memref<10240xf32, #tpu.memory_space<vmem>>[vector<16xi32>], vector<16xf32>,
      %parallel_loop3A_85 = arith.index_cast %parallel_loop3A_81 : i32 to index
      %parallel_loop3A_86 = tpu.vector_load %arg5[%parallel_loop3A_85] {strides = array<i32>} : memref<10000xi32, #tpu.memory_space<vmem>>, vector<16xi32>,
      tpu.vector_store_idx %arg7[%parallel_loop3A_86], %parallel_loop3A_84 {add = true} : memref<10240xf32, #tpu.memory_space<vmem>>[vector<16xi32>], vector<16xf32>,
    } {sc.loop_unroll_factor = 5 : i64, sc.parallel_access}
    "tpu.region"() ({
      %run_scoped3A = tpu.sem_alloc : memref<!tpu.dma_semaphore, #tpu.memory_space<semaphore_mem>>
      %dma_start3A_79 = arith.constant 0 : i32
      %dma_start3A_80 = tpu.memref_slice %arg18[%arg1, %dma_start3A_79] : memref<16x10240xf32, #tpu.memory_space<vmem_shared>> -> memref<1x10240xf32, #tpu.memory_space<vmem_shared>>
      %dma_start3A_81 = tpu.memref_squeeze %dma_start3A_80 : memref<1x10240xf32, #tpu.memory_space<vmem_shared>> -> memref<10240xf32, #tpu.memory_space<vmem_shared>>
      %dma_start3A_82 = arith.constant 0 : i32
      %dma_start3A_83 = tpu.memref_slice %arg18[%arg1, %dma_start3A_82] : memref<16x10240xf32, #tpu.memory_space<vmem_shared>> -> memref<1x10240xf32, #tpu.memory_space<vmem_shared>>
      %dma_start3A_84 = tpu.memref_squeeze %dma_start3A_83 : memref<1x10240xf32, #tpu.memory_space<vmem_shared>> -> memref<10240xf32, #tpu.memory_space<vmem_shared>>
      tpu.enqueue_dma source(%arg7 : memref<10240xf32, #tpu.memory_space<vmem>>) target(%dma_start3A_84 : memref<10240xf32, #tpu.memory_space<vmem_shared>>) target_semaphore(%run_scoped3A : memref<!tpu.dma_semaphore, #tpu.memory_space<semaphore_mem>>)
      %dma_wait3A_85 = arith.constant 0 : i32
      %dma_wait3A_86 = tpu.memref_slice %arg18[%arg1, %dma_wait3A_85] : memref<16x10240xf32, #tpu.memory_space<vmem_shared>> -> memref<1x10240xf32, #tpu.memory_space<vmem_shared>>
      %dma_wait3A_87 = tpu.memref_squeeze %dma_wait3A_86 : memref<1x10240xf32, #tpu.memory_space<vmem_shared>> -> memref<10240xf32, #tpu.memory_space<vmem_shared>>
      %dma_wait3A_88 = arith.constant 0 : i32
      %dma_wait3A_89 = tpu.memref_slice %arg18[%arg1, %dma_wait3A_88] : memref<16x10240xf32, #tpu.memory_space<vmem_shared>> -> memref<1x10240xf32, #tpu.memory_space<vmem_shared>>
      %dma_wait3A_90 = tpu.memref_squeeze %dma_wait3A_89 : memref<1x10240xf32, #tpu.memory_space<vmem_shared>> -> memref<10240xf32, #tpu.memory_space<vmem_shared>>
      tpu.wait_dma2 semaphore(%run_scoped3A : memref<!tpu.dma_semaphore, #tpu.memory_space<semaphore_mem>>) src(%arg7 : memref<10240xf32, #tpu.memory_space<vmem>>) dst(%dma_wait3A_90 : memref<10240xf32, #tpu.memory_space<vmem_shared>>)
      tpu.yield
    }) : () -> ()
    %barrier3A_58 = arith.constant 0 : index
    tpu.barrier barrier_id(%barrier3A_58)
    "tpu.region"() ({
      %run_scoped3A = tpu.sem_alloc : memref<!tpu.dma_semaphore, #tpu.memory_space<semaphore_mem>>
      %dma_start3A_79 = arith.constant 0 : i32
      %dma_start3A_80 = tpu.memref_slice %arg18[%dma_start3A_79, %mul3A_2] : memref<16x10240xf32, #tpu.memory_space<vmem_shared>> -> memref<16x640xf32, #tpu.memory_space<vmem_shared>>
      %dma_start3A_81 = arith.constant 0 : i32
      %dma_start3A_82 = tpu.memref_slice %arg18[%dma_start3A_81, %mul3A_2] : memref<16x10240xf32, #tpu.memory_space<vmem_shared>> -> memref<16x640xf32, #tpu.memory_space<vmem_shared>>
      tpu.enqueue_dma source(%dma_start3A_82 : memref<16x640xf32, #tpu.memory_space<vmem_shared>>) target(%arg11 : memref<16x640xf32, #tpu.memory_space<vmem>>) target_semaphore(%run_scoped3A : memref<!tpu.dma_semaphore, #tpu.memory_space<semaphore_mem>>)
      %dma_wait3A_83 = arith.constant 0 : i32
      %dma_wait3A_84 = tpu.memref_slice %arg18[%dma_wait3A_83, %mul3A_2] : memref<16x10240xf32, #tpu.memory_space<vmem_shared>> -> memref<16x640xf32, #tpu.memory_space<vmem_shared>>
      %dma_wait3A_85 = arith.constant 0 : i32
      %dma_wait3A_86 = tpu.memref_slice %arg18[%dma_wait3A_85, %mul3A_2] : memref<16x10240xf32, #tpu.memory_space<vmem_shared>> -> memref<16x640xf32, #tpu.memory_space<vmem_shared>>
      tpu.wait_dma2 semaphore(%run_scoped3A : memref<!tpu.dma_semaphore, #tpu.memory_space<semaphore_mem>>) src(%dma_wait3A_86 : memref<16x640xf32, #tpu.memory_space<vmem_shared>>) dst(%arg11 : memref<16x640xf32, #tpu.memory_space<vmem>>)
      tpu.yield
    }) : () -> ()
    %parallel_loop3A_59 = arith.constant 0 : i32
    %parallel_loop3A_60 = arith.constant 40 : i32
    %parallel_loop3A_61 = arith.constant 1 : i32
    scf.for %parallel_loop3A_79 = %parallel_loop3A_59 to %parallel_loop3A_60 step %parallel_loop3A_61  : i32 {
      %parallel_loop3A_80 = arith.constant 16 : i32
      %parallel_loop3A_81 = arith.muli %parallel_loop3A_79, %parallel_loop3A_80 : i32
      %parallel_loop3A_82 = arith.constant 0 : i32
      %parallel_loop3A_83 = arith.index_cast %parallel_loop3A_82 : i32 to index
      %parallel_loop3A_84 = arith.index_cast %parallel_loop3A_81 : i32 to index
      %parallel_loop3A_85 = tpu.vector_load %arg11[%parallel_loop3A_83, %parallel_loop3A_84] {strides = array<i32>} : memref<16x640xf32, #tpu.memory_space<vmem>>, vector<16xf32>,
      %parallel_loop3A_86 = arith.constant 1 : i32
      %parallel_loop3A_87 = arith.index_cast %parallel_loop3A_86 : i32 to index
      %parallel_loop3A_88 = arith.index_cast %parallel_loop3A_81 : i32 to index
      %parallel_loop3A_89 = tpu.vector_load %arg11[%parallel_loop3A_87, %parallel_loop3A_88] {strides = array<i32>} : memref<16x640xf32, #tpu.memory_space<vmem>>, vector<16xf32>,
      %parallel_loop3A_90 = arith.addf %parallel_loop3A_85, %parallel_loop3A_89 : vector<16xf32>
      %parallel_loop3A_91 = arith.constant 2 : i32
      %parallel_loop3A_92 = arith.index_cast %parallel_loop3A_91 : i32 to index
      %parallel_loop3A_93 = arith.index_cast %parallel_loop3A_81 : i32 to index
      %parallel_loop3A_94 = tpu.vector_load %arg11[%parallel_loop3A_92, %parallel_loop3A_93] {strides = array<i32>} : memref<16x640xf32, #tpu.memory_space<vmem>>, vector<16xf32>,
      %parallel_loop3A_95 = arith.addf %parallel_loop3A_90, %parallel_loop3A_94 : vector<16xf32>
      %parallel_loop3A_96 = arith.constant 3 : i32
      %parallel_loop3A_97 = arith.index_cast %parallel_loop3A_96 : i32 to index
      %parallel_loop3A_98 = arith.index_cast %parallel_loop3A_81 : i32 to index
      %parallel_loop3A_99 = tpu.vector_load %arg11[%parallel_loop3A_97, %parallel_loop3A_98] {strides = array<i32>} : memref<16x640xf32, #tpu.memory_space<vmem>>, vector<16xf32>,
      %parallel_loop3A_100 = arith.addf %parallel_loop3A_95, %parallel_loop3A_99 : vector<16xf32>
      %parallel_loop3A_101 = arith.constant 4 : i32
      %parallel_loop3A_102 = arith.index_cast %parallel_loop3A_101 : i32 to index
      %parallel_loop3A_103 = arith.index_cast %parallel_loop3A_81 : i32 to index
      %parallel_loop3A_104 = tpu.vector_load %arg11[%parallel_loop3A_102, %parallel_loop3A_103] {strides = array<i32>} : memref<16x640xf32, #tpu.memory_space<vmem>>, vector<16xf32>,
      %parallel_loop3A_105 = arith.addf %parallel_loop3A_100, %parallel_loop3A_104 : vector<16xf32>
      %parallel_loop3A_106 = arith.constant 5 : i32
      %parallel_loop3A_107 = arith.index_cast %parallel_loop3A_106 : i32 to index
      %parallel_loop3A_108 = arith.index_cast %parallel_loop3A_81 : i32 to index
      %parallel_loop3A_109 = tpu.vector_load %arg11[%parallel_loop3A_107, %parallel_loop3A_108] {strides = array<i32>} : memref<16x640xf32, #tpu.memory_space<vmem>>, vector<16xf32>,
      %parallel_loop3A_110 = arith.addf %parallel_loop3A_105, %parallel_loop3A_109 : vector<16xf32>
      %parallel_loop3A_111 = arith.constant 6 : i32
      %parallel_loop3A_112 = arith.index_cast %parallel_loop3A_111 : i32 to index
      %parallel_loop3A_113 = arith.index_cast %parallel_loop3A_81 : i32 to index
      %parallel_loop3A_114 = tpu.vector_load %arg11[%parallel_loop3A_112, %parallel_loop3A_113] {strides = array<i32>} : memref<16x640xf32, #tpu.memory_space<vmem>>, vector<16xf32>,
      %parallel_loop3A_115 = arith.addf %parallel_loop3A_110, %parallel_loop3A_114 : vector<16xf32>
      %parallel_loop3A_116 = arith.constant 7 : i32
      %parallel_loop3A_117 = arith.index_cast %parallel_loop3A_116 : i32 to index
      %parallel_loop3A_118 = arith.index_cast %parallel_loop3A_81 : i32 to index
      %parallel_loop3A_119 = tpu.vector_load %arg11[%parallel_loop3A_117, %parallel_loop3A_118] {strides = array<i32>} : memref<16x640xf32, #tpu.memory_space<vmem>>, vector<16xf32>,
      %parallel_loop3A_120 = arith.addf %parallel_loop3A_115, %parallel_loop3A_119 : vector<16xf32>
      %parallel_loop3A_121 = arith.constant 8 : i32
      %parallel_loop3A_122 = arith.index_cast %parallel_loop3A_121 : i32 to index
      %parallel_loop3A_123 = arith.index_cast %parallel_loop3A_81 : i32 to index
      %parallel_loop3A_124 = tpu.vector_load %arg11[%parallel_loop3A_122, %parallel_loop3A_123] {strides = array<i32>} : memref<16x640xf32, #tpu.memory_space<vmem>>, vector<16xf32>,
      %parallel_loop3A_125 = arith.addf %parallel_loop3A_120, %parallel_loop3A_124 : vector<16xf32>
      %parallel_loop3A_126 = arith.constant 9 : i32
      %parallel_loop3A_127 = arith.index_cast %parallel_loop3A_126 : i32 to index
      %parallel_loop3A_128 = arith.index_cast %parallel_loop3A_81 : i32 to index
      %parallel_loop3A_129 = tpu.vector_load %arg11[%parallel_loop3A_127, %parallel_loop3A_128] {strides = array<i32>} : memref<16x640xf32, #tpu.memory_space<vmem>>, vector<16xf32>,
      %parallel_loop3A_130 = arith.addf %parallel_loop3A_125, %parallel_loop3A_129 : vector<16xf32>
      %parallel_loop3A_131 = arith.constant 10 : i32
      %parallel_loop3A_132 = arith.index_cast %parallel_loop3A_131 : i32 to index
      %parallel_loop3A_133 = arith.index_cast %parallel_loop3A_81 : i32 to index
      %parallel_loop3A_134 = tpu.vector_load %arg11[%parallel_loop3A_132, %parallel_loop3A_133] {strides = array<i32>} : memref<16x640xf32, #tpu.memory_space<vmem>>, vector<16xf32>,
      %parallel_loop3A_135 = arith.addf %parallel_loop3A_130, %parallel_loop3A_134 : vector<16xf32>
      %parallel_loop3A_136 = arith.constant 11 : i32
      %parallel_loop3A_137 = arith.index_cast %parallel_loop3A_136 : i32 to index
      %parallel_loop3A_138 = arith.index_cast %parallel_loop3A_81 : i32 to index
      %parallel_loop3A_139 = tpu.vector_load %arg11[%parallel_loop3A_137, %parallel_loop3A_138] {strides = array<i32>} : memref<16x640xf32, #tpu.memory_space<vmem>>, vector<16xf32>,
      %parallel_loop3A_140 = arith.addf %parallel_loop3A_135, %parallel_loop3A_139 : vector<16xf32>
      %parallel_loop3A_141 = arith.constant 12 : i32
      %parallel_loop3A_142 = arith.index_cast %parallel_loop3A_141 : i32 to index
      %parallel_loop3A_143 = arith.index_cast %parallel_loop3A_81 : i32 to index
      %parallel_loop3A_144 = tpu.vector_load %arg11[%parallel_loop3A_142, %parallel_loop3A_143] {strides = array<i32>} : memref<16x640xf32, #tpu.memory_space<vmem>>, vector<16xf32>,
      %parallel_loop3A_145 = arith.addf %parallel_loop3A_140, %parallel_loop3A_144 : vector<16xf32>
      %parallel_loop3A_146 = arith.constant 13 : i32
      %parallel_loop3A_147 = arith.index_cast %parallel_loop3A_146 : i32 to index
      %parallel_loop3A_148 = arith.index_cast %parallel_loop3A_81 : i32 to index
      %parallel_loop3A_149 = tpu.vector_load %arg11[%parallel_loop3A_147, %parallel_loop3A_148] {strides = array<i32>} : memref<16x640xf32, #tpu.memory_space<vmem>>, vector<16xf32>,
      %parallel_loop3A_150 = arith.addf %parallel_loop3A_145, %parallel_loop3A_149 : vector<16xf32>
      %parallel_loop3A_151 = arith.constant 14 : i32
      %parallel_loop3A_152 = arith.index_cast %parallel_loop3A_151 : i32 to index
      %parallel_loop3A_153 = arith.index_cast %parallel_loop3A_81 : i32 to index
      %parallel_loop3A_154 = tpu.vector_load %arg11[%parallel_loop3A_152, %parallel_loop3A_153] {strides = array<i32>} : memref<16x640xf32, #tpu.memory_space<vmem>>, vector<16xf32>,
      %parallel_loop3A_155 = arith.addf %parallel_loop3A_150, %parallel_loop3A_154 : vector<16xf32>
      %parallel_loop3A_156 = arith.constant 15 : i32
      %parallel_loop3A_157 = arith.index_cast %parallel_loop3A_156 : i32 to index
      %parallel_loop3A_158 = arith.index_cast %parallel_loop3A_81 : i32 to index
      %parallel_loop3A_159 = tpu.vector_load %arg11[%parallel_loop3A_157, %parallel_loop3A_158] {strides = array<i32>} : memref<16x640xf32, #tpu.memory_space<vmem>>, vector<16xf32>,
      %parallel_loop3A_160 = arith.addf %parallel_loop3A_155, %parallel_loop3A_159 : vector<16xf32>
      %parallel_loop3A_161 = arith.index_cast %parallel_loop3A_81 : i32 to index
      %parallel_loop3A_162 = tpu.vector_load %arg8[%parallel_loop3A_161] {strides = array<i32>} : memref<640xf32, #tpu.memory_space<vmem>>, vector<16xf32>,
      %parallel_loop3A_163 = arith.mulf %parallel_loop3A_160, %parallel_loop3A_162 : vector<16xf32>
      %parallel_loop3A_164 = arith.index_cast %parallel_loop3A_81 : i32 to index
      %parallel_loop3A_165 = tpu.vector_load %arg9[%parallel_loop3A_164] {strides = array<i32>} : memref<640xf32, #tpu.memory_space<vmem>>, vector<16xf32>,
      %parallel_loop3A_166 = arith.mulf %parallel_loop3A_163, %parallel_loop3A_165 : vector<16xf32>
      %parallel_loop3A_167 = arith.index_cast %parallel_loop3A_81 : i32 to index
      %parallel_loop3A_168 = tpu.vector_load %arg10[%parallel_loop3A_167] {strides = array<i32>} : memref<640xf32, #tpu.memory_space<vmem>>, vector<16xf32>,
      tpu.vector_store %arg10[%parallel_loop3A_167], %parallel_loop3A_166 {strides = array<i32>} : memref<640xf32, #tpu.memory_space<vmem>>, vector<16xf32>,
    } {sc.loop_unroll_factor = 2 : i64, sc.parallel_access}
    "tpu.region"() ({
      %run_scoped3A = tpu.sem_alloc : memref<!tpu.dma_semaphore, #tpu.memory_space<semaphore_mem>>
      %dma_start3A_79 = tpu.memref_slice %arg20[%mul3A_2] : memref<10240xf32, #tpu.memory_space<vmem_shared>> -> memref<640xf32, #tpu.memory_space<vmem_shared>>
      %dma_start3A_80 = tpu.memref_slice %arg20[%mul3A_2] : memref<10240xf32, #tpu.memory_space<vmem_shared>> -> memref<640xf32, #tpu.memory_space<vmem_shared>>
      tpu.enqueue_dma source(%arg10 : memref<640xf32, #tpu.memory_space<vmem>>) target(%dma_start3A_80 : memref<640xf32, #tpu.memory_space<vmem_shared>>) target_semaphore(%run_scoped3A : memref<!tpu.dma_semaphore, #tpu.memory_space<semaphore_mem>>)
      %dma_wait3A_81 = tpu.memref_slice %arg20[%mul3A_2] : memref<10240xf32, #tpu.memory_space<vmem_shared>> -> memref<640xf32, #tpu.memory_space<vmem_shared>>
      %dma_wait3A_82 = tpu.memref_slice %arg20[%mul3A_2] : memref<10240xf32, #tpu.memory_space<vmem_shared>> -> memref<640xf32, #tpu.memory_space<vmem_shared>>
      tpu.wait_dma2 semaphore(%run_scoped3A : memref<!tpu.dma_semaphore, #tpu.memory_space<semaphore_mem>>) src(%arg10 : memref<640xf32, #tpu.memory_space<vmem>>) dst(%dma_wait3A_82 : memref<640xf32, #tpu.memory_space<vmem_shared>>)
      tpu.yield
    }) : () -> ()
    %barrier3A_62 = arith.constant 0 : index
    tpu.barrier barrier_id(%barrier3A_62)
    tpu.enqueue_dma source(%arg20 : memref<10240xf32, #tpu.memory_space<vmem_shared>>) target(%arg6 : memref<10240xf32, #tpu.memory_space<vmem>>) target_semaphore(%arg16 : memref<!tpu.dma_semaphore, #tpu.memory_space<semaphore_mem>>)
    tpu.wait_dma2 semaphore(%arg17 : memref<!tpu.dma_semaphore, #tpu.memory_space<semaphore_mem>>) src(%arg21 : memref<10240xf32, #tpu.memory_space<vmem_shared>>) dst(%arg15 : memref<10240xf32, #tpu.memory_space<vmem>>)
    tpu.wait_dma2 semaphore(%arg16 : memref<!tpu.dma_semaphore, #tpu.memory_space<semaphore_mem>>) src(%arg20 : memref<10240xf32, #tpu.memory_space<vmem_shared>>) dst(%arg6 : memref<10240xf32, #tpu.memory_space<vmem>>)
    %parallel_loop3A_63 = arith.constant 0 : i32
    %parallel_loop3A_64 = arith.constant 625 : i32
    %parallel_loop3A_65 = arith.constant 5 : i32
    %parallel_loop3A_66:5 = scf.for %parallel_loop3A_79 = %parallel_loop3A_63 to %parallel_loop3A_64 step %parallel_loop3A_65 iter_args(%parallel_loop3A_80 = %broadcast_in_dim3A_7, %parallel_loop3A_81 = %broadcast_in_dim3A_7, %parallel_loop3A_82 = %broadcast_in_dim3A_7, %parallel_loop3A_83 = %broadcast_in_dim3A_7, %parallel_loop3A_84 = %broadcast_in_dim3A_7) -> (vector<16xf32>, vector<16xf32>, vector<16xf32>, vector<16xf32>, vector<16xf32>)  : i32 {
      %parallel_loop3A_85 = arith.constant 0 : i32
      %parallel_loop3A_86 = arith.addi %parallel_loop3A_79, %parallel_loop3A_85 : i32
      %parallel_loop3A_87 = arith.constant 16 : i32
      %parallel_loop3A_88 = arith.muli %parallel_loop3A_86, %parallel_loop3A_87 : i32
      %parallel_loop3A_89 = arith.index_cast %parallel_loop3A_88 : i32 to index
      %parallel_loop3A_90 = tpu.vector_load %arg4[%parallel_loop3A_89] {strides = array<i32>} : memref<10000xi32, #tpu.memory_space<vmem>>, vector<16xi32>,
      %parallel_loop3A_91 = tpu.vector_load_idx %arg6[%parallel_loop3A_90] : memref<10240xf32, #tpu.memory_space<vmem>>[vector<16xi32>], vector<16xf32>,
      %parallel_loop3A_92 = arith.index_cast %parallel_loop3A_88 : i32 to index
      %parallel_loop3A_93 = tpu.vector_load %arg5[%parallel_loop3A_92] {strides = array<i32>} : memref<10000xi32, #tpu.memory_space<vmem>>, vector<16xi32>,
      %parallel_loop3A_94 = tpu.vector_load_idx %arg15[%parallel_loop3A_93] : memref<10240xf32, #tpu.memory_space<vmem>>[vector<16xi32>], vector<16xf32>,
      %parallel_loop3A_95 = arith.mulf %parallel_loop3A_91, %parallel_loop3A_94 : vector<16xf32>
      %parallel_loop3A_96 = arith.addf %parallel_loop3A_80, %parallel_loop3A_95 : vector<16xf32>
      %parallel_loop3A_97 = arith.constant 1 : i32
      %parallel_loop3A_98 = arith.addi %parallel_loop3A_79, %parallel_loop3A_97 : i32
      %parallel_loop3A_99 = arith.constant 16 : i32
      %parallel_loop3A_100 = arith.muli %parallel_loop3A_98, %parallel_loop3A_99 : i32
      %parallel_loop3A_101 = arith.index_cast %parallel_loop3A_100 : i32 to index
      %parallel_loop3A_102 = tpu.vector_load %arg4[%parallel_loop3A_101] {strides = array<i32>} : memref<10000xi32, #tpu.memory_space<vmem>>, vector<16xi32>,
      %parallel_loop3A_103 = tpu.vector_load_idx %arg6[%parallel_loop3A_102] : memref<10240xf32, #tpu.memory_space<vmem>>[vector<16xi32>], vector<16xf32>,
      %parallel_loop3A_104 = arith.index_cast %parallel_loop3A_100 : i32 to index
      %parallel_loop3A_105 = tpu.vector_load %arg5[%parallel_loop3A_104] {strides = array<i32>} : memref<10000xi32, #tpu.memory_space<vmem>>, vector<16xi32>,
      %parallel_loop3A_106 = tpu.vector_load_idx %arg15[%parallel_loop3A_105] : memref<10240xf32, #tpu.memory_space<vmem>>[vector<16xi32>], vector<16xf32>,
      %parallel_loop3A_107 = arith.mulf %parallel_loop3A_103, %parallel_loop3A_106 : vector<16xf32>
      %parallel_loop3A_108 = arith.addf %parallel_loop3A_81, %parallel_loop3A_107 : vector<16xf32>
      %parallel_loop3A_109 = arith.constant 2 : i32
      %parallel_loop3A_110 = arith.addi %parallel_loop3A_79, %parallel_loop3A_109 : i32
      %parallel_loop3A_111 = arith.constant 16 : i32
      %parallel_loop3A_112 = arith.muli %parallel_loop3A_110, %parallel_loop3A_111 : i32
      %parallel_loop3A_113 = arith.index_cast %parallel_loop3A_112 : i32 to index
      %parallel_loop3A_114 = tpu.vector_load %arg4[%parallel_loop3A_113] {strides = array<i32>} : memref<10000xi32, #tpu.memory_space<vmem>>, vector<16xi32>,
      %parallel_loop3A_115 = tpu.vector_load_idx %arg6[%parallel_loop3A_114] : memref<10240xf32, #tpu.memory_space<vmem>>[vector<16xi32>], vector<16xf32>,
      %parallel_loop3A_116 = arith.index_cast %parallel_loop3A_112 : i32 to index
      %parallel_loop3A_117 = tpu.vector_load %arg5[%parallel_loop3A_116] {strides = array<i32>} : memref<10000xi32, #tpu.memory_space<vmem>>, vector<16xi32>,
      %parallel_loop3A_118 = tpu.vector_load_idx %arg15[%parallel_loop3A_117] : memref<10240xf32, #tpu.memory_space<vmem>>[vector<16xi32>], vector<16xf32>,
      %parallel_loop3A_119 = arith.mulf %parallel_loop3A_115, %parallel_loop3A_118 : vector<16xf32>
      %parallel_loop3A_120 = arith.addf %parallel_loop3A_82, %parallel_loop3A_119 : vector<16xf32>
      %parallel_loop3A_121 = arith.constant 3 : i32
      %parallel_loop3A_122 = arith.addi %parallel_loop3A_79, %parallel_loop3A_121 : i32
      %parallel_loop3A_123 = arith.constant 16 : i32
      %parallel_loop3A_124 = arith.muli %parallel_loop3A_122, %parallel_loop3A_123 : i32
      %parallel_loop3A_125 = arith.index_cast %parallel_loop3A_124 : i32 to index
      %parallel_loop3A_126 = tpu.vector_load %arg4[%parallel_loop3A_125] {strides = array<i32>} : memref<10000xi32, #tpu.memory_space<vmem>>, vector<16xi32>,
      %parallel_loop3A_127 = tpu.vector_load_idx %arg6[%parallel_loop3A_126] : memref<10240xf32, #tpu.memory_space<vmem>>[vector<16xi32>], vector<16xf32>,
      %parallel_loop3A_128 = arith.index_cast %parallel_loop3A_124 : i32 to index
      %parallel_loop3A_129 = tpu.vector_load %arg5[%parallel_loop3A_128] {strides = array<i32>} : memref<10000xi32, #tpu.memory_space<vmem>>, vector<16xi32>,
      %parallel_loop3A_130 = tpu.vector_load_idx %arg15[%parallel_loop3A_129] : memref<10240xf32, #tpu.memory_space<vmem>>[vector<16xi32>], vector<16xf32>,
      %parallel_loop3A_131 = arith.mulf %parallel_loop3A_127, %parallel_loop3A_130 : vector<16xf32>
      %parallel_loop3A_132 = arith.addf %parallel_loop3A_83, %parallel_loop3A_131 : vector<16xf32>
      %parallel_loop3A_133 = arith.constant 4 : i32
      %parallel_loop3A_134 = arith.addi %parallel_loop3A_79, %parallel_loop3A_133 : i32
      %parallel_loop3A_135 = arith.constant 16 : i32
      %parallel_loop3A_136 = arith.muli %parallel_loop3A_134, %parallel_loop3A_135 : i32
      %parallel_loop3A_137 = arith.index_cast %parallel_loop3A_136 : i32 to index
      %parallel_loop3A_138 = tpu.vector_load %arg4[%parallel_loop3A_137] {strides = array<i32>} : memref<10000xi32, #tpu.memory_space<vmem>>, vector<16xi32>,
      %parallel_loop3A_139 = tpu.vector_load_idx %arg6[%parallel_loop3A_138] : memref<10240xf32, #tpu.memory_space<vmem>>[vector<16xi32>], vector<16xf32>,
      %parallel_loop3A_140 = arith.index_cast %parallel_loop3A_136 : i32 to index
      %parallel_loop3A_141 = tpu.vector_load %arg5[%parallel_loop3A_140] {strides = array<i32>} : memref<10000xi32, #tpu.memory_space<vmem>>, vector<16xi32>,
      %parallel_loop3A_142 = tpu.vector_load_idx %arg15[%parallel_loop3A_141] : memref<10240xf32, #tpu.memory_space<vmem>>[vector<16xi32>], vector<16xf32>,
      %parallel_loop3A_143 = arith.mulf %parallel_loop3A_139, %parallel_loop3A_142 : vector<16xf32>
      %parallel_loop3A_144 = arith.addf %parallel_loop3A_84, %parallel_loop3A_143 : vector<16xf32>
      scf.yield %parallel_loop3A_96, %parallel_loop3A_108, %parallel_loop3A_120, %parallel_loop3A_132, %parallel_loop3A_144 : vector<16xf32>, vector<16xf32>, vector<16xf32>, vector<16xf32>, vector<16xf32>
    } {sc.loop_unroll_factor = 1 : i64, sc.parallel_access}
    %add3A_67 = arith.addf %parallel_loop3A_66#0, %parallel_loop3A_66#1 : vector<16xf32>
    %add3A_68 = arith.addf %add3A_67, %parallel_loop3A_66#2 : vector<16xf32>
    %add3A_69 = arith.addf %add3A_68, %parallel_loop3A_66#3 : vector<16xf32>
    %add3A_70 = arith.addf %add3A_69, %parallel_loop3A_66#4 : vector<16xf32>
    %swap3A = arith.constant 0 : index
    %swap3A_71 = tpu.vector_load %arg13[%swap3A] {strides = array<i32>} : memref<16xf32, #tpu.memory_space<vmem>>, vector<16xf32>,
    tpu.vector_store %arg13[%swap3A], %add3A_70 {strides = array<i32>} : memref<16xf32, #tpu.memory_space<vmem>>, vector<16xf32>,
    %mul3A_72 = arith.constant 16 : i32
    %mul3A_73 = arith.muli %arg1, %mul3A_72 : i32
    "tpu.region"() ({
      %run_scoped3A = tpu.sem_alloc : memref<!tpu.dma_semaphore, #tpu.memory_space<semaphore_mem>>
      %dma_start3A_79 = tpu.memref_slice %arg22[%mul3A_73] : memref<256xf32, #tpu.memory_space<vmem_shared>> -> memref<16xf32, #tpu.memory_space<vmem_shared>>
      %dma_start3A_80 = tpu.memref_slice %arg22[%mul3A_73] : memref<256xf32, #tpu.memory_space<vmem_shared>> -> memref<16xf32, #tpu.memory_space<vmem_shared>>
      tpu.enqueue_dma source(%arg13 : memref<16xf32, #tpu.memory_space<vmem>>) target(%dma_start3A_80 : memref<16xf32, #tpu.memory_space<vmem_shared>>) target_semaphore(%run_scoped3A : memref<!tpu.dma_semaphore, #tpu.memory_space<semaphore_mem>>)
      %dma_wait3A_81 = tpu.memref_slice %arg22[%mul3A_73] : memref<256xf32, #tpu.memory_space<vmem_shared>> -> memref<16xf32, #tpu.memory_space<vmem_shared>>
      %dma_wait3A_82 = tpu.memref_slice %arg22[%mul3A_73] : memref<256xf32, #tpu.memory_space<vmem_shared>> -> memref<16xf32, #tpu.memory_space<vmem_shared>>
      tpu.wait_dma2 semaphore(%run_scoped3A : memref<!tpu.dma_semaphore, #tpu.memory_space<semaphore_mem>>) src(%arg13 : memref<16xf32, #tpu.memory_space<vmem>>) dst(%dma_wait3A_82 : memref<16xf32, #tpu.memory_space<vmem_shared>>)
      tpu.yield
    }) : () -> ()
    %barrier3A_74 = arith.constant 0 : index
    tpu.barrier barrier_id(%barrier3A_74)
    %eq3A = arith.constant 0 : i32
    %eq3A_75 = arith.cmpi eq, %arg1, %eq3A : i32
    %eq3A_76 = arith.constant 0 : i32
    %eq3A_77 = arith.cmpi eq, %arg0, %eq3A_76 : i32
    %and3A = arith.andi %eq3A_75, %eq3A_77 : i1
    %convert_element_type3A = arith.extui %and3A : i1 to i32
    %cond3A = arith.constant 0 : i32
    %cond3A_78 = arith.cmpi ne, %convert_element_type3A, %cond3A : i32
    scf.if %cond3A_78 {
      "tpu.region"() ({
        %run_scoped3A = tpu.sem_alloc : memref<!tpu.dma_semaphore, #tpu.memory_space<semaphore_mem>>
        tpu.enqueue_dma source(%arg22 : memref<256xf32, #tpu.memory_space<vmem_shared>>) target(%arg14 : memref<256xf32, #tpu.memory_space<vmem>>) target_semaphore(%run_scoped3A : memref<!tpu.dma_semaphore, #tpu.memory_space<semaphore_mem>>)
        tpu.wait_dma2 semaphore(%run_scoped3A : memref<!tpu.dma_semaphore, #tpu.memory_space<semaphore_mem>>) src(%arg22 : memref<256xf32, #tpu.memory_space<vmem_shared>>) dst(%arg14 : memref<256xf32, #tpu.memory_space<vmem>>)
        tpu.yield
      }) : () -> ()
      %get3A = arith.constant 0 : index
      %get3A_79 = tpu.vector_load %arg14[%get3A] {strides = array<i32>} : memref<256xf32, #tpu.memory_space<vmem>>, vector<16xf32>,
      %add3A_80 = arith.addf %broadcast_in_dim3A_7, %get3A_79 : vector<16xf32>
      %get3A_81 = arith.constant 16 : index
      %get3A_82 = tpu.vector_load %arg14[%get3A_81] {strides = array<i32>} : memref<256xf32, #tpu.memory_space<vmem>>, vector<16xf32>,
      %add3A_83 = arith.addf %add3A_80, %get3A_82 : vector<16xf32>
      %get3A_84 = arith.constant 32 : index
      %get3A_85 = tpu.vector_load %arg14[%get3A_84] {strides = array<i32>} : memref<256xf32, #tpu.memory_space<vmem>>, vector<16xf32>,
      %add3A_86 = arith.addf %add3A_83, %get3A_85 : vector<16xf32>
      %get3A_87 = arith.constant 48 : index
      %get3A_88 = tpu.vector_load %arg14[%get3A_87] {strides = array<i32>} : memref<256xf32, #tpu.memory_space<vmem>>, vector<16xf32>,
      %add3A_89 = arith.addf %add3A_86, %get3A_88 : vector<16xf32>
      %get3A_90 = arith.constant 64 : index
      %get3A_91 = tpu.vector_load %arg14[%get3A_90] {strides = array<i32>} : memref<256xf32, #tpu.memory_space<vmem>>, vector<16xf32>,
      %add3A_92 = arith.addf %add3A_89, %get3A_91 : vector<16xf32>
      %get3A_93 = arith.constant 80 : index
      %get3A_94 = tpu.vector_load %arg14[%get3A_93] {strides = array<i32>} : memref<256xf32, #tpu.memory_space<vmem>>, vector<16xf32>,
      %add3A_95 = arith.addf %add3A_92, %get3A_94 : vector<16xf32>
      %get3A_96 = arith.constant 96 : index
      %get3A_97 = tpu.vector_load %arg14[%get3A_96] {strides = array<i32>} : memref<256xf32, #tpu.memory_space<vmem>>, vector<16xf32>,
      %add3A_98 = arith.addf %add3A_95, %get3A_97 : vector<16xf32>
      %get3A_99 = arith.constant 112 : index
      %get3A_100 = tpu.vector_load %arg14[%get3A_99] {strides = array<i32>} : memref<256xf32, #tpu.memory_space<vmem>>, vector<16xf32>,
      %add3A_101 = arith.addf %add3A_98, %get3A_100 : vector<16xf32>
      %get3A_102 = arith.constant 128 : index
      %get3A_103 = tpu.vector_load %arg14[%get3A_102] {strides = array<i32>} : memref<256xf32, #tpu.memory_space<vmem>>, vector<16xf32>,
      %add3A_104 = arith.addf %add3A_101, %get3A_103 : vector<16xf32>
      %get3A_105 = arith.constant 144 : index
      %get3A_106 = tpu.vector_load %arg14[%get3A_105] {strides = array<i32>} : memref<256xf32, #tpu.memory_space<vmem>>, vector<16xf32>,
      %add3A_107 = arith.addf %add3A_104, %get3A_106 : vector<16xf32>
      %get3A_108 = arith.constant 160 : index
      %get3A_109 = tpu.vector_load %arg14[%get3A_108] {strides = array<i32>} : memref<256xf32, #tpu.memory_space<vmem>>, vector<16xf32>,
      %add3A_110 = arith.addf %add3A_107, %get3A_109 : vector<16xf32>
      %get3A_111 = arith.constant 176 : index
      %get3A_112 = tpu.vector_load %arg14[%get3A_111] {strides = array<i32>} : memref<256xf32, #tpu.memory_space<vmem>>, vector<16xf32>,
      %add3A_113 = arith.addf %add3A_110, %get3A_112 : vector<16xf32>
      %get3A_114 = arith.constant 192 : index
      %get3A_115 = tpu.vector_load %arg14[%get3A_114] {strides = array<i32>} : memref<256xf32, #tpu.memory_space<vmem>>, vector<16xf32>,
      %add3A_116 = arith.addf %add3A_113, %get3A_115 : vector<16xf32>
      %get3A_117 = arith.constant 208 : index
      %get3A_118 = tpu.vector_load %arg14[%get3A_117] {strides = array<i32>} : memref<256xf32, #tpu.memory_space<vmem>>, vector<16xf32>,
      %add3A_119 = arith.addf %add3A_116, %get3A_118 : vector<16xf32>
      %get3A_120 = arith.constant 224 : index
      %get3A_121 = tpu.vector_load %arg14[%get3A_120] {strides = array<i32>} : memref<256xf32, #tpu.memory_space<vmem>>, vector<16xf32>,
      %add3A_122 = arith.addf %add3A_119, %get3A_121 : vector<16xf32>
      %get3A_123 = arith.constant 240 : index
      %get3A_124 = tpu.vector_load %arg14[%get3A_123] {strides = array<i32>} : memref<256xf32, #tpu.memory_space<vmem>>, vector<16xf32>,
      %add3A_125 = arith.addf %add3A_122, %get3A_124 : vector<16xf32>
      %reduce_sum3A = arith.constant true
      %reduce_sum3A_126 = vector.broadcast %reduce_sum3A : i1 to vector<16xi1>
      %reduce_sum3A_127 = tpu.scan <sum>, %add3A_125 masked %reduce_sum3A_126 : vector<16xf32>, vector<16xi1> -> vector<16xf32>
      %reduce_sum3A_128 = vector.extract %reduce_sum3A_127[15] : f32 from vector<16xf32>
      %broadcast_in_dim3A_129 = vector.broadcast %reduce_sum3A_128 : f32 to vector<16xf32>
      %swap3A_130 = arith.constant 0 : index
      %swap3A_131 = tpu.vector_load %arg13[%swap3A_130] {strides = array<i32>} : memref<16xf32, #tpu.memory_space<vmem>>, vector<16xf32>,
      tpu.vector_store %arg13[%swap3A_130], %broadcast_in_dim3A_129 {strides = array<i32>} : memref<16xf32, #tpu.memory_space<vmem>>, vector<16xf32>,
      "tpu.region"() ({
        %run_scoped3A = tpu.sem_alloc : memref<!tpu.dma_semaphore, #tpu.memory_space<semaphore_mem>>
        tpu.enqueue_dma source(%arg13 : memref<16xf32, #tpu.memory_space<vmem>>) target(%arg3 : memref<16xf32, #tpu.memory_space<hbm>>) target_semaphore(%run_scoped3A : memref<!tpu.dma_semaphore, #tpu.memory_space<semaphore_mem>>)
        tpu.wait_dma2 semaphore(%run_scoped3A : memref<!tpu.dma_semaphore, #tpu.memory_space<semaphore_mem>>) src(%arg13 : memref<16xf32, #tpu.memory_space<vmem>>) dst(%arg3 : memref<16xf32, #tpu.memory_space<hbm>>)
        tpu.yield
      }) : () -> ()
    } else {
    }
    return
  }
}

module attributes {stable_mosaic.version = 14 : i64} {
  func.func @_tc_chain_body(%arg0: memref<1x256xf32, #tpu.memory_space<vmem>>, %arg1: memref<256x256xf32, #tpu.memory_space<vmem>>, %arg2: memref<256x256xf32, #tpu.memory_space<vmem>>, %arg3: memref<256x1xf32, #tpu.memory_space<vmem>>, %arg4: memref<1x1xf32, #tpu.memory_space<vmem>>) attributes {dimension_semantics = [], scalar_prefetch = 0 : i64, scratch_operands = 0 : i64, tpu.core_type = #tpu.core_type<tc>} {
    %get3A = arith.constant 0 : index
    %get3A_0 = arith.constant 0 : index
    %get3A_1 = vector.load %arg0[%get3A, %get3A_0] : memref<1x256xf32, #tpu.memory_space<vmem>>, vector<1x256xf32>
    %max3A = arith.constant 0.000000e+00 : f32
    %max3A_2 = vector.broadcast %max3A : f32 to vector<1x256xf32>
    %max3A_3 = arith.maximumf %get3A_1, %max3A_2 : vector<1x256xf32>
    %get3A_4 = arith.constant 0 : index
    %get3A_5 = arith.constant 0 : index
    %get3A_6 = vector.load %arg1[%get3A_4, %get3A_5] : memref<256x256xf32, #tpu.memory_space<vmem>>, vector<256x256xf32>
    %dot_general3A = arith.constant dense<0.000000e+00> : vector<1x256xf32>
    %dot_general3A_7 = tpu.matmul %max3A_3, %get3A_6, %dot_general3A {dimension_numbers = #tpu.dot_dimension_numbers<[1], [0], [0], [1], [0, 0, 1, 1], [], []>, precision = #tpu.contract_precision<fp32>, transpose_lhs_hint = false} : vector<1x256xf32>, vector<256x256xf32>, vector<1x256xf32> -> vector<1x256xf32>
    %max3A_8 = arith.constant 0.000000e+00 : f32
    %max3A_9 = vector.broadcast %max3A_8 : f32 to vector<1x256xf32>
    %max3A_10 = arith.maximumf %dot_general3A_7, %max3A_9 : vector<1x256xf32>
    %get3A_11 = arith.constant 0 : index
    %get3A_12 = arith.constant 0 : index
    %get3A_13 = vector.load %arg2[%get3A_11, %get3A_12] : memref<256x256xf32, #tpu.memory_space<vmem>>, vector<256x256xf32>
    %dot_general3A_14 = arith.constant dense<0.000000e+00> : vector<1x256xf32>
    %dot_general3A_15 = tpu.matmul %max3A_10, %get3A_13, %dot_general3A_14 {dimension_numbers = #tpu.dot_dimension_numbers<[1], [0], [0], [1], [0, 0, 1, 1], [], []>, precision = #tpu.contract_precision<fp32>, transpose_lhs_hint = false} : vector<1x256xf32>, vector<256x256xf32>, vector<1x256xf32> -> vector<1x256xf32>
    %max3A_16 = arith.constant 0.000000e+00 : f32
    %max3A_17 = vector.broadcast %max3A_16 : f32 to vector<1x256xf32>
    %max3A_18 = arith.maximumf %dot_general3A_15, %max3A_17 : vector<1x256xf32>
    %get3A_19 = arith.constant 0 : index
    %get3A_20 = arith.constant 0 : index
    %get3A_21 = vector.load %arg3[%get3A_19, %get3A_20] : memref<256x1xf32, #tpu.memory_space<vmem>>, vector<256x1xf32>
    %dot_general3A_22 = arith.constant dense<0.000000e+00> : vector<1x1xf32>
    %dot_general3A_23 = tpu.matmul %max3A_18, %get3A_21, %dot_general3A_22 {dimension_numbers = #tpu.dot_dimension_numbers<[1], [0], [0], [1], [0, 0, 1, 1], [], []>, precision = #tpu.contract_precision<fp32>, transpose_lhs_hint = false} : vector<1x256xf32>, vector<256x1xf32>, vector<1x1xf32> -> vector<1x1xf32>
    %swap3A = arith.constant 0 : index
    %swap3A_24 = arith.constant 0 : index
    %swap3A_25 = vector.load %arg4[%swap3A, %swap3A_24] : memref<1x1xf32, #tpu.memory_space<vmem>>, vector<1x1xf32>
    tpu.vector_store %arg4[%swap3A, %swap3A_24], %dot_general3A_23 {strides = array<i32>} : memref<1x1xf32, #tpu.memory_space<vmem>>, vector<1x1xf32>,
    return
  }
}

module attributes {stable_mosaic.version = 14 : i64} {
  func.func @_tc_combine_body(%arg0: memref<1x16xf32, #tpu.memory_space<vmem>>, %arg1: memref<1x1xf32, #tpu.memory_space<vmem>>, %arg2: memref<1x1xf32, #tpu.memory_space<vmem>>, %arg3: memref<1x1xi32, #tpu.memory_space<vmem>>, %arg4: memref<1x1xf32, #tpu.memory_space<vmem>>) attributes {dimension_semantics = [], scalar_prefetch = 0 : i64, scratch_operands = 0 : i64, tpu.core_type = #tpu.core_type<tc>} {
    %get3A = arith.constant 0 : index
    %get3A_0 = arith.constant 0 : index
    %get3A_1 = vector.load %arg0[%get3A, %get3A_0] : memref<1x16xf32, #tpu.memory_space<vmem>>, vector<1x1xf32>
    %get3A_2 = arith.constant 0 : index
    %get3A_3 = arith.constant 0 : index
    %get3A_4 = vector.load %arg3[%get3A_2, %get3A_3] : memref<1x1xi32, #tpu.memory_space<vmem>>, vector<1x1xi32>
    %get3A_5 = vector.shape_cast %get3A_4 : vector<1x1xi32> to vector<1x1xi32>
    %convert_element_type3A = arith.sitofp %get3A_5 : vector<1x1xi32> to vector<1x1xf32>
    %div3A = arith.divf %get3A_1, %convert_element_type3A : vector<1x1xf32>
    %get3A_6 = arith.constant 0 : index
    %get3A_7 = arith.constant 0 : index
    %get3A_8 = vector.load %arg1[%get3A_6, %get3A_7] : memref<1x1xf32, #tpu.memory_space<vmem>>, vector<1x1xf32>
    %mul3A = arith.mulf %div3A, %get3A_8 : vector<1x1xf32>
    %get3A_9 = arith.constant 0 : index
    %get3A_10 = arith.constant 0 : index
    %get3A_11 = vector.load %arg2[%get3A_9, %get3A_10] : memref<1x1xf32, #tpu.memory_space<vmem>>, vector<1x1xf32>
    %add3A = arith.addf %mul3A, %get3A_11 : vector<1x1xf32>
    %neg3A = arith.constant 0.000000e+00 : f32
    %neg3A_12 = vector.broadcast %neg3A : f32 to vector<1x1xf32>
    %neg3A_13 = arith.subf %neg3A_12, %add3A : vector<1x1xf32>
    %exp3A = math.exp %neg3A_13 : vector<1x1xf32>
    %add3A_14 = arith.constant 1.000000e+00 : f32
    %add3A_15 = vector.broadcast %add3A_14 : f32 to vector<1x1xf32>
    %add3A_16 = arith.addf %add3A_15, %exp3A : vector<1x1xf32>
    %div3A_17 = arith.constant 1.000000e+00 : f32
    %div3A_18 = vector.broadcast %div3A_17 : f32 to vector<1x1xf32>
    %div3A_19 = arith.divf %div3A_18, %add3A_16 : vector<1x1xf32>
    %swap3A = arith.constant 0 : index
    %swap3A_20 = arith.constant 0 : index
    %swap3A_21 = vector.load %arg4[%swap3A, %swap3A_20] : memref<1x1xf32, #tpu.memory_space<vmem>>, vector<1x1xf32>
    tpu.vector_store %arg4[%swap3A, %swap3A_20], %div3A_19 {strides = array<i32>} : memref<1x1xf32, #tpu.memory_space<vmem>>, vector<1x1xf32>,
    return
  }
}

</mosaic_0001>

<sc_bundles>
// kernel: kernel.5.cloned.1.call-start
scs
__scs_entry_jumppad:
0x0: {  	(pc) =	sbr.rel $0x88, $3  }
0x1: {  	(tag) =	ssettag $0x0;
	lr =	simm.s32 $0x1  }
0x2: {  	[smem:$0x3F9A] =	sst lr;
	_ =	strace $0xD0000000  }
0x3: {  	_ = 	snop  }
0x4: {  	_ = 	snop  }
0x5: {  	_ = 	snop  }
0x6: {  	_ = 	snop  }
0x7: {  	_ = 	snop  }
__scs_overlays_trampoline_lowered:
0x8: {  	[smem:$0x3FA9] =	sst s0  }
0x9: {  	[smem:$0x3FAA] =	sst s1  }
0xa: {  	[smem:$0x3FAB] =	sst s2  }
0xb: {  	[smem:$0x3FAC] =	sst s3  }
0xc: {  	[smem:$0x3FAD] =	sst s4  }
0xd: {  	[smem:$0x3FAE] =	sst s5  }
0xe: {  	[smem:$0x3FAF] =	sst s6  }
0xf: {  	[smem:$0x3FB0] =	sst s7  }
0x10: {  	[smem:$0x3FB1] =	sst s8  }
0x11: {  	[smem:$0x3FB2] =	sst s9;
	s0 =	simm.s32 @!p0 $0x0  }
0x12: {  	s1 =	sld [smem:$0x3F98];
	s0 =	simm.s32 @p0 $0x1  }
0x13: {  	[smem:$0x3FB3] =	sst s0;
	s0 =	simm.s32 @!p1 $0x0  }
0x14: {  	s2 =	sld [smem:$0x3F97];
	s0 =	simm.s32 @p1 $0x1  }
0x15: {  	[smem:$0x3FB4] =	sst s0;
	s0 =	simm.s32 @!p2 $0x0  }
0x16: {  	s3 =	sld [smem:$0x3FDB];
	s0 =	simm.s32 @p2 $0x1  }
0x17: {  	s4 =	simm.s32 $0x1BF5;
	[smem:$0x3FB6] =	sst s0  }
0x18: {  	s0 =	sld [smem:$0x3F99];
	_ =	swait.ge [sflag:s4], $0x0  }
0x19: {  	s7 =	sld [smem:$0x3F9A]  }
0x1a: {  	s8 =	sadd.s32 $0xFFFFE003, lr  }
0x1b: {  	s9 =	sadd.s32 $0xFFFFFEF7, lr;
	s5 =	simm.s32 $0xFFFFFFFF;
	p2 =	slt.u32 s8, $0xFFFFF086  }
0x1c: {  	p1 =	slt.u32 s9, $0xF7A;
	s5 =	simm.s32 @!p2 $0x0  }
0x1d: {  	s5 =	simm.s32 @p1 $0x1;
	p0 =	seq.s32 s7, s2  }
0x1e: {  	s7 =	smul.u32 @!p0 $0xF7A, s2;
	p2 =	seq.s32 @!p0 s5, $0x0  }
0x1f: {  	s9 =	smul.u32 $0xF7A, s1;
	s8 =	simm.s32 @!p0 $0x1BF5;
	p2 =	por !p2, p0  }
0x20: {  	[sflag:s8] =	ssyncset.s32 @!p0 $0xFFFFF086;
	s6 =	sadd.s32 @!p0 s3, s7;
	s7 =	simm.s32 @!p0 $0x108  }
0x21: {  	s3 =	sadd.s32 s3, s9;
	s6 =	sadd.s32 @!p0 $0x88, s6;
	s7 =	simm.s32 @p2 $0x1082  }
0x22: {  	[simem:s7], [sflag:s8] =	dma.local @!p0 [hbm:s6], $0xF7A  }
0x23: {  	s9 =	sor.u32 $0xD0000000, s2;
	s6 =	simm.s32 $0x108;
	_ =	swait.ge @!p0 [sflag:s8], $0x0  }
0x24: {  	s3 =	sadd.s32 $0x88, s3;
	s6 =	simm.s32 @!p1 $0x1082;
	[sflag:s4] =	ssyncset.s32 $0xFFFFF086  }
0x25: {  	[simem:s6], [sflag:s4] =	dma.local [hbm:s3], $0xF7A  }
0x26: {  	[smem:$0x3F9A] =	sst s1;
	(tag) =	ssettag s2;
	_ =	strace s9  }
0x27: {  	s1 =	sld [smem:$0x3FAA]  }
0x28: {  	s2 =	sld [smem:$0x3FAB]  }
0x29: {  	s4 =	sld [smem:$0x3FAD]  }
0x2a: {  	p0 =	seq.s32 s5, $0x0;
	s5 =	sld [smem:$0x3FAE]  }
0x2b: {  	s6 =	sld [smem:$0x3FAF]  }
0x2c: {  	s7 =	sld [smem:$0x3FB0]  }
0x2d: {  	s3 =	simm.s32 $0x108;
	s8 =	sld [smem:$0x3FB1]  }
0x2e: {  	s3 =	simm.s32 @!p0 $0x1082;
	s9 =	sld [smem:$0x3FB2]  }
0x2f: {  	lr =	sadd.s32 s0, s3;
	s0 =	sld [smem:$0x3FA9]  }
0x30: {  	s3 =	sld [smem:$0x3FAC]  }
0x31: {  	[smem:$0x3FB5] =	sst s10  }
0x32: {  	s10 =	sld [smem:$0x3FB3];
	_ =	sdelay $0x3  }
0x33: {  	p0 =	seq.s32 s10, $0x1;
	s10 =	sld [smem:$0x3FB5];
	_ =	sdelay $0x3  }
0x34: {  	[smem:$0x3FB5] =	sst s10  }
0x35: {  	s10 =	sld [smem:$0x3FB4];
	_ =	sdelay $0x3  }
0x36: {  	p1 =	seq.s32 s10, $0x1;
	s10 =	sld [smem:$0x3FB5];
	_ =	sdelay $0x3  }
0x37: {  	[smem:$0x3FB5] =	sst s10  }
0x38: {  	s10 =	sld [smem:$0x3FB6]  }
0x39: {  	_ = 	snop;
	(pc) =	sbr.ind lr, $3  }
0x3a: {  	_ = 	snop  }
0x3b: {  	_ = 	snop  }
0x3c: {  	p2 =	seq.s32 s10, $0x1;
	s10 =	sld [smem:$0x3FB5]  }
0x3d: {  	_ =	shalt  }
0x3e: {  	_ =	shalt  }
0x3f: {  	_ =	shalt  }
0x40: {  	_ =	shalt  }
0x41: {  	_ =	shalt  }
0x42: {  	_ =	shalt  }
0x43: {  	_ =	shalt  }
0x44: {  	_ =	shalt  }
0x45: {  	_ =	shalt  }
0x46: {  	_ =	shalt  }
0x47: {  	_ =	shalt  }
0x48: {  	_ =	shalt  }
0x49: {  	_ =	shalt  }
0x4a: {  	_ =	shalt  }
0x4b: {  	_ =	shalt  }
0x4c: {  	_ =	shalt  }
0x4d: {  	_ =	shalt  }
0x4e: {  	_ =	shalt  }
0x4f: {  	_ =	shalt  }
0x50: {  	_ =	shalt  }
0x51: {  	_ =	shalt  }
0x52: {  	_ =	shalt  }
0x53: {  	_ =	shalt  }
0x54: {  	_ =	shalt  }
0x55: {  	_ =	shalt  }
0x56: {  	_ =	shalt  }
0x57: {  	_ =	shalt  }
0x58: {  	_ =	shalt  }
0x59: {  	_ =	shalt  }
0x5a: {  	_ =	shalt  }
0x5b: {  	_ =	shalt  }
0x5c: {  	_ =	shalt  }
0x5d: {  	_ =	shalt  }
0x5e: {  	_ =	shalt  }
0x5f: {  	_ =	shalt  }
0x60: {  	_ =	shalt  }
0x61: {  	_ =	shalt  }
0x62: {  	_ =	shalt  }
0x63: {  	_ =	shalt  }
0x64: {  	_ =	shalt  }
0x65: {  	_ =	shalt  }
0x66: {  	_ =	shalt  }
0x67: {  	_ =	shalt  }
0x68: {  	_ =	shalt  }
0x69: {  	_ =	shalt  }
0x6a: {  	_ =	shalt  }
0x6b: {  	_ =	shalt  }
0x6c: {  	_ =	shalt  }
0x6d: {  	_ =	shalt  }
0x6e: {  	_ =	shalt  }
0x6f: {  	_ =	shalt  }
0x70: {  	_ =	shalt  }
0x71: {  	_ =	shalt  }
0x72: {  	_ =	shalt  }
0x73: {  	_ =	shalt  }
0x74: {  	_ =	shalt  }
0x75: {  	_ =	shalt  }
0x76: {  	_ =	shalt  }
0x77: {  	_ =	shalt  }
0x78: {  	_ =	shalt  }
0x79: {  	_ =	shalt  }
0x7a: {  	_ =	shalt  }
0x7b: {  	_ =	shalt  }
0x7c: {  	_ =	shalt  }
0x7d: {  	_ =	shalt  }
0x7e: {  	_ =	shalt  }
0x7f: {  	_ =	shalt  }
0x80: {  	_ =	shalt  }
0x81: {  	_ =	shalt  }
0x82: {  	_ =	shalt  }
0x83: {  	_ =	shalt  }
0x84: {  	_ =	shalt  }
0x85: {  	_ =	shalt  }
0x86: {  	_ =	shalt  }
0x87: {  	_ =	shalt  }
.Lfunc_end0:
.L_simem_size_0:
called_computation_lowered:
.L_overlay_start_0:
0x88: {  	s0 =	sld [smem:$0x3FD9]  }
0x89: {  	s1 =	sld [smem:$0x3FFE];
	_ =	sdelay $0x3  }
0x8a: {  	s0 =	sadd.s32 s1, s0  }
0x8b: {  	[smem:$0x3FC1] =	sst s0  }
0x8c: {  	_ = 	snop  }
0x8d: {  	s0 =	sld [smem:$0x3FD0];
	(tm) =	ssettm $0x1  }
0x8e: {  	s16 =	sld [smem:$0x3FFB];
	_ =	sdelay $0x3  }
0x8f: {  	_ =	strace s16  }
0x90: {  	s1 =	sld [smem:$0x3FFC];
	_ =	sdelay $0x3  }
0x91: {  	_ =	strace s1  }
0x92: {  	s1 =	sld [smem:$0x3FFD];
	_ =	sdelay $0x3  }
0x93: {  	_ =	strace s1  }
0x94: {  	_ =	strace $0x8FFFFFFF  }
0x95: {  	s17 =	sld [smem:$0x3FDB];
	_ =	sdelay $0x1  }
0x96: {  	s2 =	simm.s32 $_scs_section_size  }
0x97: {  	s3 =	simm.s32 $_size__tile_overlayer_lowered;
	s4 =	simm.s32 $_tile_overlayer_lowered  }
0x98: {  	s20 =	simm.s32 $0x1BFF;
	s19 =	sshll.u32 s4, $0x1;
	s1 =	sadd.s32 s2, s17  }
0x99: {  	s5 =	simm.s32 $0x0;
	s18 =	sshll.u32 s3, $0x1;
	s3 =	sadd.s32 s19, s1  }
0x9a: {  	[timem:s5], [sflag:s20] =	dma.local [hbm:s3], s18  }
0x9b: {  	_ =	swait.ge [sflag:s20], s18  }
0x9c: {  	s2 =	ssub.s32 $0x0, s18;
	[sflag:s20] =	ssyncset.done $0x0  }
0x9d: {  	[sflag:s20] =	ssyncadd.s32 s2;
	_ =	sdelay $0x1  }
0x9e: {  	s21 =	simm.s32 $0x1B8B  }
0x9f: {  	_ =	swait.ge [sflag:s21], $0x1  }
0xa0: {  	[sflag:s21] =	ssyncset.done $0x0  }
0xa1: {  	s23 =	simm.s32 $0x1B8E;
	s22 =	sld [smem:$0x3FFE];
	[sflag:s21] =	ssyncadd.s32 $0xFFFFFFFF  }
0xa2: {  	s24 =	simm.s32 $execute0_lowered;
	[smem:$0x3FD2] =	sst s23  }
0xa3: {  	s3 =	sshll.u32 s24, $0x1;
	_ =	strace $0x80000046;
	[dreg:$0x1] =	wrdreg $0xFFFFFFFF  }
0xa4: {  	s25 =	simm.s32 $_size_execute0_lowered;
	s1 =	sadd.s32 s1, s3;
	[dreg:$0x0] =	wrdreg $0x0  }
0xa5: {  	s3 =	sshll.u32 s25, $0x1;
	[dreg:$0x2] =	wrdreg s1  }
0xa6: {  	[dreg:$0x3] =	wrdreg s3  }
0xa7: {  	[dreg:$0x4] =	wrdreg $0xC0  }
0xa8: {  	_ =	task [dreg:s5], $0x5FFFF  }
0xa9: {  	[dreg:$0x1] =	wrdreg $0xFFFFFFFF  }
0xaa: {  	[dreg:$0x0] =	wrdreg $0x60  }
0xab: {  	[dreg:$0x2] =	wrdreg s22  }
0xac: {  	[dreg:$0x3] =	wrdreg s0  }
0xad: {  	[dreg:$0x4] =	wrdreg $0x120000  }
0xae: {  	[dreg:$0x5] =	wrdreg $0x148000  }
0xaf: {  	[dreg:$0x6] =	wrdreg $0x170000  }
0xb0: {  	[dreg:$0x7] =	wrdreg $0x172800  }
0xb1: {  	[dreg:$0x8] =	wrdreg $0x175000  }
0xb2: {  	[dreg:$0x9] =	wrdreg $0x9  }
0xb3: {  	_ =	task.clear_ibuf [dreg:s5], $0xAFFFF;
	_ =	strace $0x90000046  }
0xb4: {  	s26 =	simm.s32 $0x9;
	_ =	strace $0x80000048  }
0xb5: {  	_ =	swait.ge [sflag:s26], $0x1  }
0xb6: {  	[sflag:s26] =	ssyncadd.s32 $0xFFFFFFFF  }
0xb7: {  	_ =	strace $0x90000048  }
0xb8: {  	_ =	sfence  }
0xb9: {  	s28 =	sld [smem:$0x0];
	_ =	sdelay $0x1  }
0xba: {  	s29 =	srdreg.scid  }
0xbb: {  	s30 =	sshll.u32 s29, $0xD;
	s31 =	sshrl.u32 s29, $0x2  }
0xbc: {  	s2 =	sand.u32 $0x4000, s30;
	s1 =	sand.u32 $0x1, s29;
	s0 =	sadd.s32 s31, s28  }
0xbd: {  	s1 =	sor.u32 s2, s1;
	s0 =	sshll.u32 s0, $0x11  }
0xbe: {  	s0 =	sor.u32 s0, s1  }
0xbf: {  	s0 =	sadd.s32 $0x8F2B, s0  }
0xc0: {  	[sflag:s0] =	ssyncadd.remote.s32 $0x1  }
0xc1: {  	_ =	sfence.sel $0xFFFF  }
0xc2: {  	[dreg:$0x0] =	wrdreg $0xFFFFFFFF;
	(pc) =	sbr.abs _section_cstart, $3  }
0xc3: {  	[dreg:$0x1] =	wrdreg $0xFFFFFFFF  }
0xc4: {  	_ =	task.clear_ibuf [dreg:s5], $0x2FFFF;
	_ =	strace $0x9FFFFFFF  }
0xc5: {  	(tm) =	ssettm $0x7FFFFFFF  }
tec
execute0_lowered:
.L_overlay_start_1:
0x0: {  	(tag) =	ssettag $0x1  }
0x1: {  	s5 =	stileid.u32  }
0x2: {  	s1 =	smul.u32 $0x2710, s5  }
0x3: {  	s0 =	rddreg [dreg:$0x0]  }
0x4: {  	s6 =	rddreg [dreg:$0x2];
	s2 =	simm.s32 $0x0;
	s1 =	sshrl.u32 s1, $0x3  }
0x5: {  	[smem:$0x7FF] =	sst s2;
	s0 =	sadd.s32 s1, s0  }
0x6: {  	s8 =	rddreg [dreg:$0x3];
	_ =	strace $0x80000047;
	s1 =	sadd.s32 $0xE00, s0  }
0x7: {  	[tilespmem:s2], [sflag:$0x1] =	stream.linear.gather [hbm4b:s1+s2], $0x2710, $0x38;
	[tilespmem:$0x17510] =	vst v63  }
0x8: {  	s31 =	simm.s32 $0x2780;
	s0 =	sadd.s32 $0x5C20, s0  }
0x9: {  	[tilespmem:s31], [sflag:$0x2] =	stream.linear.gather [hbm4b:s0+s2], $0x2710, $0x38;
	[tilespmem:$0x17510] =	vst v63  }
0xa: {  	v0 =	vimm.f32 $0.0e+00;
	s0 =	simm.s32 $0x7740  }
0xb: {  	[tilespmem:s0+$0x30] =	vst v0  }
0xc: {  	[tilespmem:s0+$0xFFFFFFF0] =	vst v0  }
0xd: {  	[tilespmem:s0+$0xFFFFFFC0] =	vst v0  }
0xe: {  	[tilespmem:s0+$0xFFFFFFE0] =	vst v0  }
0xf: {  	[tilespmem:s0+$0x10] =	vst v0  }
0x10: {  	[tilespmem:s0+$0x20] =	vst v0  }
0x11: {  	[tilespmem:s0+$0x0] =	vst v0  }
0x12: {  	s1 =	simm.s32 $0x4F40;
	[tilespmem:s0+$0xFFFFFFD0] =	vst v0  }
0x13: {  	[tilespmem:s1+$0xFFFFFFC0] =	vst v0  }
0x14: {  	[tilespmem:s1+$0x30] =	vst v0  }
0x15: {  	[tilespmem:s1+$0x20] =	vst v0  }
0x16: {  	[tilespmem:s1+$0x10] =	vst v0  }
0x17: {  	[tilespmem:s1+$0xFFFFFFE0] =	vst v0  }
0x18: {  	[tilespmem:s1+$0x0] =	vst v0  }
0x19: {  	s2 =	simm.s32 $0x0;
	[tilespmem:s1+$0xFFFFFFF0] =	vst v0  }
.LBB2_1:
0x1a: {  	s2 =	sadd.s32 $0x8, s2;
	[tilespmem:s1+$0xFFFFFFD0] =	vst v0;
	s0 =	sadd.s32 $0x80, s0;
	s1 =	sadd.s32 $0x80, s1  }
0x1b: {  	[tilespmem:s0+$0x30] =	vst v0;
	p0 =	slt.u32 s2, $0x278  }
0x1c: {  	[tilespmem:s0+$0xFFFFFFF0] =	vst v0  }
0x1d: {  	[tilespmem:s0+$0xFFFFFFC0] =	vst v0  }
0x1e: {  	[tilespmem:s1+$0xFFFFFFC0] =	vst v0  }
0x1f: {  	[tilespmem:s1+$0x30] =	vst v0  }
0x20: {  	[tilespmem:s0+$0xFFFFFFE0] =	vst v0  }
0x21: {  	[tilespmem:s0+$0x10] =	vst v0  }
0x22: {  	[tilespmem:s0+$0x20] =	vst v0  }
0x23: {  	[tilespmem:s1+$0x20] =	vst v0  }
0x24: {  	[tilespmem:s1+$0x10] =	vst v0  }
.Ltmp0:
0x25: {  	[tilespmem:s1+$0xFFFFFFE0] =	vst v0;
	(pc) =	sbr.rel @p0 .LBB2_1-.Ltmp0, $4  }
0x26: {  	[tilespmem:s0+$0x0] =	vst v0  }
0x27: {  	[tilespmem:s1+$0x0] =	vst v0  }
0x28: {  	[tilespmem:s1+$0xFFFFFFF0] =	vst v0  }
0x29: {  	[tilespmem:s0+$0xFFFFFFD0] =	vst v0  }
0x2a: {  	[tilespmem:s1+$0xFFFFFFD0] =	vst v0;
	s0 =	simm.s32 $0x1  }
0x2b: {  	_ =	swait.ge [sflag:s0], $0x2710  }
0x2c: {  	[sflag:s0] =	ssyncset.done $0x0  }
0x2d: {  	s30 =	simm.s32 $0x2;
	[sflag:s0] =	ssyncadd.s32 $0xFFFFD8F0  }
0x2e: {  	_ =	swait.ge [sflag:s30], $0x2710  }
0x2f: {  	[sflag:s30] =	ssyncset.done $0x0  }
0x30: {  	s31 =	simm.s32 $0x27A0;
	[sflag:s30] =	ssyncadd.s32 $0xFFFFD8F0  }
0x31: {  	v1 =	vld [tilespmem:s31+$0x20]  }
0x32: {  	v2 =	vld [tilespmem:s31+$0xFFFFFFF0];
	_ =	sdelay $0x1  }
0x33: {  	v3 =	vld [tilespmem:s31+$0x0]  }
0x34: {  	v4 =	vld [tilespmem:s31+$0xFFFFFFE0]  }
0x35: {  	v5 =	vld [tilespmem:s31+$0x10];
	_ =	sdelay $0x1  }
0x36: {  	v0 =	vimm.f32 $1.000000000e+00;
	s1 =	simm.s32 $0x7700  }
0x37: {  	[tilespmem:v1+s1+$0x0] =	vst.idx.add.f32.msk $0xffff, v0  }
0x38: {  	s2 =	simm.s32 $0x20;
	[tilespmem:v2+s1+$0x0] =	vst.idx.add.f32.msk $0xffff, v0  }
0x39: {  	v6 =	vld [tilespmem:s2+$0x20]  }
0x3a: {  	[tilespmem:v3+s1+$0x0] =	vst.idx.add.f32.msk $0xffff, v0  }
0x3b: {  	[tilespmem:v4+s1+$0x0] =	vst.idx.add.f32.msk $0xffff, v0  }
0x3c: {  	[tilespmem:v5+s1+$0x0] =	vst.idx.add.f32.msk $0xffff, v0  }
0x3d: {  	v3 =	vld [tilespmem:s2+$0xFFFFFFE0]  }
0x3e: {  	v1 =	vld [tilespmem:s2+$0xFFFFFFF0]  }
0x3f: {  	v2 =	vld [tilespmem:s2+$0x0]  }
0x40: {  	s0 =	simm.s32 $0x4F00;
	v4 =	vld [tilespmem:s2+$0x10]  }
0x41: {  	s3 =	simm.s32 $0x0;
	s4 =	simm.s32 $0x27F0;
	[tilespmem:v6+s0+$0x0] =	vst.idx.add.f32.msk $0xffff, v0  }
.LBB2_3:
0x42: {  	v5 =	vld [tilespmem:s4+$0x20];
	s3 =	sadd.s32 $0x5, s3  }
0x43: {  	v6 =	vld [tilespmem:s4+$0xFFFFFFF0];
	p0 =	slt.u32 s3, $0x26C  }
0x44: {  	v7 =	vld [tilespmem:s4+$0x0]  }
0x45: {  	v8 =	vld [tilespmem:s4+$0x10];
	v9 =	vmov v4  }
0x46: {  	v4 =	vld [tilespmem:s4+$0xFFFFFFE0]  }
0x47: {  	[tilespmem:v3+s0+$0x0] =	vst.idx.add.f32.msk $0xffff, v0  }
0x48: {  	[tilespmem:v1+s0+$0x0] =	vst.idx.add.f32.msk $0xffff, v0  }
0x49: {  	[tilespmem:v2+s0+$0x0] =	vst.idx.add.f32.msk $0xffff, v0  }
0x4a: {  	s2 =	sadd.s32 $0x50, s2;
	[tilespmem:v5+s1+$0x0] =	vst.idx.add.f32.msk $0xffff, v0  }
0x4b: {  	v5 =	vld [tilespmem:s2+$0x20]  }
0x4c: {  	[tilespmem:v6+s1+$0x0] =	vst.idx.add.f32.msk $0xffff, v0  }
0x4d: {  	[tilespmem:v7+s1+$0x0] =	vst.idx.add.f32.msk $0xffff, v0  }
0x4e: {  	[tilespmem:v4+s1+$0x0] =	vst.idx.add.f32.msk $0xffff, v0  }
0x4f: {  	[tilespmem:v8+s1+$0x0] =	vst.idx.add.f32.msk $0xffff, v0  }
0x50: {  	v3 =	vld [tilespmem:s2+$0xFFFFFFE0]  }
.Ltmp1:
0x51: {  	v1 =	vld [tilespmem:s2+$0xFFFFFFF0];
	(pc) =	sbr.rel @p0 .LBB2_3-.Ltmp1, $4  }
0x52: {  	v2 =	vld [tilespmem:s2+$0x0]  }
0x53: {  	[tilespmem:v5+s0+$0x0] =	vst.idx.add.f32.msk $0xffff, v0  }
0x54: {  	v4 =	vld [tilespmem:s2+$0x10]  }
0x55: {  	s4 =	sadd.s32 $0x50, s4;
	[tilespmem:v9+s0+$0x0] =	vst.idx.add.f32.msk $0xffff, v0  }
0x56: {  	_ =	sdelay $0x2  }
0x57: {  	s1 =	sshrl.u32 s5, $0x3  }
0x58: {  	s2 =	sshll.u32 s5, $0x7;
	[tilespmem:v3+s0+$0x0] =	vst.idx.add.f32.msk $0xffff, v0;
	s1 =	smul.u32 $0x14000, s1  }
0x59: {  	[tilespmem:v1+s0+$0x0] =	vst.idx.add.f32.msk $0xffff, v0;
	s2 =	sand.u32 $0x380, s2  }
0x5a: {  	[tilespmem:v2+s0+$0x0] =	vst.idx.add.f32.msk $0xffff, v0;
	s1 =	sor.u32 s2, s1  }
0x5b: {  	s19 =	simm.s32 $0x80;
	s20 =	simm.s32 $0x400;
	[tilespmem:v4+s0+$0x0] =	vst.idx.add.f32.msk $0xffff, v0;
	s4 =	sadd.s32 s1, s6  }
0x5c: {  	s3 =	simm.s32 $0x7700;
	s21 =	simm.s32 $0x3;
	[dreg:$0x8] =	wrdreg s4  }
0x5d: {  	[spmem:s4] =	stream.strided.scatter [tilespmem:s3], [sflag:$0x3], $0x2800, s20, s19, $0x38;
	[tilespmem:$0x17510] =	vst v63  }
0x5e: {  	_ =	swait.ge [sflag:s21], $0x2800  }
0x5f: {  	[sflag:s21] =	ssyncset.done $0x0  }
0x60: {  	s22 =	simm.s32 $0x4F00;
	s1 =	sadd.s32 s1, s8;
	[sflag:s21] =	ssyncadd.s32 $0xFFFFD800  }
0x61: {  	[spmem:s1] =	stream.strided.scatter [tilespmem:s22], [sflag:$0x3], $0x2800, s20, s19, $0x38;
	[tilespmem:$0x17510] =	vst v63  }
0x62: {  	s23 =	smul.u32 $0x1400, s5;
	_ =	swait.ge [sflag:s21], $0x2800  }
0x63: {  	s25 =	simm.s32 $0x1400;
	s26 =	simm.s32 $0x14000;
	[sflag:s21] =	ssyncset.done $0x0  }
0x64: {  	s28 =	simm.s32 $0xA680;
	s29 =	simm.s32 $0xCE80;
	[sflag:s21] =	ssyncadd.s32 $0xFFFFD800  }
0x65: {  	s30 =	simm.s32 $0x1;
	s24 =	sadd.s32 s23, s6;
	[bflag:$0x0] =	sbarrier.arrive $0xFFFF  }
0x66: {  	[tilespmem:s28], [sflag:$0x1] =	stream.strided.gather [spmem:s24], $0x2800, s26, s25, $0x38;
	[tilespmem:$0x17510] =	vst v63  }
0x67: {  	s13 =	simm.s32 $0x0;
	s0 =	sadd.s32 s23, s8;
	[dreg:$0x9] =	wrdreg s24  }
0x68: {  	[tilespmem:s29], [sflag:$0x2] =	stream.strided.gather [spmem:s0], $0x2800, s26, s25, $0x38;
	[tilespmem:$0x17510] =	vst v63  }
0x69: {  	s31 =	sand.u32 $0x1C00, s13;
	s1 =	sand.u32 $0x60, s13;
	_ =	swait.ge [sflag:s30], $0x2800  }
0x6a: {  	s5 =	sadd.s32 $0xA680, s31;
	s12 =	sor.u32 $0x10, s1;
	[sflag:s30] =	ssyncset.done $0x0  }
0x6b: {  	s6 =	sor.u32 s12, s5;
	[sflag:s30] =	ssyncadd.s32 $0xFFFFD800  }
0x6c: {  	v0 =	vld [tilespmem:s6+$0x0]  }
0x6d: {  	s3 =	sor.u32 s1, s5;
	v1 =	vld [tilespmem:s6+$0x80]  }
0x6e: {  	v2 =	vld [tilespmem:s3+$0x0]  }
0x6f: {  	v3 =	vld [tilespmem:s6+$0x100]  }
0x70: {  	v4 =	vld [tilespmem:s3+$0x80]  }
0x71: {  	v5 =	vld [tilespmem:s6+$0x180]  }
0x72: {  	v6 =	vld [tilespmem:s3+$0x100]  }
0x73: {  	v7 =	vld [tilespmem:s6+$0x200]  }
0x74: {  	v8 =	vld [tilespmem:s3+$0x180]  }
0x75: {  	v9 =	vld [tilespmem:s6+$0x280]  }
0x76: {  	v10 =	vld [tilespmem:s3+$0x200]  }
0x77: {  	v11 =	vld [tilespmem:s6+$0x300]  }
0x78: {  	v12 =	vld [tilespmem:s3+$0x280]  }
0x79: {  	s7 =	sadd.s32 $0xBA80, s31;
	v13 =	vld [tilespmem:s6+$0x380]  }
0x7a: {  	s8 =	sor.u32 s12, s7;
	v14 =	vld [tilespmem:s3+$0x300]  }
0x7b: {  	s9 =	sadd.s32 $0xBB00, s31;
	v15 =	vld [tilespmem:s8+$0x0]  }
0x7c: {  	s10 =	sor.u32 s12, s9;
	v16 =	vld [tilespmem:s3+$0x380]  }
0x7d: {  	s14 =	sadd.s32 $0xBB80, s31;
	s11 =	sor.u32 s1, s7;
	v17 =	vld [tilespmem:s10+$0x0]  }
0x7e: {  	s15 =	sor.u32 s12, s14;
	v18 =	vld [tilespmem:s11+$0x0]  }
0x7f: {  	s17 =	sadd.s32 $0xBC00, s31;
	s16 =	sor.u32 s1, s9;
	v19 =	vld [tilespmem:s15+$0x0]  }
0x80: {  	s18 =	sor.u32 s12, s17;
	v20 =	vld [tilespmem:s16+$0x0]  }
0x81: {  	s20 =	sadd.s32 $0xBC80, s31;
	s19 =	sor.u32 s1, s14;
	v21 =	vld [tilespmem:s18+$0x0]  }
0x82: {  	s21 =	sor.u32 s12, s20;
	v22 =	vld [tilespmem:s19+$0x0]  }
0x83: {  	s23 =	sadd.s32 $0xBD00, s31;
	s22 =	sor.u32 s1, s17;
	v23 =	vld [tilespmem:s21+$0x0]  }
0x84: {  	s2 =	sadd.s32 $0xBE00, s31;
	s24 =	sor.u32 s12, s23;
	v24 =	vld [tilespmem:s22+$0x0]  }
0x85: {  	s25 =	sor.u32 s1, s20;
	s26 =	sadd.s32 $0xBD80, s31;
	s31 =	simm.s32 $0x100;
	v25 =	vld [tilespmem:s24+$0x0]  }
0x86: {  	s28 =	sor.u32 s12, s26;
	s0 =	sand.u32 $0x1C00, s31;
	v26 =	vld [tilespmem:s25+$0x0];
	s8 =	simm.s32 $0x20  }
0x87: {  	s29 =	sor.u32 s1, s23;
	v27 =	vld [tilespmem:s28+$0x0];
	s3 =	sadd.s32 $0xA680, s0;
	s10 =	sand.u32 $0x60, s8  }
0x88: {  	v28 =	vld [tilespmem:s29+$0x0];
	s5 =	sor.u32 s10, s3;
	v0 =	vadd.f32 v1, v0  }
0x89: {  	v49 =	vld [tilespmem:s5+$0x80];
	v1 =	vadd.f32 v4, v2  }
0x8a: {  	s4 =	sor.u32 s1, s26;
	s9 =	sor.u32 $0x10, s10;
	v53 =	vld [tilespmem:s5+$0x200];
	v0 =	vadd.f32 v3, v0  }
0x8b: {  	v4 =	vld [tilespmem:s4+$0x0];
	s4 =	sor.u32 s9, s3;
	v1 =	vadd.f32 v6, v1  }
0x8c: {  	v6 =	vld [tilespmem:s4+$0x0];
	v0 =	vadd.f32 v5, v0  }
0x8d: {  	v1 =	vadd.f32 v8, v1;
	v5 =	vld [tilespmem:s4+$0x80]  }
0x8e: {  	v57 =	vld [tilespmem:s5+$0x380];
	v0 =	vadd.f32 v7, v0  }
0x8f: {  	v1 =	vadd.f32 v10, v1;
	v7 =	vld [tilespmem:s4+$0x100]  }
0x90: {  	v8 =	vld [tilespmem:s5+$0x0];
	v0 =	vadd.f32 v9, v0  }
0x91: {  	v50 =	vld [tilespmem:s4+$0x180];
	v1 =	vadd.f32 v12, v1  }
0x92: {  	v5 =	vadd.f32 v5, v6;
	v6 =	vld [tilespmem:s5+$0x100];
	v0 =	vadd.f32 v11, v0  }
0x93: {  	v51 =	vld [tilespmem:s4+$0x200];
	v1 =	vadd.f32 v14, v1  }
0x94: {  	s6 =	sadd.s32 $0xBA80, s0;
	v5 =	vadd.f32 v7, v5;
	v7 =	vld [tilespmem:s5+$0x180];
	v0 =	vadd.f32 v13, v0  }
0x95: {  	s7 =	sor.u32 s9, s6;
	v52 =	vld [tilespmem:s4+$0x280];
	v8 =	vadd.f32 v49, v8;
	v1 =	vadd.f32 v16, v1  }
0x96: {  	v56 =	vld [tilespmem:s7+$0x0];
	v5 =	vadd.f32 v50, v5;
	v0 =	vadd.f32 v15, v0  }
0x97: {  	v54 =	vld [tilespmem:s4+$0x300];
	v1 =	vadd.f32 v18, v1;
	v6 =	vadd.f32 v6, v8  }
0x98: {  	v8 =	vld [tilespmem:s5+$0x280];
	v5 =	vadd.f32 v51, v5;
	v0 =	vadd.f32 v17, v0  }
0x99: {  	s11 =	sadd.s32 $0xBB00, s0;
	v55 =	vld [tilespmem:s4+$0x380];
	v1 =	vadd.f32 v20, v1;
	v6 =	vadd.f32 v7, v6  }
0x9a: {  	s15 =	sadd.s32 $0xBB80, s0;
	s14 =	sor.u32 s9, s11;
	v7 =	vld [tilespmem:s5+$0x300];
	v5 =	vadd.f32 v52, v5;
	v0 =	vadd.f32 v19, v0  }
0x9b: {  	s16 =	sor.u32 s9, s15;
	v58 =	vld [tilespmem:s14+$0x0];
	v1 =	vadd.f32 v22, v1;
	v6 =	vadd.f32 v53, v6  }
0x9c: {  	s30 =	sor.u32 s12, s2;
	v59 =	vld [tilespmem:s16+$0x0];
	v5 =	vadd.f32 v54, v5;
	v0 =	vadd.f32 v21, v0  }
0x9d: {  	s1 =	sor.u32 s1, s2;
	s2 =	sor.u32 s10, s6;
	v2 =	vld [tilespmem:s30+$0x0];
	v1 =	vadd.f32 v24, v1;
	v6 =	vadd.f32 v8, v6  }
0x9e: {  	v8 =	vld [tilespmem:s2+$0x0];
	v5 =	vadd.f32 v55, v5;
	v0 =	vadd.f32 v23, v0  }
0x9f: {  	s18 =	sadd.s32 $0xBC00, s0;
	s17 =	sor.u32 s10, s11;
	v3 =	vld [tilespmem:s1+$0x0];
	v1 =	vadd.f32 v26, v1;
	v6 =	vadd.f32 v7, v6  }
0xa0: {  	s19 =	sor.u32 s9, s18;
	v7 =	vld [tilespmem:s17+$0x0];
	v5 =	vadd.f32 v56, v5;
	v0 =	vadd.f32 v25, v0  }
0xa1: {  	s21 =	sadd.s32 $0xBC80, s0;
	s20 =	sor.u32 s10, s15;
	v60 =	vld [tilespmem:s19+$0x0];
	v1 =	vadd.f32 v28, v1;
	v6 =	vadd.f32 v57, v6  }
0xa2: {  	v61 =	vld [tilespmem:s20+$0x0];
	s22 =	sor.u32 s9, s21;
	v5 =	vadd.f32 v58, v5;
	v62 =	vadd.f32 v27, v0  }
0xa3: {  	s24 =	sadd.s32 $0xBD00, s0;
	s23 =	sor.u32 s10, s18;
	v63 =	vld [tilespmem:s22+$0x0];
	v1 =	vadd.f32 v4, v1;
	v4 =	vadd.f32 v8, v6  }
0xa4: {  	s26 =	sand.u32 $0x380, s13;
	s25 =	sor.u32 s9, s24;
	v0 =	vld [tilespmem:s23+$0x0];
	v5 =	vadd.f32 v59, v5;
	v6 =	vadd.f32 v2, v62  }
0xa5: {  	s13 =	simm.s32 $0x2;
	s28 =	sadd.s32 $0xBD80, s0;
	s3 =	sor.u32 s10, s21;
	v8 =	vadd.f32 v3, v1;
	v1 =	vld [tilespmem:s25+$0x0];
	v4 =	vadd.f32 v7, v4  }
0xa6: {  	s29 =	sor.u32 s12, s26;
	s0 =	sadd.s32 $0xBE00, s0;
	s30 =	sor.u32 s9, s28;
	v2 =	vld [tilespmem:s3+$0x0];
	v5 =	vadd.f32 v60, v5  }
0xa7: {  	s12 =	simm.s32 $0x200;
	s31 =	sor.u32 s10, s24;
	s11 =	simm.s32 $0xA400;
	v3 =	vld [tilespmem:s30+$0x0];
	[tilespmem:s29+$0xA400] =	vst v6;
	v6 =	vadd.f32 v61, v4  }
0xa8: {  	s14 =	simm.s32 $0x40;
	s1 =	sor.u32 s10, s28;
	s2 =	sor.u32 s9, s0;
	[tilespmem:s11+$0x0] =	vst v8;
	v4 =	vld [tilespmem:s31+$0x0];
	v5 =	vadd.f32 v63, v5  }
.LBB2_5:
0xa9: {  	s15 =	sand.u32 $0x1C00, s12;
	v0 =	vadd.f32 v0, v6;
	s3 =	sor.u32 s10, s0;
	s10 =	sand.u32 $0x60, s14;
	v6 =	vld [tilespmem:s2+$0x0]  }
0xaa: {  	s13 =	sadd.s32 $0x2, s13;
	s2 =	sadd.s32 $0xA680, s15;
	s4 =	sor.u32 $0x10, s10;
	v7 =	vld [tilespmem:s1+$0x0];
	v1 =	vadd.f32 v1, v5  }
0xab: {  	p0 =	slt.u32 s13, $0x26;
	s0 =	sor.u32 s10, s2;
	s1 =	sor.u32 s4, s2;
	v0 =	vadd.f32 v2, v0;
	v2 =	vld [tilespmem:s3+$0x0]  }
0xac: {  	v5 =	vld [tilespmem:s1+$0x0];
	v1 =	vadd.f32 v3, v1  }
0xad: {  	v3 =	vld [tilespmem:s1+$0x80];
	v0 =	vadd.f32 v4, v0  }
0xae: {  	s2 =	sand.u32 $0x380, s8;
	s8 =	smov.u32 s14;
	v4 =	vld [tilespmem:s0+$0x0];
	v1 =	vadd.f32 v6, v1  }
0xaf: {  	s2 =	sor.u32 s9, s2;
	s9 =	smov.u32 s4;
	v6 =	vld [tilespmem:s1+$0x100];
	v0 =	vadd.f32 v7, v0  }
0xb0: {  	v7 =	vld [tilespmem:s0+$0x80];
	[tilespmem:s2+$0xA400] =	vst v1  }
0xb1: {  	v1 =	vld [tilespmem:s1+$0x180];
	v0 =	vadd.f32 v2, v0  }
0xb2: {  	s11 =	sadd.s32 $0x20, s11;
	v2 =	vld [tilespmem:s0+$0x100];
	v3 =	vadd.f32 v3, v5  }
0xb3: {  	v5 =	vld [tilespmem:s1+$0x200];
	[tilespmem:s11+$0x0] =	vst v0  }
0xb4: {  	v0 =	vld [tilespmem:s0+$0x180];
	v3 =	vadd.f32 v6, v3  }
0xb5: {  	v4 =	vadd.f32 v7, v4;
	v6 =	vld [tilespmem:s1+$0x280]  }
0xb6: {  	v7 =	vld [tilespmem:s0+$0x200];
	v1 =	vadd.f32 v1, v3  }
0xb7: {  	v2 =	vadd.f32 v2, v4;
	v3 =	vld [tilespmem:s1+$0x300]  }
0xb8: {  	v4 =	vld [tilespmem:s0+$0x280];
	v1 =	vadd.f32 v5, v1  }
0xb9: {  	s2 =	sadd.s32 $0xBA80, s15;
	v0 =	vadd.f32 v0, v2;
	v2 =	vld [tilespmem:s1+$0x380]  }
0xba: {  	s1 =	sor.u32 s10, s2;
	s2 =	sor.u32 s9, s2;
	v5 =	vld [tilespmem:s0+$0x300];
	v1 =	vadd.f32 v6, v1  }
0xbb: {  	s3 =	sadd.s32 $0xBB00, s15;
	v0 =	vadd.f32 v7, v0;
	v6 =	vld [tilespmem:s2+$0x0]  }
0xbc: {  	s2 =	sor.u32 s9, s3;
	v7 =	vld [tilespmem:s0+$0x380];
	s0 =	sor.u32 s10, s3;
	v1 =	vadd.f32 v3, v1  }
0xbd: {  	s3 =	sadd.s32 $0xBB80, s15;
	v0 =	vadd.f32 v4, v0;
	v3 =	vld [tilespmem:s2+$0x0]  }
0xbe: {  	s2 =	sor.u32 s9, s3;
	v4 =	vld [tilespmem:s1+$0x0];
	s1 =	sor.u32 s10, s3;
	v1 =	vadd.f32 v2, v1  }
0xbf: {  	s3 =	sadd.s32 $0xBC00, s15;
	v0 =	vadd.f32 v5, v0;
	v2 =	vld [tilespmem:s2+$0x0]  }
0xc0: {  	s2 =	sor.u32 s9, s3;
	v5 =	vld [tilespmem:s0+$0x0];
	s0 =	sor.u32 s10, s3;
	v1 =	vadd.f32 v6, v1  }
0xc1: {  	s3 =	sadd.s32 $0xBC80, s15;
	v0 =	vadd.f32 v7, v0;
	v6 =	vld [tilespmem:s2+$0x0]  }
0xc2: {  	s2 =	sor.u32 s9, s3;
	v7 =	vld [tilespmem:s1+$0x0];
	s1 =	sor.u32 s10, s3;
	v1 =	vadd.f32 v3, v1  }
0xc3: {  	s3 =	sadd.s32 $0xBD00, s15;
	v3 =	vadd.f32 v4, v0;
	v8 =	vld [tilespmem:s2+$0x0]  }
.Ltmp2:
0xc4: {  	s2 =	sor.u32 s10, s3;
	v0 =	vld [tilespmem:s0+$0x0];
	v4 =	vadd.f32 v2, v1;
	s0 =	sor.u32 s9, s3;
	(pc) =	sbr.rel @p0 .LBB2_5-.Ltmp2, $4  }
0xc5: {  	s3 =	sadd.s32 $0xBD80, s15;
	v3 =	vadd.f32 v5, v3;
	v1 =	vld [tilespmem:s0+$0x0]  }
0xc6: {  	v2 =	vld [tilespmem:s1+$0x0];
	s1 =	sor.u32 s10, s3;
	v5 =	vadd.f32 v6, v4;
	s3 =	sor.u32 s9, s3  }
0xc7: {  	s0 =	sadd.s32 $0xBE00, s15;
	v6 =	vadd.f32 v7, v3;
	v3 =	vld [tilespmem:s3+$0x0]  }
0xc8: {  	s12 =	sadd.s32 $0x100, s12;
	s14 =	sadd.s32 $0x20, s14;
	v4 =	vld [tilespmem:s2+$0x0];
	v5 =	vadd.f32 v8, v5;
	s2 =	sor.u32 s9, s0  }
0xc9: {  	v0 =	vadd.f32 v0, v6  }
0xca: {  	v6 =	vld [tilespmem:s1+$0x0]  }
0xcb: {  	s0 =	sor.u32 s10, s0;
	v7 =	vld [tilespmem:s2+$0x0];
	v0 =	vadd.f32 v2, v0  }
0xcc: {  	v1 =	vadd.f32 v1, v5;
	v2 =	vld [tilespmem:s0+$0x0]  }
0xcd: {  	v0 =	vadd.f32 v4, v0  }
0xce: {  	v1 =	vadd.f32 v3, v1  }
0xcf: {  	v0 =	vadd.f32 v6, v0  }
0xd0: {  	s8 =	sand.u32 $0x380, s8;
	v1 =	vadd.f32 v7, v1  }
0xd1: {  	s0 =	sor.u32 s9, s8;
	v0 =	vadd.f32 v2, v0  }
0xd2: {  	s10 =	sadd.s32 $0x20, s11;
	[tilespmem:s0+$0xA400] =	vst v1  }
0xd3: {  	s3 =	simm.s32 $0x2;
	s4 =	simm.s32 $0x0;
	[tilespmem:s10+$0x0] =	vst v0  }
0xd4: {  	s11 =	sand.u32 $0x60, s4;
	s12 =	sand.u32 $0x1C00, s4;
	_ =	swait.ge [sflag:s3], $0x2800  }
0xd5: {  	s5 =	sadd.s32 $0xCE80, s12;
	s13 =	sor.u32 $0x10, s11;
	[sflag:s3] =	ssyncset.done $0x0  }
0xd6: {  	s4 =	sand.u32 $0x380, s4;
	s14 =	sor.u32 s13, s5;
	[sflag:s3] =	ssyncadd.s32 $0xFFFFD800  }
0xd7: {  	s8 =	sor.u32 s4, s13;
	v1 =	vld [tilespmem:s14+$0x80]  }
0xd8: {  	s15 =	sor.u32 s11, s5;
	v0 =	vld [tilespmem:s8+$0xA400]  }
0xd9: {  	v2 =	vld [tilespmem:s15+$0x80]  }
0xda: {  	v3 =	vld [tilespmem:s15+$0x0]  }
0xdb: {  	v4 =	vld [tilespmem:s14+$0x0]  }
0xdc: {  	v5 =	vld [tilespmem:s15+$0x100]  }
0xdd: {  	v6 =	vld [tilespmem:s14+$0x100]  }
0xde: {  	v7 =	vld [tilespmem:s15+$0x180]  }
0xdf: {  	v8 =	vld [tilespmem:s15+$0x200]  }
0xe0: {  	v2 =	vadd.f32 v2, v3;
	v3 =	vld [tilespmem:s14+$0x180]  }
0xe1: {  	v9 =	vshra.s32 v0, $0x1;
	v10 =	vmul.f32 $5.000000000e-01, v0;
	v1 =	vadd.f32 v1, v4;
	v4 =	vld [tilespmem:s15+$0x280]  }
0xe2: {  	v9 =	vsub.s32 $0x5F3759DF, v9;
	v2 =	vadd.f32 v5, v2;
	v5 =	vld [tilespmem:s14+$0x200]  }
0xe3: {  	v11 =	vmul.f32 v9, v10;
	v1 =	vadd.f32 v6, v1;
	v6 =	vld [tilespmem:s15+$0x300]  }
0xe4: {  	v2 =	vadd.f32 v7, v2;
	v7 =	vld [tilespmem:s14+$0x280]  }
0xe5: {  	s16 =	sor.u32 $0xE280, s12;
	v11 =	vmul.f32 v9, v11;
	v1 =	vadd.f32 v3, v1;
	v3 =	vld [tilespmem:s15+$0x380]  }
0xe6: {  	s17 =	sor.u32 s11, s16;
	v2 =	vadd.f32 v8, v2;
	v8 =	vld [tilespmem:s14+$0x300]  }
0xe7: {  	s18 =	sor.u32 $0xE300, s12;
	v11 =	vsub.f32 $1.500000000e+00, v11;
	v1 =	vadd.f32 v5, v1;
	v5 =	vld [tilespmem:s17+$0x0]  }
0xe8: {  	s19 =	sor.u32 s11, s18;
	v2 =	vadd.f32 v4, v2;
	v4 =	vld [tilespmem:s14+$0x380]  }
0xe9: {  	s20 =	sor.u32 $0xE380, s12;
	s5 =	sor.u32 s13, s16;
	v9 =	vmul.f32 v9, v11;
	v1 =	vadd.f32 v7, v1;
	v7 =	vld [tilespmem:s19+$0x0]  }
0xea: {  	s21 =	sor.u32 s11, s20;
	v2 =	vadd.f32 v6, v2;
	v6 =	vld [tilespmem:s5+$0x0]  }
0xeb: {  	s22 =	sadd.s32 $0xE400, s12;
	s3 =	sor.u32 s13, s18;
	v11 =	vmul.f32 v9, v10;
	v1 =	vadd.f32 v8, v1;
	v8 =	vld [tilespmem:s21+$0x0]  }
0xec: {  	s23 =	sor.u32 s11, s22;
	v2 =	vadd.f32 v3, v2;
	v3 =	vld [tilespmem:s3+$0x0]  }
0xed: {  	s24 =	sadd.s32 $0xE480, s12;
	s5 =	sor.u32 s13, s20;
	v11 =	vmul.f32 v11, v9;
	v1 =	vadd.f32 v4, v1;
	v4 =	vld [tilespmem:s23+$0x0]  }
0xee: {  	s25 =	sor.u32 s11, s24;
	v2 =	vadd.f32 v5, v2;
	v5 =	vld [tilespmem:s5+$0x0]  }
0xef: {  	s2 =	sadd.s32 $0xE600, s12;
	s3 =	sor.u32 s13, s22;
	v11 =	vsub.f32 $1.500000000e+00, v11;
	v1 =	vadd.f32 v6, v1;
	v6 =	vld [tilespmem:s25+$0x0]  }
0xf0: {  	s26 =	sadd.s32 $0xE500, s12;
	s1 =	sor.u32 s11, s2;
	v2 =	vadd.f32 v7, v2;
	v7 =	vld [tilespmem:s3+$0x0]  }
0xf1: {  	s28 =	sor.u32 s11, s26;
	v9 =	vmul.f32 v11, v9;
	v11 =	vld [tilespmem:s1+$0x0]  }
0xf2: {  	s6 =	simm.s32 $0x20;
	s29 =	sadd.s32 $0xE580, s12;
	s5 =	sor.u32 s13, s24;
	v1 =	vadd.f32 v3, v1;
	v3 =	vld [tilespmem:s28+$0x0];
	v2 =	vadd.f32 v8, v2  }
0xf3: {  	s12 =	sand.u32 $0x60, s6;
	s30 =	sor.u32 s11, s29;
	v8 =	vld [tilespmem:s5+$0x0];
	v10 =	vmul.f32 v9, v10  }
0xf4: {  	s31 =	sor.u32 s13, s29;
	s3 =	sor.u32 s13, s26;
	s5 =	simm.s32 $0x100;
	v1 =	vadd.f32 v5, v1;
	v5 =	vld [tilespmem:s30+$0x0];
	v2 =	vadd.f32 v4, v2  }
0xf5: {  	s0 =	sor.u32 s13, s2;
	s13 =	sand.u32 $0x1C00, s5;
	s5 =	simm.s32 $0xA400;
	v4 =	vld [tilespmem:s3+$0x0];
	v10 =	vmul.f32 v10, v9  }
0xf6: {  	s10 =	sor.u32 $0x10, s12;
	s7 =	sadd.s32 $0xCE80, s13;
	v7 =	vadd.f32 v7, v1;
	v1 =	vld [tilespmem:s5+$0x0];
	v2 =	vadd.f32 v6, v2  }
0xf7: {  	s15 =	sor.u32 s10, s7;
	v6 =	vld [tilespmem:s31+$0x0];
	v10 =	vsub.f32 $1.500000000e+00, v10  }
0xf8: {  	s16 =	sand.u32 $0x380, s6;
	v7 =	vadd.f32 v8, v7;
	v8 =	vld [tilespmem:s15+$0x80];
	v2 =	vadd.f32 v3, v2  }
0xf9: {  	s9 =	sor.u32 s16, s10;
	v3 =	vld [tilespmem:s0+$0x0]  }
0xfa: {  	s1 =	sor.u32 s12, s7;
	v9 =	vmul.f32 v10, v9;
	v7 =	vadd.f32 v4, v7;
	v5 =	vadd.f32 v5, v2;
	v2 =	vld [tilespmem:s9+$0xA400]  }
0xfb: {  	vm0 =	vgt.f32 v0, $0.0e+00;
	v10 =	vld [tilespmem:s1+$0x80]  }
0xfc: {  	v4 =	vnsel vm0, $0x0, v9;
	v6 =	vadd.f32 v6, v7;
	v11 =	vadd.f32 v11, v5;
	v5 =	vld [tilespmem:s1+$0x0]  }
0xfd: {  	v14 =	vmul.f32 $5.000000000e-01, v1;
	v15 =	vshra.s32 v1, $0x1;
	vm0 =	vgt.f32 v1, $0.0e+00;
	v7 =	vld [tilespmem:s15+$0x0]  }
0xfe: {  	v13 =	vld [tilespmem:s1+$0x100];
	v15 =	vsub.s32 $0x5F3759DF, v15;
	v3 =	vadd.f32 v3, v6;
	v9 =	vshra.s32 v11, $0x1  }
0xff: {  	v6 =	vld [tilespmem:s15+$0x100];
	v12 =	vmul.f32 $5.000000000e-01, v11;
	v9 =	vsub.s32 $0x5F3759DF, v9;
	v16 =	vshra.s32 v2, $0x1  }
0x100: {  	v18 =	vld [tilespmem:s1+$0x180];
	v19 =	vmul.f32 $5.000000000e-01, v2;
	v20 =	vshra.s32 v3, $0x1;
	v21 =	vmul.f32 $5.000000000e-01, v3  }
0x101: {  	v17 =	vmul.f32 v9, v12;
	v16 =	vsub.s32 $0x5F3759DF, v16;
	v5 =	vadd.f32 v10, v5;
	v10 =	vld [tilespmem:s15+$0x180]  }
0x102: {  	v22 =	vld [tilespmem:s1+$0x200];
	v20 =	vsub.s32 $0x5F3759DF, v20;
	v7 =	vadd.f32 v8, v7;
	v8 =	vmul.f32 v16, v19  }
0x103: {  	v23 =	vmul.f32 v20, v21;
	v17 =	vmul.f32 v9, v17;
	v5 =	vadd.f32 v13, v5;
	v13 =	vld [tilespmem:s15+$0x200]  }
0x104: {  	v24 =	vmul.f32 v15, v14;
	v6 =	vadd.f32 v6, v7;
	v7 =	vld [tilespmem:s1+$0x280];
	v8 =	vmul.f32 v16, v8  }
0x105: {  	v23 =	vmul.f32 v20, v23;
	v17 =	vsub.f32 $1.500000000e+00, v17;
	v5 =	vadd.f32 v18, v5;
	v18 =	vld [tilespmem:s15+$0x280]  }
0x106: {  	v24 =	vmul.f32 v15, v24;
	v8 =	vsub.f32 $1.500000000e+00, v8;
	v6 =	vadd.f32 v10, v6;
	v10 =	vld [tilespmem:s1+$0x300]  }
0x107: {  	v55 =	vld [tilespmem:s15+$0x300];
	v9 =	vmul.f32 v9, v17;
	v17 =	vsub.f32 $1.500000000e+00, v23;
	v5 =	vadd.f32 v22, v5  }
0x108: {  	s17 =	sor.u32 $0xE280, s13;
	v56 =	vld [tilespmem:s1+$0x380];
	v8 =	vmul.f32 v16, v8;
	v6 =	vadd.f32 v13, v6;
	v13 =	vsub.f32 $1.500000000e+00, v24  }
0x109: {  	s18 =	sor.u32 s12, s17;
	v16 =	vmul.f32 v9, v12;
	v17 =	vmul.f32 v20, v17;
	v5 =	vadd.f32 v7, v5;
	v7 =	vld [tilespmem:s15+$0x380]  }
0x10a: {  	s19 =	sor.u32 $0xE300, s13;
	s2 =	sor.u32 s10, s17;
	v57 =	vld [tilespmem:s18+$0x0];
	v6 =	vadd.f32 v18, v6;
	v18 =	vmul.f32 v8, v19;
	v13 =	vmul.f32 v15, v13  }
0x10b: {  	s20 =	sor.u32 s12, s19;
	v15 =	vmul.f32 v16, v9;
	v16 =	vmul.f32 v17, v21;
	v5 =	vadd.f32 v10, v5;
	v10 =	vld [tilespmem:s2+$0x0]  }
0x10c: {  	s21 =	sor.u32 $0xE380, s13;
	v58 =	vld [tilespmem:s20+$0x0];
	s0 =	sor.u32 s10, s19;
	v6 =	vadd.f32 v55, v6;
	v18 =	vmul.f32 v18, v8;
	v59 =	vmul.f32 v13, v14  }
0x10d: {  	s22 =	sor.u32 s12, s21;
	v60 =	vld [tilespmem:s0+$0x0];
	v15 =	vsub.f32 $1.500000000e+00, v15;
	v16 =	vmul.f32 v16, v17;
	v5 =	vadd.f32 v56, v5  }
0x10e: {  	s23 =	sadd.s32 $0xE400, s13;
	v25 =	vld [tilespmem:s22+$0x0];
	s2 =	sor.u32 s10, s21;
	v6 =	vadd.f32 v7, v6;
	v7 =	vsub.f32 $1.500000000e+00, v18;
	v18 =	vmul.f32 v59, v13  }
0x10f: {  	s24 =	sor.u32 s12, s23;
	v61 =	vld [tilespmem:s2+$0x0];
	v62 =	vmul.f32 v15, v9;
	v9 =	vsub.f32 $1.500000000e+00, v16;
	v5 =	vadd.f32 v57, v5  }
0x110: {  	s25 =	sadd.s32 $0xE480, s13;
	s0 =	sor.u32 s10, s23;
	v15 =	vld [tilespmem:s24+$0x0];
	v10 =	vadd.f32 v10, v6;
	v6 =	vmul.f32 v7, v8;
	v8 =	vsub.f32 $1.500000000e+00, v18  }
0x111: {  	s26 =	sor.u32 s12, s25;
	vm1 =	vgt.f32 v11, $0.0e+00;
	v18 =	vld [tilespmem:s0+$0x0];
	v12 =	vmul.f32 v62, v12;
	v16 =	vadd.f32 v58, v5  }
0x112: {  	s11 =	simm.s32 $0xA1A0;
	s28 =	sadd.s32 $0xE500, s13;
	s2 =	sor.u32 s10, s25;
	v7 =	vmul.f32 v9, v17;
	v17 =	vld [tilespmem:s26+$0x0];
	v10 =	vadd.f32 v60, v10;
	v5 =	vmul.f32 v8, v13  }
0x113: {  	s16 =	simm.s32 $0x2;
	s14 =	simm.s32 $0xA180;
	s29 =	sor.u32 s12, s28;
	v9 =	vld [tilespmem:s2+$0x0];
	v19 =	vmul.f32 v6, v19;
	v12 =	vmul.f32 v12, v62;
	v8 =	vadd.f32 v25, v16  }
0x114: {  	s30 =	sadd.s32 $0xE600, s13;
	s3 =	sadd.s32 $0xE580, s13;
	s0 =	sor.u32 s10, s28;
	v21 =	vmul.f32 v7, v21;
	v13 =	vld [tilespmem:s29+$0x0];
	v10 =	vadd.f32 v61, v10;
	v11 =	vmul.f32 v5, v14  }
0x115: {  	s13 =	simm.s32 $0xA420;
	s17 =	simm.s32 $0x200;
	s31 =	sor.u32 s12, s3;
	v19 =	vmul.f32 v19, v6;
	v63 =	vsub.f32 $1.500000000e+00, v12;
	v14 =	vadd.f32 v15, v8;
	v8 =	vld [tilespmem:s0+$0x0]  }
0x116: {  	s3 =	sor.u32 s10, s3;
	s20 =	sor.u32 s10, s30;
	s18 =	simm.s32 $0x40;
	v12 =	vmul.f32 v21, v7;
	v15 =	vld [tilespmem:s31+$0x0];
	v16 =	vadd.f32 v18, v10;
	v10 =	vmul.f32 v11, v5  }
0x117: {  	s19 =	sor.u32 s12, s30;
	s12 =	simm.s32 $0x9F20;
	[tilespmem:s8+$0x9F00] =	vst v4;
	s15 =	simm.s32 $0x9F00;
	v11 =	vld [tilespmem:s3+$0x0];
	v4 =	vmul.f32 v63, v62;
	v17 =	vadd.f32 v17, v14;
	v14 =	vsub.f32 $1.500000000e+00, v19  }
.LBB2_7:
0x118: {  	s23 =	sand.u32 $0x60, s18  }
0x119: {  	s26 =	sand.u32 $0x1C00, s17;
	s16 =	sadd.s32 $0x2, s16;
	v18 =	vld [tilespmem:s19+$0x0];
	vm2 =	vgt.f32 v2, $0.0e+00;
	v10 =	vsub.f32 $1.500000000e+00, v10;
	v12 =	vsub.f32 $1.500000000e+00, v12;
	s31 =	smov.u32 s5  }
0x11a: {  	vm3 =	vgt.f32 v3, $0.0e+00;
	s0 =	sadd.s32 $0xCE80, s26;
	s5 =	sadd.s32 $0xE600, s26;
	s6 =	sor.u32 $0x10, s23;
	v13 =	vadd.f32 v13, v17;
	v17 =	vld [tilespmem:s20+$0x0];
	v6 =	vmul.f32 v14, v6  }
0x11b: {  	v9 =	vadd.f32 v9, v16;
	v14 =	vnsel vm1, $0x0, v4;
	s30 =	sor.u32 s23, s0;
	s22 =	sor.u32 s6, s0;
	s0 =	sand.u32 $0x380, s18;
	v3 =	vld [tilespmem:s13+$0x0];
	v4 =	vmul.f32 v12, v7  }
0x11c: {  	s1 =	sor.u32 $0xE280, s26;
	s2 =	sor.u32 $0xE300, s26;
	v5 =	vmul.f32 v10, v5;
	v7 =	vld [tilespmem:s22+$0x80];
	s10 =	sor.u32 s0, s6;
	v12 =	vadd.f32 v15, v13;
	v6 =	vnsel vm2, $0x0, v6  }
0x11d: {  	s7 =	sor.u32 s23, s1;
	s24 =	sor.u32 s23, s2;
	v8 =	vadd.f32 v8, v9;
	s0 =	sor.u32 s6, s1;
	v10 =	vld [tilespmem:s10+$0xA400];
	[tilespmem:s9+$0x9F00] =	vst v6;
	v6 =	vmul.f32 v14, v1;
	v1 =	vnsel vm3, $0x0, v4  }
0x11e: {  	s4 =	sor.u32 $0xE380, s26;
	s19 =	sadd.s32 $0xE400, s26;
	s1 =	sor.u32 s6, s2;
	v5 =	vnsel vm0, $0x0, v5;
	v9 =	vld [tilespmem:s30+$0x80];
	v4 =	vadd.f32 v18, v12;
	[tilespmem:s8+$0xA180] =	vst v1;
	v15 =	vmul.f32 v1, v0;
	v0 =	vmovc v2  }
0x11f: {  	s3 =	sor.u32 s23, s4;
	s25 =	sor.u32 s23, s19;
	s2 =	sor.u32 s6, s4;
	v19 =	vadd.f32 v11, v8;
	v12 =	vld [tilespmem:s30+$0x0];
	[tilespmem:s15+$0x0] =	vst v5  }
0x120: {  	s20 =	sadd.s32 $0xE500, s26;
	s28 =	sor.u32 s6, s19;
	s15 =	sadd.s32 $0xE480, s26;
	v5 =	vld [tilespmem:s22+$0x0];
	v11 =	vshra.s32 v4, $0x1;
	v13 =	vmul.f32 $5.000000000e-01, v4;
	v8 =	vmul.f32 $5.000000000e-01, v3;
	[tilespmem:s8+$0xA400] =	vst v15;
	v1 =	vmovc v3  }
0x121: {  	s21 =	sor.u32 s23, s20;
	s4 =	sor.u32 s23, s15;
	s29 =	sor.u32 s6, s15;
	v3 =	vadd.f32 v17, v19;
	v15 =	vld [tilespmem:s30+$0x100];
	v11 =	vsub.s32 $0x5F3759DF, v11;
	v16 =	vshra.s32 v1, $0x1;
	[tilespmem:s14+$0x0] =	vst v14  }
0x122: {  	s19 =	sor.u32 s23, s5;
	s8 =	sadd.s32 $0xE580, s26;
	s26 =	sor.u32 s6, s20;
	v14 =	vld [tilespmem:s22+$0x100];
	v17 =	vshra.s32 v10, $0x1;
	v18 =	vmul.f32 v11, v13;
	v16 =	vsub.s32 $0x5F3759DF, v16;
	[tilespmem:s31+$0x0] =	vst v6;
	v2 =	vmovc v10  }
0x123: {  	s20 =	sor.u32 s6, s5;
	s31 =	sor.u32 s23, s8;
	s23 =	sor.u32 s6, s8;
	v19 =	vshra.s32 v3, $0x1;
	v20 =	vmul.f32 $5.000000000e-01, v3;
	v6 =	vld [tilespmem:s30+$0x180];
	v10 =	vmul.f32 $5.000000000e-01, v2  }
0x124: {  	p0 =	slt.u32 s16, $0x26;
	s8 =	smov.u32 s9;
	s9 =	smov.u32 s10;
	v17 =	vsub.s32 $0x5F3759DF, v17;
	v19 =	vsub.s32 $0x5F3759DF, v19;
	v9 =	vadd.f32 v9, v12;
	v12 =	vld [tilespmem:s22+$0x180]  }
0x125: {  	s15 =	smov.u32 s12;
	s5 =	smov.u32 s13;
	s14 =	smov.u32 s11;
	v22 =	vmul.f32 v19, v20;
	v21 =	vld [tilespmem:s30+$0x200];
	v5 =	vadd.f32 v7, v5;
	v7 =	vmul.f32 v17, v10  }
0x126: {  	v23 =	vmul.f32 v16, v8;
	v18 =	vmul.f32 v11, v18;
	v9 =	vadd.f32 v15, v9;
	v15 =	vld [tilespmem:s22+$0x200]  }
0x127: {  	v24 =	vld [tilespmem:s30+$0x280];
	v5 =	vadd.f32 v14, v5;
	v7 =	vmul.f32 v17, v7;
	v14 =	vmul.f32 v19, v22  }
0x128: {  	v18 =	vsub.f32 $1.500000000e+00, v18;
	v22 =	vmul.f32 v16, v23;
	v6 =	vadd.f32 v6, v9;
	v9 =	vld [tilespmem:s22+$0x280]  }
0x129: {  	vm0 =	vgt.f32 v1, $0.0e+00;
	v23 =	vld [tilespmem:s30+$0x300];
	v5 =	vadd.f32 v12, v5;
	v7 =	vsub.f32 $1.500000000e+00, v7  }
0x12a: {  	v11 =	vmul.f32 v11, v18;
	v14 =	vsub.f32 $1.500000000e+00, v14;
	v6 =	vadd.f32 v21, v6;
	v12 =	vld [tilespmem:s22+$0x300]  }
0x12b: {  	v18 =	vld [tilespmem:s30+$0x380];
	v5 =	vadd.f32 v15, v5;
	v7 =	vmul.f32 v17, v7;
	v15 =	vsub.f32 $1.500000000e+00, v22  }
0x12c: {  	v21 =	vmul.f32 v11, v13;
	v14 =	vmul.f32 v19, v14;
	v6 =	vadd.f32 v24, v6;
	v17 =	vld [tilespmem:s22+$0x380]  }
0x12d: {  	v19 =	vld [tilespmem:s7+$0x0];
	v5 =	vadd.f32 v9, v5;
	v9 =	vmul.f32 v7, v10;
	v15 =	vmul.f32 v16, v15  }
0x12e: {  	v21 =	vmul.f32 v21, v11;
	v22 =	vmul.f32 v14, v20;
	v6 =	vadd.f32 v23, v6;
	v16 =	vld [tilespmem:s0+$0x0]  }
0x12f: {  	v23 =	vld [tilespmem:s24+$0x0];
	v5 =	vadd.f32 v12, v5;
	v9 =	vmul.f32 v9, v7;
	v12 =	vmul.f32 v15, v8  }
0x130: {  	v21 =	vsub.f32 $1.500000000e+00, v21;
	v22 =	vmul.f32 v22, v14;
	v6 =	vadd.f32 v18, v6;
	v18 =	vld [tilespmem:s1+$0x0]  }
0x131: {  	v24 =	vld [tilespmem:s3+$0x0];
	v5 =	vadd.f32 v17, v5;
	v9 =	vsub.f32 $1.500000000e+00, v9;
	v12 =	vmul.f32 v12, v15  }
0x132: {  	v21 =	vmul.f32 v21, v11;
	v11 =	vsub.f32 $1.500000000e+00, v22;
	v17 =	vadd.f32 v19, v6;
	v19 =	vld [tilespmem:s2+$0x0]  }
0x133: {  	v22 =	vld [tilespmem:s25+$0x0];
	v5 =	vadd.f32 v16, v5;
	v6 =	vmul.f32 v9, v7;
	v9 =	vsub.f32 $1.500000000e+00, v12  }
0x134: {  	v13 =	vmul.f32 v21, v13;
	v7 =	vmul.f32 v11, v14;
	v12 =	vadd.f32 v23, v17;
	v16 =	vld [tilespmem:s28+$0x0]  }
0x135: {  	v11 =	vld [tilespmem:s4+$0x0];
	v14 =	vadd.f32 v18, v5;
	v10 =	vmul.f32 v6, v10;
	v5 =	vmul.f32 v9, v15  }
.Ltmp3:
0x136: {  	v15 =	vmul.f32 v13, v21;
	v17 =	vmul.f32 v7, v20;
	v12 =	vadd.f32 v24, v12;
	v9 =	vld [tilespmem:s29+$0x0];
	(pc) =	sbr.rel @p0 .LBB2_7-.Ltmp3, $4  }
0x137: {  	vm1 =	vgt.f32 v4, $0.0e+00;
	v13 =	vld [tilespmem:s21+$0x0];
	v14 =	vadd.f32 v19, v14;
	v4 =	vmul.f32 v5, v8  }
0x138: {  	v19 =	vmul.f32 v10, v6;
	v20 =	vsub.f32 $1.500000000e+00, v15;
	v18 =	vadd.f32 v22, v12;
	v8 =	vld [tilespmem:s26+$0x0]  }
0x139: {  	s12 =	sadd.s32 $0x20, s12;
	s11 =	sadd.s32 $0x20, s11;
	v12 =	vmul.f32 v17, v7;
	v15 =	vld [tilespmem:s31+$0x0];
	v16 =	vadd.f32 v16, v14;
	v10 =	vmul.f32 v4, v5  }
0x13a: {  	s17 =	sadd.s32 $0x100, s17;
	s18 =	sadd.s32 $0x20, s18;
	s13 =	sadd.s32 $0x20, s13;
	v14 =	vsub.f32 $1.500000000e+00, v19;
	v4 =	vmul.f32 v20, v21;
	v17 =	vadd.f32 v11, v18;
	v11 =	vld [tilespmem:s23+$0x0]  }
0x13b: {  	v18 =	vld [tilespmem:s19+$0x0]  }
0x13c: {  	v9 =	vadd.f32 v9, v16;
	v48 =	vld [tilespmem:s20+$0x0]  }
0x13d: {  	v49 =	vld [tilespmem:s13+$0x0]  }
0x13e: {  	v13 =	vadd.f32 v13, v17;
	v8 =	vadd.f32 v8, v9;
	_ =	sdelay $0x1  }
0x13f: {  	v13 =	vadd.f32 v15, v13;
	v8 =	vadd.f32 v11, v8;
	_ =	sdelay $0x1  }
0x140: {  	v50 =	vadd.f32 v18, v13;
	v53 =	vshra.s32 v49, $0x1;
	v8 =	vadd.f32 v48, v8  }
0x141: {  	v52 =	vmul.f32 $5.000000000e-01, v49;
	v18 =	vsub.s32 $0x5F3759DF, v53  }
0x142: {  	v13 =	vshra.s32 v50, $0x1;
	v51 =	vshra.s32 v8, $0x1;
	v16 =	vmul.f32 $5.000000000e-01, v8  }
0x143: {  	v19 =	vmul.f32 $5.000000000e-01, v50;
	v21 =	vmul.f32 v18, v52;
	v15 =	vsub.s32 $0x5F3759DF, v51  }
0x144: {  	v13 =	vsub.s32 $0x5F3759DF, v13;
	v20 =	vmul.f32 v15, v16  }
0x145: {  	v22 =	vmul.f32 v13, v19;
	v21 =	vmul.f32 v18, v21  }
0x146: {  	v20 =	vmul.f32 v15, v20  }
0x147: {  	v22 =	vmul.f32 v13, v22;
	v21 =	vsub.f32 $1.500000000e+00, v21  }
0x148: {  	v20 =	vsub.f32 $1.500000000e+00, v20  }
0x149: {  	v22 =	vsub.f32 $1.500000000e+00, v22;
	v18 =	vmul.f32 v18, v21  }
0x14a: {  	v15 =	vmul.f32 v15, v20  }
0x14b: {  	v13 =	vmul.f32 v13, v22;
	v21 =	vmul.f32 v18, v52  }
0x14c: {  	v20 =	vmul.f32 v15, v16  }
0x14d: {  	v22 =	vmul.f32 v13, v19;
	v21 =	vmul.f32 v21, v18  }
0x14e: {  	v20 =	vmul.f32 v20, v15  }
0x14f: {  	v22 =	vmul.f32 v22, v13;
	v21 =	vsub.f32 $1.500000000e+00, v21  }
0x150: {  	v12 =	vsub.f32 $1.500000000e+00, v12;
	v20 =	vsub.f32 $1.500000000e+00, v20  }
0x151: {  	v6 =	vmul.f32 v14, v6;
	v55 =	vsub.f32 $1.500000000e+00, v22;
	v56 =	vmul.f32 v21, v18  }
0x152: {  	v10 =	vsub.f32 $1.500000000e+00, v10;
	v7 =	vmul.f32 v12, v7;
	v54 =	vmul.f32 v20, v15  }
0x153: {  	vm2 =	vgt.f32 v2, $0.0e+00;
	v13 =	vmul.f32 v55, v13;
	v58 =	vmul.f32 v56, v52  }
0x154: {  	vm3 =	vgt.f32 v3, $0.0e+00;
	v3 =	vmul.f32 v10, v5;
	v57 =	vmul.f32 v54, v16  }
0x155: {  	v6 =	vnsel vm2, $0x0, v6;
	v59 =	vmul.f32 v13, v19;
	v5 =	vmul.f32 v58, v56  }
0x156: {  	[tilespmem:s9+$0x9F00] =	vst v6;
	v60 =	vnsel vm3, $0x0, v7;
	v3 =	vnsel vm0, $0x0, v3;
	v15 =	vmul.f32 v57, v54  }
0x157: {  	v0 =	vmul.f32 v60, v0;
	[tilespmem:s15+$0x0] =	vst v3;
	v61 =	vmul.f32 v59, v13;
	v3 =	vsub.f32 $1.500000000e+00, v5  }
0x158: {  	v4 =	vnsel vm1, $0x0, v4;
	[tilespmem:s8+$0xA180] =	vst v60;
	v62 =	vsub.f32 $1.500000000e+00, v15  }
0x159: {  	v1 =	vmul.f32 v4, v1;
	[tilespmem:s8+$0xA400] =	vst v0;
	v0 =	vsub.f32 $1.500000000e+00, v61;
	v3 =	vmul.f32 v3, v56  }
0x15a: {  	vm14 =	vgt.f32 v49, $0.0e+00;
	[tilespmem:s14+$0x0] =	vst v4;
	v63 =	vmul.f32 v62, v54  }
0x15b: {  	[tilespmem:s5+$0x0] =	vst v1;
	vm13 =	vgt.f32 v8, $0.0e+00;
	v0 =	vmul.f32 v0, v13;
	v3 =	vnsel vm14, $0x0, v3  }
0x15c: {  	vm15 =	vgt.f32 v50, $0.0e+00;
	[tilespmem:s12+$0x0] =	vst v3;
	v1 =	vnsel vm13, $0x0, v63  }
0x15d: {  	s17 =	stileid.u32;
	v0 =	vnsel vm15, $0x0, v0;
	[tilespmem:s9+$0xA180] =	vst v1;
	v1 =	vmul.f32 v1, v2  }
0x15e: {  	s0 =	smul.u32 $0x280, s17;
	[tilespmem:s11+$0x0] =	vst v0;
	v2 =	vmul.f32 v0, v49  }
0x15f: {  	s18 =	rddreg [dreg:$0x4];
	[tilespmem:s9+$0xA400] =	vst v1  }
0x160: {  	s1 =	simm.s32 $0xA400;
	s29 =	simm.s32 $0x3;
	s8 =	sadd.s32 s0, s18;
	[tilespmem:s13+$0x0] =	vst v2  }
0x161: {  	[spmem:s8] =	stream.linear.scatter [tilespmem:s1], [sflag:$0x3], $0x280, $0x38;
	[tilespmem:$0x17510] =	vst v63  }
0x162: {  	_ =	swait.ge [sflag:s29], $0x280  }
0x163: {  	[sflag:s29] =	ssyncset.done $0x0  }
0x164: {  	s3 =	rddreg [dreg:$0x5]  }
0x165: {  	s2 =	simm.s32 $0x9F00;
	[sflag:s29] =	ssyncadd.s32 $0xFFFFFD80;
	s0 =	sadd.s32 s0, s3  }
0x166: {  	[spmem:s0] =	stream.linear.scatter [tilespmem:s2], [sflag:$0x3], $0x280, $0x38;
	[tilespmem:$0x17510] =	vst v63  }
0x167: {  	_ =	swait.ge [sflag:s29], $0x280  }
0x168: {  	[sflag:s29] =	ssyncset.done $0x0  }
0x169: {  	[sflag:s29] =	ssyncadd.s32 $0xFFFFFD80  }
0x16a: {  	s30 =	simm.s32 $0xF800;
	[bflag:$0x0] =	sbarrier.arrive $0xFFFF  }
0x16b: {  	[tilespmem:s30], [sflag:$0x2] =	stream.linear.gather [spmem:s3], $0x2800, $0x38;
	[tilespmem:$0x17510] =	vst v63  }
0x16c: {  	s31 =	simm.s32 $0x4F00;
	s0 =	simm.s32 $0x7740  }
0x16d: {  	v0 =	vimm.f32 $0.0e+00;
	[tilespmem:s31], [sflag:$0x1] =	stream.linear.gather [spmem:s18], $0x2800, $0x38;
	[tilespmem:$0x17510] =	vst v63  }
0x16e: {  	[tilespmem:s0+$0xFFFFFFC0] =	vst v0  }
0x16f: {  	[tilespmem:s0+$0x30] =	vst v0  }
0x170: {  	[tilespmem:s0+$0x20] =	vst v0  }
0x171: {  	[tilespmem:s0+$0x10] =	vst v0  }
0x172: {  	[tilespmem:s0+$0x0] =	vst v0  }
0x173: {  	[tilespmem:s0+$0xFFFFFFF0] =	vst v0  }
0x174: {  	s1 =	simm.s32 $0x0;
	[tilespmem:s0+$0xFFFFFFE0] =	vst v0  }
.LBB2_9:
0x175: {  	s1 =	sadd.s32 $0x8, s1;
	[tilespmem:s0+$0xFFFFFFD0] =	vst v0;
	s0 =	sadd.s32 $0x80, s0  }
0x176: {  	[tilespmem:s0+$0xFFFFFFC0] =	vst v0;
	p0 =	slt.u32 s1, $0x278  }
0x177: {  	[tilespmem:s0+$0x30] =	vst v0  }
.Ltmp4:
0x178: {  	[tilespmem:s0+$0x20] =	vst v0;
	(pc) =	sbr.rel @p0 .LBB2_9-.Ltmp4, $4  }
0x179: {  	[tilespmem:s0+$0x10] =	vst v0  }
0x17a: {  	[tilespmem:s0+$0x0] =	vst v0  }
0x17b: {  	[tilespmem:s0+$0xFFFFFFF0] =	vst v0  }
0x17c: {  	[tilespmem:s0+$0xFFFFFFE0] =	vst v0  }
0x17d: {  	[tilespmem:s0+$0xFFFFFFD0] =	vst v0;
	s30 =	simm.s32 $0x1  }
0x17e: {  	_ =	swait.ge [sflag:s30], $0x2800  }
0x17f: {  	[sflag:s30] =	ssyncset.done $0x0  }
0x180: {  	s31 =	simm.s32 $0x20;
	[sflag:s30] =	ssyncadd.s32 $0xFFFFD800  }
0x181: {  	v0 =	vld [tilespmem:s31+$0x20]  }
0x182: {  	v1 =	vld [tilespmem:s31+$0xFFFFFFF0]  }
0x183: {  	v3 =	vld [tilespmem:s31+$0x0]  }
0x184: {  	v4 =	vld [tilespmem:s31+$0x10]  }
0x185: {  	v5 =	vld [tilespmem:s31+$0xFFFFFFE0]  }
0x186: {  	s0 =	simm.s32 $0x27A0  }
0x187: {  	v6 =	vld [tilespmem:s0+$0x20]  }
0x188: {  	s1 =	simm.s32 $0x4F00;
	v7 =	vld [tilespmem:s0+$0xFFFFFFE0]  }
0x189: {  	v8 =	vld.idx.msk [tilespmem:v0+s1+$0x0], $0xffff  }
0x18a: {  	v2 =	vld.idx.msk [tilespmem:v1+s1+$0x0], $0xffff  }
0x18b: {  	v0 =	vld.idx.msk [tilespmem:v3+s1+$0x0], $0xffff  }
0x18c: {  	v1 =	vld.idx.msk [tilespmem:v4+s1+$0x0], $0xffff  }
0x18d: {  	v9 =	vld.idx.msk [tilespmem:v5+s1+$0x0], $0xffff  }
0x18e: {  	v3 =	vld [tilespmem:s0+$0xFFFFFFF0]  }
0x18f: {  	v5 =	vld [tilespmem:s0+$0x0]  }
0x190: {  	s2 =	simm.s32 $0x7700;
	v4 =	vld [tilespmem:s0+$0x10]  }
0x191: {  	[tilespmem:v6+s2+$0x0] =	vst.idx.add.f32.msk $0xffff, v8  }
0x192: {  	[tilespmem:v7+s2+$0x0] =	vst.idx.add.f32.msk $0xffff, v9  }
0x193: {  	s19 =	rddreg [dreg:$0x8]  }
0x194: {  	s3 =	simm.s32 $0x0;
	s4 =	simm.s32 $0x70;
	s20 =	rddreg [dreg:$0x9]  }
.LBB2_11:
0x195: {  	v6 =	vld [tilespmem:s4+$0x20];
	s3 =	sadd.s32 $0x5, s3;
	v7 =	vmov v5  }
0x196: {  	v5 =	vld [tilespmem:s4+$0xFFFFFFF0];
	p0 =	slt.u32 s3, $0x26C;
	v8 =	vmov v4  }
0x197: {  	v4 =	vld [tilespmem:s4+$0x0]  }
0x198: {  	v9 =	vld [tilespmem:s4+$0x10]  }
0x199: {  	v10 =	vld [tilespmem:s4+$0xFFFFFFE0]  }
0x19a: {  	s0 =	sadd.s32 $0x50, s0;
	[tilespmem:v3+s2+$0x0] =	vst.idx.add.f32.msk $0xffff, v2  }
0x19b: {  	v11 =	vld [tilespmem:s0+$0x20]  }
0x19c: {  	v12 =	vld [tilespmem:s0+$0xFFFFFFE0]  }
0x19d: {  	v6 =	vld.idx.msk [tilespmem:v6+s1+$0x0], $0xffff  }
0x19e: {  	v2 =	vld.idx.msk [tilespmem:v5+s1+$0x0], $0xffff  }
0x19f: {  	v13 =	vld.idx.msk [tilespmem:v4+s1+$0x0], $0xffff  }
0x1a0: {  	v9 =	vld.idx.msk [tilespmem:v9+s1+$0x0], $0xffff  }
0x1a1: {  	v10 =	vld.idx.msk [tilespmem:v10+s1+$0x0], $0xffff  }
0x1a2: {  	v3 =	vld [tilespmem:s0+$0xFFFFFFF0]  }
0x1a3: {  	[tilespmem:v11+s2+$0x0] =	vst.idx.add.f32.msk $0xffff, v6  }
.Ltmp5:
0x1a4: {  	v5 =	vld [tilespmem:s0+$0x0];
	(pc) =	sbr.rel @p0 .LBB2_11-.Ltmp5, $4  }
0x1a5: {  	v4 =	vld [tilespmem:s0+$0x10]  }
0x1a6: {  	[tilespmem:v7+s2+$0x0] =	vst.idx.add.f32.msk $0xffff, v0;
	v0 =	vmov v13  }
0x1a7: {  	[tilespmem:v12+s2+$0x0] =	vst.idx.add.f32.msk $0xffff, v10  }
0x1a8: {  	s4 =	sadd.s32 $0x50, s4;
	[tilespmem:v8+s2+$0x0] =	vst.idx.add.f32.msk $0xffff, v1;
	v1 =	vmov v9  }
0x1a9: {  	_ =	sdelay $0x3  }
0x1aa: {  	[tilespmem:v3+s2+$0x0] =	vst.idx.add.f32.msk $0xffff, v2  }
0x1ab: {  	[tilespmem:v5+s2+$0x0] =	vst.idx.add.f32.msk $0xffff, v0;
	s0 =	simm.s32 $0x80  }
0x1ac: {  	s1 =	simm.s32 $0x400;
	s11 =	simm.s32 $0x7700;
	s12 =	simm.s32 $0x3;
	[tilespmem:v4+s2+$0x0] =	vst.idx.add.f32.msk $0xffff, v1  }
0x1ad: {  	[spmem:s19] =	stream.strided.scatter [tilespmem:s11], [sflag:$0x3], $0x2800, s1, s0, $0x38;
	[tilespmem:$0x17510] =	vst v63  }
0x1ae: {  	_ =	swait.ge [sflag:s12], $0x2800  }
0x1af: {  	[sflag:s12] =	ssyncset.done $0x0  }
0x1b0: {  	s13 =	simm.s32 $0x1400;
	s14 =	simm.s32 $0x14000;
	[sflag:s12] =	ssyncadd.s32 $0xFFFFD800  }
0x1b1: {  	s3 =	simm.s32 $0xA680;
	s1 =	simm.s32 $0x0;
	[bflag:$0x0] =	sbarrier.arrive $0xFFFF  }
0x1b2: {  	[tilespmem:s3], [sflag:$0x3] =	stream.strided.gather [spmem:s20], $0x2800, s14, s13, $0x38;
	[tilespmem:$0x17510] =	vst v63  }
0x1b3: {  	s0 =	sand.u32 $0x60, s1;
	s15 =	sand.u32 $0x1C00, s1;
	_ =	swait.ge [sflag:s12], $0x2800  }
0x1b4: {  	s4 =	sadd.s32 $0xA680, s15;
	s5 =	sor.u32 $0x10, s0;
	[sflag:s12] =	ssyncset.done $0x0  }
0x1b5: {  	s16 =	sor.u32 s5, s4;
	[sflag:s12] =	ssyncadd.s32 $0xFFFFD800  }
0x1b6: {  	v0 =	vld [tilespmem:s16+$0x0]  }
0x1b7: {  	s4 =	sor.u32 s0, s4;
	v1 =	vld [tilespmem:s16+$0x80]  }
0x1b8: {  	v2 =	vld [tilespmem:s4+$0x0]  }
0x1b9: {  	v3 =	vld [tilespmem:s16+$0x100]  }
0x1ba: {  	v4 =	vld [tilespmem:s4+$0x80]  }
0x1bb: {  	v5 =	vld [tilespmem:s16+$0x180]  }
0x1bc: {  	v6 =	vld [tilespmem:s4+$0x100]  }
0x1bd: {  	v7 =	vld [tilespmem:s16+$0x200]  }
0x1be: {  	v8 =	vld [tilespmem:s4+$0x180]  }
0x1bf: {  	v9 =	vld [tilespmem:s16+$0x280]  }
0x1c0: {  	v10 =	vld [tilespmem:s4+$0x200]  }
0x1c1: {  	v11 =	vld [tilespmem:s16+$0x300]  }
0x1c2: {  	v12 =	vld [tilespmem:s4+$0x280]  }
0x1c3: {  	s6 =	sadd.s32 $0xBA80, s15;
	v13 =	vld [tilespmem:s16+$0x380]  }
0x1c4: {  	s21 =	sor.u32 s5, s6;
	v14 =	vld [tilespmem:s4+$0x300]  }
0x1c5: {  	s7 =	sadd.s32 $0xBB00, s15;
	v15 =	vld [tilespmem:s21+$0x0]  }
0x1c6: {  	s22 =	sor.u32 s5, s7;
	v16 =	vld [tilespmem:s4+$0x380]  }
0x1c7: {  	s24 =	sadd.s32 $0xBB80, s15;
	s23 =	sor.u32 s0, s6;
	v17 =	vld [tilespmem:s22+$0x0]  }
0x1c8: {  	s25 =	sor.u32 s5, s24;
	v18 =	vld [tilespmem:s23+$0x0]  }
0x1c9: {  	s28 =	sadd.s32 $0xBC00, s15;
	s26 =	sor.u32 s0, s7;
	v19 =	vld [tilespmem:s25+$0x0]  }
0x1ca: {  	s29 =	sor.u32 s5, s28;
	v20 =	vld [tilespmem:s26+$0x0]  }
0x1cb: {  	s30 =	sor.u32 s0, s24;
	v21 =	vld [tilespmem:s29+$0x0]  }
0x1cc: {  	s9 =	sadd.s32 $0xBD00, s15;
	s7 =	sor.u32 s0, s28;
	v22 =	vld [tilespmem:s30+$0x0]  }
0x1cd: {  	s31 =	sadd.s32 $0xBC80, s15;
	s10 =	sor.u32 s5, s9;
	v24 =	vld [tilespmem:s7+$0x0]  }
0x1ce: {  	s11 =	sor.u32 s0, s31;
	v25 =	vld [tilespmem:s10+$0x0]  }
0x1cf: {  	s14 =	sor.u32 s0, s9;
	s3 =	sadd.s32 $0xBE00, s15;
	v26 =	vld [tilespmem:s11+$0x0]  }
0x1d0: {  	s12 =	sadd.s32 $0xBD80, s15;
	s15 =	sor.u32 s5, s3;
	v28 =	vld [tilespmem:s14+$0x0]  }
0x1d1: {  	s4 =	sor.u32 s5, s31;
	v29 =	vld [tilespmem:s15+$0x0]  }
0x1d2: {  	s13 =	sor.u32 s5, s12;
	v23 =	vld [tilespmem:s4+$0x0]  }
0x1d3: {  	s1 =	sand.u32 $0x380, s1;
	s16 =	sor.u32 s0, s12;
	s21 =	simm.s32 $0x100;
	v27 =	vld [tilespmem:s13+$0x0]  }
0x1d4: {  	s9 =	simm.s32 $0x20;
	s11 =	sor.u32 s1, s5;
	v30 =	vld [tilespmem:s16+$0x0];
	s1 =	sand.u32 $0x1C00, s21  }
0x1d5: {  	s0 =	sor.u32 s0, s3;
	s12 =	sand.u32 $0x60, s9;
	v31 =	vld [tilespmem:s11+$0x9F00];
	s23 =	sadd.s32 $0xA680, s1  }
0x1d6: {  	v32 =	vld [tilespmem:s0+$0x0];
	s0 =	sor.u32 $0x10, s12;
	s3 =	sor.u32 s12, s23  }
0x1d7: {  	s24 =	sor.u32 s0, s23;
	v47 =	vld [tilespmem:s3+$0x80];
	v0 =	vadd.f32 v1, v0  }
0x1d8: {  	v48 =	vld [tilespmem:s24+$0x180];
	v1 =	vadd.f32 v4, v2  }
0x1d9: {  	v49 =	vld [tilespmem:s24+$0x200];
	v0 =	vadd.f32 v3, v0  }
0x1da: {  	v1 =	vadd.f32 v6, v1;
	v6 =	vld [tilespmem:s24+$0x0]  }
0x1db: {  	v0 =	vadd.f32 v5, v0;
	v5 =	vld [tilespmem:s24+$0x80]  }
0x1dc: {  	v50 =	vld [tilespmem:s24+$0x280];
	v1 =	vadd.f32 v8, v1  }
0x1dd: {  	v0 =	vadd.f32 v7, v0;
	v7 =	vld [tilespmem:s24+$0x100]  }
0x1de: {  	v8 =	vld [tilespmem:s3+$0x0];
	v1 =	vadd.f32 v10, v1  }
0x1df: {  	v51 =	vld [tilespmem:s3+$0x200];
	v0 =	vadd.f32 v9, v0  }
0x1e0: {  	v1 =	vadd.f32 v12, v1;
	v5 =	vadd.f32 v5, v6;
	v6 =	vld [tilespmem:s3+$0x100]  }
0x1e1: {  	v52 =	vld [tilespmem:s24+$0x300];
	v0 =	vadd.f32 v11, v0  }
0x1e2: {  	s25 =	sadd.s32 $0xBA80, s1;
	v1 =	vadd.f32 v14, v1;
	v5 =	vadd.f32 v7, v5;
	v7 =	vld [tilespmem:s3+$0x180]  }
0x1e3: {  	s26 =	sor.u32 s0, s25;
	v53 =	vld [tilespmem:s24+$0x380];
	v8 =	vadd.f32 v47, v8;
	v0 =	vadd.f32 v13, v0  }
0x1e4: {  	v54 =	vld [tilespmem:s26+$0x0];
	v1 =	vadd.f32 v16, v1;
	v5 =	vadd.f32 v48, v5  }
0x1e5: {  	s28 =	sadd.s32 $0xBB00, s1;
	v55 =	vld [tilespmem:s3+$0x380];
	v0 =	vadd.f32 v15, v0;
	v6 =	vadd.f32 v6, v8  }
0x1e6: {  	s29 =	sor.u32 s0, s28;
	v1 =	vadd.f32 v18, v1;
	v8 =	vld [tilespmem:s3+$0x280];
	v5 =	vadd.f32 v49, v5  }
0x1e7: {  	s10 =	sadd.s32 $0xBC00, s1;
	v56 =	vld [tilespmem:s29+$0x0];
	v0 =	vadd.f32 v17, v0;
	v6 =	vadd.f32 v7, v6  }
0x1e8: {  	s31 =	sadd.s32 $0xBB80, s1;
	s13 =	sor.u32 s0, s10;
	v1 =	vadd.f32 v20, v1;
	v7 =	vld [tilespmem:s3+$0x300];
	v5 =	vadd.f32 v50, v5  }
0x1e9: {  	s15 =	sadd.s32 $0xBC80, s1;
	s14 =	sor.u32 s12, s31;
	v58 =	vld [tilespmem:s13+$0x0];
	v0 =	vadd.f32 v19, v0;
	v6 =	vadd.f32 v51, v6  }
0x1ea: {  	s16 =	sor.u32 s0, s15;
	v59 =	vld [tilespmem:s14+$0x0];
	v1 =	vadd.f32 v22, v1;
	v5 =	vadd.f32 v52, v5  }
0x1eb: {  	s30 =	sor.u32 s12, s25;
	v60 =	vld [tilespmem:s16+$0x0];
	v0 =	vadd.f32 v21, v0;
	v6 =	vadd.f32 v8, v6  }
0x1ec: {  	s3 =	sor.u32 s0, s31;
	v1 =	vadd.f32 v24, v1;
	v8 =	vld [tilespmem:s30+$0x0];
	v5 =	vadd.f32 v53, v5  }
0x1ed: {  	s6 =	sor.u32 s12, s28;
	v57 =	vld [tilespmem:s3+$0x0];
	v0 =	vadd.f32 v23, v0;
	v6 =	vadd.f32 v7, v6  }
0x1ee: {  	v1 =	vadd.f32 v26, v1;
	v7 =	vld [tilespmem:s6+$0x0];
	v5 =	vadd.f32 v54, v5  }
0x1ef: {  	s22 =	simm.s32 $0x9F00;
	v2 =	vld [tilespmem:s11+$0xA180];
	v0 =	vadd.f32 v25, v0;
	v6 =	vadd.f32 v55, v6  }
0x1f0: {  	s7 =	simm.s32 $0xA180;
	v4 =	vld [tilespmem:s22+$0x0];
	v1 =	vadd.f32 v28, v1;
	v5 =	vadd.f32 v56, v5  }
0x1f1: {  	s21 =	sor.u32 s12, s10;
	s22 =	sadd.s32 $0xBD00, s1;
	v3 =	vld [tilespmem:s7+$0x0];
	v0 =	vadd.f32 v27, v0;
	v6 =	vadd.f32 v8, v6  }
0x1f2: {  	s23 =	sor.u32 s0, s22;
	v1 =	vadd.f32 v30, v1;
	v8 =	vld [tilespmem:s21+$0x0];
	v5 =	vadd.f32 v57, v5  }
0x1f3: {  	s25 =	sadd.s32 $0xBD80, s1;
	v61 =	vld [tilespmem:s23+$0x0];
	s24 =	sor.u32 s12, s15;
	v0 =	vadd.f32 v29, v0;
	v6 =	vadd.f32 v7, v6  }
0x1f4: {  	s26 =	sor.u32 s0, s25;
	v1 =	vadd.f32 v32, v1;
	v7 =	vld [tilespmem:s24+$0x0];
	v5 =	vadd.f32 v58, v5  }
0x1f5: {  	s1 =	sadd.s32 $0xBE00, s1;
	v62 =	vld [tilespmem:s26+$0x0];
	s28 =	sor.u32 s12, s22;
	v0 =	vmul.f32 v31, v0;
	v6 =	vadd.f32 v59, v6  }
0x1f6: {  	s29 =	sor.u32 s0, s1;
	v4 =	vmul.f32 v4, v1;
	v1 =	vld [tilespmem:s28+$0x0];
	v5 =	vadd.f32 v60, v5  }
0x1f7: {  	s31 =	sand.u32 $0x380, s9;
	s30 =	sor.u32 s12, s25;
	v63 =	vmul.f32 v2, v0;
	v0 =	vld [tilespmem:s29+$0x0];
	v6 =	vadd.f32 v8, v6  }
0x1f8: {  	s0 =	sor.u32 s31, s0;
	v4 =	vmul.f32 v3, v4;
	v2 =	vld [tilespmem:s30+$0x0];
	v5 =	vadd.f32 v61, v5  }
0x1f9: {  	s10 =	simm.s32 $0x2;
	s1 =	sor.u32 s12, s1;
	s9 =	simm.s32 $0xA400;
	v3 =	vld [tilespmem:s0+$0x9F00];
	[tilespmem:s11+$0xA400] =	vst v63;
	v6 =	vadd.f32 v7, v6  }
0x1fa: {  	s13 =	simm.s32 $0x40;
	s12 =	simm.s32 $0x200;
	[tilespmem:s9+$0x0] =	vst v4;
	v4 =	vld [tilespmem:s1+$0x0];
	s11 =	simm.s32 $0x9F20;
	v5 =	vadd.f32 v62, v5  }
.LBB2_13:
0x1fb: {  	s15 =	sand.u32 $0x60, s13;
	s16 =	sand.u32 $0x1C00, s12;
	v1 =	vadd.f32 v1, v6;
	v6 =	vld [tilespmem:s0+$0xA180];
	s7 =	sadd.s32 $0x20, s7  }
0x1fc: {  	s10 =	sadd.s32 $0x2, s10;
	s1 =	sadd.s32 $0xA680, s16;
	s14 =	sor.u32 $0x10, s15;
	v7 =	vld [tilespmem:s11+$0x0];
	v0 =	vadd.f32 v0, v5  }
0x1fd: {  	p0 =	slt.u32 s10, $0x26;
	s2 =	sor.u32 s15, s1;
	s1 =	sor.u32 s14, s1;
	v1 =	vadd.f32 v2, v1;
	v2 =	vld [tilespmem:s7+$0x0]  }
0x1fe: {  	v5 =	vld [tilespmem:s1+$0x0];
	v0 =	vmul.f32 v3, v0  }
0x1ff: {  	v3 =	vld [tilespmem:s1+$0x80];
	v1 =	vadd.f32 v4, v1  }
0x200: {  	v4 =	vld [tilespmem:s2+$0x0];
	v0 =	vmul.f32 v6, v0  }
0x201: {  	v6 =	vld [tilespmem:s1+$0x100];
	v1 =	vmul.f32 v7, v1  }
0x202: {  	v7 =	vld [tilespmem:s2+$0x80];
	[tilespmem:s0+$0xA400] =	vst v0  }
0x203: {  	v0 =	vld [tilespmem:s1+$0x180];
	v1 =	vmul.f32 v2, v1  }
0x204: {  	s9 =	sadd.s32 $0x20, s9;
	v2 =	vld [tilespmem:s2+$0x100];
	v3 =	vadd.f32 v3, v5  }
0x205: {  	v5 =	vld [tilespmem:s1+$0x200];
	[tilespmem:s9+$0x0] =	vst v1  }
0x206: {  	v1 =	vld [tilespmem:s2+$0x180];
	v3 =	vadd.f32 v6, v3  }
0x207: {  	v4 =	vadd.f32 v7, v4;
	v6 =	vld [tilespmem:s1+$0x280]  }
0x208: {  	v7 =	vld [tilespmem:s2+$0x200];
	v0 =	vadd.f32 v0, v3  }
0x209: {  	v2 =	vadd.f32 v2, v4;
	v3 =	vld [tilespmem:s1+$0x300]  }
0x20a: {  	v4 =	vld [tilespmem:s2+$0x280];
	v0 =	vadd.f32 v5, v0  }
0x20b: {  	s0 =	sadd.s32 $0xBA80, s16;
	v1 =	vadd.f32 v1, v2;
	v2 =	vld [tilespmem:s1+$0x380]  }
0x20c: {  	s1 =	sor.u32 s15, s0;
	s0 =	sor.u32 s14, s0;
	v5 =	vld [tilespmem:s2+$0x300];
	v0 =	vadd.f32 v6, v0  }
0x20d: {  	s3 =	sadd.s32 $0xBB00, s16;
	v1 =	vadd.f32 v7, v1;
	v6 =	vld [tilespmem:s0+$0x0]  }
0x20e: {  	s0 =	sor.u32 s15, s3;
	v7 =	vld [tilespmem:s2+$0x380];
	v0 =	vadd.f32 v3, v0;
	s2 =	sor.u32 s14, s3  }
0x20f: {  	s3 =	sadd.s32 $0xBB80, s16;
	v1 =	vadd.f32 v4, v1;
	v3 =	vld [tilespmem:s2+$0x0]  }
0x210: {  	s2 =	sor.u32 s14, s3;
	v4 =	vld [tilespmem:s1+$0x0];
	s1 =	sor.u32 s15, s3;
	v0 =	vadd.f32 v2, v0  }
0x211: {  	s3 =	sadd.s32 $0xBC00, s16;
	v1 =	vadd.f32 v5, v1;
	v2 =	vld [tilespmem:s2+$0x0]  }
0x212: {  	s2 =	sor.u32 s14, s3;
	v5 =	vld [tilespmem:s0+$0x0];
	s0 =	sor.u32 s15, s3;
	v0 =	vadd.f32 v6, v0  }
0x213: {  	s3 =	sadd.s32 $0xBC80, s16;
	v1 =	vadd.f32 v7, v1;
	v6 =	vld [tilespmem:s2+$0x0]  }
0x214: {  	s2 =	sor.u32 s14, s3;
	v7 =	vld [tilespmem:s1+$0x0];
	s1 =	sor.u32 s15, s3;
	v0 =	vadd.f32 v3, v0  }
0x215: {  	s3 =	sadd.s32 $0xBD00, s16;
	v1 =	vadd.f32 v4, v1;
	v3 =	vld [tilespmem:s2+$0x0]  }
0x216: {  	s2 =	sor.u32 s14, s3;
	v4 =	vld [tilespmem:s0+$0x0];
	s0 =	sor.u32 s15, s3;
	v0 =	vadd.f32 v2, v0  }
0x217: {  	s3 =	sadd.s32 $0xBD80, s16;
	v1 =	vadd.f32 v5, v1;
	v5 =	vld [tilespmem:s2+$0x0]  }
0x218: {  	s2 =	sor.u32 s14, s3;
	v8 =	vld [tilespmem:s1+$0x0];
	s1 =	sor.u32 s15, s3;
	v0 =	vadd.f32 v6, v0  }
0x219: {  	s3 =	sadd.s32 $0xBE00, s16;
	v2 =	vadd.f32 v7, v1;
	v7 =	vld [tilespmem:s2+$0x0]  }
.Ltmp6:
0x21a: {  	s2 =	sor.u32 s15, s3;
	v1 =	vld [tilespmem:s0+$0x0];
	v3 =	vadd.f32 v3, v0;
	s0 =	sor.u32 s14, s3;
	(pc) =	sbr.rel @p0 .LBB2_13-.Ltmp6, $4  }
0x21b: {  	v4 =	vadd.f32 v4, v2;
	v0 =	vld [tilespmem:s0+$0x0];
	s0 =	sand.u32 $0x380, s13  }
0x21c: {  	v2 =	vld [tilespmem:s1+$0x0];
	v5 =	vadd.f32 v5, v3;
	s0 =	sor.u32 s0, s14  }
0x21d: {  	v6 =	vadd.f32 v8, v4;
	v3 =	vld [tilespmem:s0+$0x9F00]  }
0x21e: {  	s12 =	sadd.s32 $0x100, s12;
	s11 =	sadd.s32 $0x20, s11;
	s13 =	sadd.s32 $0x20, s13;
	v4 =	vld [tilespmem:s2+$0x0];
	v5 =	vadd.f32 v7, v5  }
0x21f: {  	v1 =	vadd.f32 v1, v6  }
0x220: {  	v63 =	vld [tilespmem:s11+$0x0]  }
0x221: {  	v7 =	vld [tilespmem:s0+$0xA180];
	s1 =	sadd.s32 $0x20, s7;
	v1 =	vadd.f32 v2, v1  }
0x222: {  	v0 =	vadd.f32 v0, v5;
	v2 =	vld [tilespmem:s1+$0x0]  }
0x223: {  	v1 =	vadd.f32 v4, v1  }
0x224: {  	v0 =	vmul.f32 v3, v0  }
0x225: {  	v1 =	vmul.f32 v63, v1  }
0x226: {  	v0 =	vmul.f32 v7, v0  }
0x227: {  	v1 =	vmul.f32 v2, v1  }
0x228: {  	s28 =	sadd.s32 $0x20, s9;
	[tilespmem:s0+$0xA400] =	vst v0  }
0x229: {  	s29 =	simm.s32 $0xA400;
	s30 =	simm.s32 $0x3;
	[tilespmem:s28+$0x0] =	vst v1  }
0x22a: {  	[spmem:s8] =	stream.linear.scatter [tilespmem:s29], [sflag:$0x3], $0x280, $0x38;
	[tilespmem:$0x17510] =	vst v63  }
0x22b: {  	_ =	swait.ge [sflag:s30], $0x280  }
0x22c: {  	[sflag:s30] =	ssyncset.done $0x0  }
0x22d: {  	[sflag:s30] =	ssyncadd.s32 $0xFFFFFD80  }
0x22e: {  	s31 =	simm.s32 $0x4F00;
	s0 =	simm.s32 $0x7740;
	[bflag:$0x0] =	sbarrier.arrive $0xFFFF  }
0x22f: {  	v0 =	vimm.f32 $0.0e+00;
	[tilespmem:s31], [sflag:$0x1] =	stream.linear.gather [spmem:s18], $0x2800, $0x38;
	[tilespmem:$0x17510] =	vst v63  }
0x230: {  	[tilespmem:s0+$0xFFFFFFC0] =	vst v0  }
0x231: {  	[tilespmem:s0+$0x30] =	vst v0  }
0x232: {  	[tilespmem:s0+$0x20] =	vst v0  }
0x233: {  	[tilespmem:s0+$0x10] =	vst v0  }
0x234: {  	[tilespmem:s0+$0x0] =	vst v0  }
0x235: {  	[tilespmem:s0+$0xFFFFFFF0] =	vst v0  }
0x236: {  	s1 =	simm.s32 $0x0;
	[tilespmem:s0+$0xFFFFFFE0] =	vst v0  }
.LBB2_15:
0x237: {  	s1 =	sadd.s32 $0x8, s1;
	[tilespmem:s0+$0xFFFFFFD0] =	vst v0;
	s0 =	sadd.s32 $0x80, s0  }
0x238: {  	[tilespmem:s0+$0xFFFFFFC0] =	vst v0;
	p0 =	slt.u32 s1, $0x278  }
0x239: {  	[tilespmem:s0+$0x30] =	vst v0  }
.Ltmp7:
0x23a: {  	[tilespmem:s0+$0x20] =	vst v0;
	(pc) =	sbr.rel @p0 .LBB2_15-.Ltmp7, $4  }
0x23b: {  	[tilespmem:s0+$0x10] =	vst v0  }
0x23c: {  	[tilespmem:s0+$0x0] =	vst v0  }
0x23d: {  	[tilespmem:s0+$0xFFFFFFF0] =	vst v0  }
0x23e: {  	[tilespmem:s0+$0xFFFFFFE0] =	vst v0  }
0x23f: {  	[tilespmem:s0+$0xFFFFFFD0] =	vst v0;
	s30 =	simm.s32 $0x1  }
0x240: {  	_ =	swait.ge [sflag:s30], $0x2800  }
0x241: {  	[sflag:s30] =	ssyncset.done $0x0  }
0x242: {  	s31 =	simm.s32 $0x20;
	[sflag:s30] =	ssyncadd.s32 $0xFFFFD800  }
0x243: {  	v0 =	vld [tilespmem:s31+$0x20]  }
0x244: {  	v1 =	vld [tilespmem:s31+$0xFFFFFFF0]  }
0x245: {  	v3 =	vld [tilespmem:s31+$0x0]  }
0x246: {  	v4 =	vld [tilespmem:s31+$0x10]  }
0x247: {  	v5 =	vld [tilespmem:s31+$0xFFFFFFE0]  }
0x248: {  	s0 =	simm.s32 $0x27A0  }
0x249: {  	v6 =	vld [tilespmem:s0+$0x20]  }
0x24a: {  	s1 =	simm.s32 $0x4F00;
	v7 =	vld [tilespmem:s0+$0xFFFFFFE0]  }
0x24b: {  	v8 =	vld.idx.msk [tilespmem:v0+s1+$0x0], $0xffff  }
0x24c: {  	v2 =	vld.idx.msk [tilespmem:v1+s1+$0x0], $0xffff  }
0x24d: {  	v0 =	vld.idx.msk [tilespmem:v3+s1+$0x0], $0xffff  }
0x24e: {  	v1 =	vld.idx.msk [tilespmem:v4+s1+$0x0], $0xffff  }
0x24f: {  	v9 =	vld.idx.msk [tilespmem:v5+s1+$0x0], $0xffff  }
0x250: {  	v5 =	vld [tilespmem:s0+$0x0]  }
0x251: {  	v4 =	vld [tilespmem:s0+$0x10]  }
0x252: {  	s2 =	simm.s32 $0x7700;
	v3 =	vld [tilespmem:s0+$0xFFFFFFF0]  }
0x253: {  	[tilespmem:v6+s2+$0x0] =	vst.idx.add.f32.msk $0xffff, v8  }
0x254: {  	s3 =	simm.s32 $0x0;
	s4 =	simm.s32 $0x70;
	[tilespmem:v7+s2+$0x0] =	vst.idx.add.f32.msk $0xffff, v9  }
.LBB2_17:
0x255: {  	v6 =	vld [tilespmem:s4+$0x20];
	s3 =	sadd.s32 $0x5, s3;
	v7 =	vmov v5  }
0x256: {  	v5 =	vld [tilespmem:s4+$0xFFFFFFF0];
	p0 =	slt.u32 s3, $0x26C;
	v8 =	vmov v4  }
0x257: {  	v4 =	vld [tilespmem:s4+$0x0]  }
0x258: {  	v9 =	vld [tilespmem:s4+$0x10]  }
0x259: {  	v10 =	vld [tilespmem:s4+$0xFFFFFFE0]  }
0x25a: {  	s0 =	sadd.s32 $0x50, s0;
	[tilespmem:v3+s2+$0x0] =	vst.idx.add.f32.msk $0xffff, v2  }
0x25b: {  	v11 =	vld [tilespmem:s0+$0x20]  }
0x25c: {  	v12 =	vld [tilespmem:s0+$0xFFFFFFE0]  }
0x25d: {  	v6 =	vld.idx.msk [tilespmem:v6+s1+$0x0], $0xffff  }
0x25e: {  	v2 =	vld.idx.msk [tilespmem:v5+s1+$0x0], $0xffff  }
0x25f: {  	v13 =	vld.idx.msk [tilespmem:v4+s1+$0x0], $0xffff  }
0x260: {  	v9 =	vld.idx.msk [tilespmem:v9+s1+$0x0], $0xffff  }
0x261: {  	v10 =	vld.idx.msk [tilespmem:v10+s1+$0x0], $0xffff  }
0x262: {  	v3 =	vld [tilespmem:s0+$0xFFFFFFF0]  }
0x263: {  	[tilespmem:v11+s2+$0x0] =	vst.idx.add.f32.msk $0xffff, v6  }
.Ltmp8:
0x264: {  	v5 =	vld [tilespmem:s0+$0x0];
	(pc) =	sbr.rel @p0 .LBB2_17-.Ltmp8, $4  }
0x265: {  	v4 =	vld [tilespmem:s0+$0x10]  }
0x266: {  	[tilespmem:v7+s2+$0x0] =	vst.idx.add.f32.msk $0xffff, v0;
	v0 =	vmov v13  }
0x267: {  	[tilespmem:v12+s2+$0x0] =	vst.idx.add.f32.msk $0xffff, v10  }
0x268: {  	s4 =	sadd.s32 $0x50, s4;
	[tilespmem:v8+s2+$0x0] =	vst.idx.add.f32.msk $0xffff, v1;
	v1 =	vmov v9  }
0x269: {  	_ =	sdelay $0x3  }
0x26a: {  	[tilespmem:v3+s2+$0x0] =	vst.idx.add.f32.msk $0xffff, v2  }
0x26b: {  	[tilespmem:v5+s2+$0x0] =	vst.idx.add.f32.msk $0xffff, v0;
	s0 =	simm.s32 $0x80  }
0x26c: {  	s1 =	simm.s32 $0x400;
	s15 =	simm.s32 $0x7700;
	s16 =	simm.s32 $0x3;
	[tilespmem:v4+s2+$0x0] =	vst.idx.add.f32.msk $0xffff, v1  }
0x26d: {  	[spmem:s19] =	stream.strided.scatter [tilespmem:s15], [sflag:$0x3], $0x2800, s1, s0, $0x38;
	[tilespmem:$0x17510] =	vst v63  }
0x26e: {  	_ =	swait.ge [sflag:s16], $0x2800  }
0x26f: {  	[sflag:s16] =	ssyncset.done $0x0  }
0x270: {  	s21 =	simm.s32 $0x14000;
	s3 =	simm.s32 $0xA680;
	[sflag:s16] =	ssyncadd.s32 $0xFFFFD800  }
0x271: {  	s19 =	simm.s32 $0x1400;
	s1 =	simm.s32 $0x0;
	[bflag:$0x0] =	sbarrier.arrive $0xFFFF  }
0x272: {  	[tilespmem:s3], [sflag:$0x3] =	stream.strided.gather [spmem:s20], $0x2800, s21, s19, $0x38;
	[tilespmem:$0x17510] =	vst v63  }
0x273: {  	s0 =	sand.u32 $0x60, s1;
	s22 =	sand.u32 $0x1C00, s1;
	_ =	swait.ge [sflag:s16], $0x2800  }
0x274: {  	s4 =	sadd.s32 $0xA680, s22;
	s5 =	sor.u32 $0x10, s0;
	[sflag:s16] =	ssyncset.done $0x0  }
0x275: {  	s23 =	sor.u32 s5, s4;
	[sflag:s16] =	ssyncadd.s32 $0xFFFFD800  }
0x276: {  	v0 =	vld [tilespmem:s23+$0x0]  }
0x277: {  	s4 =	sor.u32 s0, s4;
	v1 =	vld [tilespmem:s23+$0x80]  }
0x278: {  	v2 =	vld [tilespmem:s4+$0x0]  }
0x279: {  	v3 =	vld [tilespmem:s23+$0x100]  }
0x27a: {  	v4 =	vld [tilespmem:s4+$0x80]  }
0x27b: {  	v5 =	vld [tilespmem:s23+$0x180]  }
0x27c: {  	v6 =	vld [tilespmem:s4+$0x100]  }
0x27d: {  	v7 =	vld [tilespmem:s23+$0x200]  }
0x27e: {  	v8 =	vld [tilespmem:s4+$0x180]  }
0x27f: {  	v9 =	vld [tilespmem:s23+$0x280]  }
0x280: {  	v10 =	vld [tilespmem:s4+$0x200]  }
0x281: {  	v11 =	vld [tilespmem:s23+$0x300]  }
0x282: {  	v12 =	vld [tilespmem:s4+$0x280]  }
0x283: {  	s6 =	sadd.s32 $0xBA80, s22;
	v13 =	vld [tilespmem:s23+$0x380]  }
0x284: {  	s24 =	sor.u32 s5, s6;
	v14 =	vld [tilespmem:s4+$0x300]  }
0x285: {  	s7 =	sadd.s32 $0xBB00, s22;
	v15 =	vld [tilespmem:s24+$0x0]  }
0x286: {  	s25 =	sor.u32 s5, s7;
	v16 =	vld [tilespmem:s4+$0x380]  }
0x287: {  	s28 =	sadd.s32 $0xBB80, s22;
	s26 =	sor.u32 s0, s6;
	v17 =	vld [tilespmem:s25+$0x0]  }
0x288: {  	s29 =	sor.u32 s5, s28;
	v18 =	vld [tilespmem:s26+$0x0]  }
0x289: {  	s31 =	sadd.s32 $0xBC00, s22;
	s30 =	sor.u32 s0, s7;
	v19 =	vld [tilespmem:s29+$0x0]  }
0x28a: {  	s9 =	sor.u32 s5, s31;
	v20 =	vld [tilespmem:s30+$0x0]  }
0x28b: {  	s11 =	sadd.s32 $0xBC80, s22;
	s10 =	sor.u32 s0, s28;
	v21 =	vld [tilespmem:s9+$0x0]  }
0x28c: {  	s12 =	sor.u32 s5, s11;
	v22 =	vld [tilespmem:s10+$0x0]  }
0x28d: {  	s14 =	sadd.s32 $0xBD00, s22;
	s13 =	sor.u32 s0, s31;
	v23 =	vld [tilespmem:s12+$0x0]  }
0x28e: {  	s15 =	sor.u32 s5, s14;
	v24 =	vld [tilespmem:s13+$0x0]  }
0x28f: {  	s19 =	sadd.s32 $0xBD80, s22;
	s16 =	sor.u32 s0, s11;
	v25 =	vld [tilespmem:s15+$0x0]  }
0x290: {  	s20 =	sor.u32 s5, s19;
	v26 =	vld [tilespmem:s16+$0x0]  }
0x291: {  	s21 =	sor.u32 s0, s14;
	s3 =	sadd.s32 $0xBE00, s22;
	v27 =	vld [tilespmem:s20+$0x0]  }
0x292: {  	s22 =	sor.u32 s5, s3;
	v28 =	vld [tilespmem:s21+$0x0]  }
0x293: {  	s1 =	sand.u32 $0x380, s1;
	s23 =	sor.u32 s0, s19;
	v29 =	vld [tilespmem:s22+$0x0];
	s24 =	simm.s32 $0x100  }
0x294: {  	s6 =	simm.s32 $0x20;
	s9 =	sor.u32 s1, s5;
	v30 =	vld [tilespmem:s23+$0x0];
	s1 =	sand.u32 $0x1C00, s24  }
0x295: {  	s0 =	sor.u32 s0, s3;
	s10 =	sand.u32 $0x60, s6;
	v31 =	vld [tilespmem:s9+$0x9F00];
	s26 =	sadd.s32 $0xA680, s1  }
0x296: {  	v32 =	vld [tilespmem:s0+$0x0];
	s0 =	sor.u32 $0x10, s10;
	s3 =	sor.u32 s10, s26  }
0x297: {  	s28 =	sor.u32 s0, s26;
	v47 =	vld [tilespmem:s3+$0x80];
	v0 =	vadd.f32 v1, v0  }
0x298: {  	v48 =	vld [tilespmem:s28+$0x180];
	v1 =	vadd.f32 v4, v2  }
0x299: {  	v49 =	vld [tilespmem:s28+$0x200];
	v0 =	vadd.f32 v3, v0  }
0x29a: {  	v1 =	vadd.f32 v6, v1;
	v6 =	vld [tilespmem:s28+$0x0]  }
0x29b: {  	v0 =	vadd.f32 v5, v0;
	v5 =	vld [tilespmem:s28+$0x80]  }
0x29c: {  	v50 =	vld [tilespmem:s28+$0x280];
	v1 =	vadd.f32 v8, v1  }
0x29d: {  	v0 =	vadd.f32 v7, v0;
	v7 =	vld [tilespmem:s28+$0x100]  }
0x29e: {  	v8 =	vld [tilespmem:s3+$0x0];
	v1 =	vadd.f32 v10, v1  }
0x29f: {  	v51 =	vld [tilespmem:s3+$0x200];
	v0 =	vadd.f32 v9, v0  }
0x2a0: {  	v1 =	vadd.f32 v12, v1;
	v5 =	vadd.f32 v5, v6;
	v6 =	vld [tilespmem:s3+$0x100]  }
0x2a1: {  	v52 =	vld [tilespmem:s28+$0x300];
	v0 =	vadd.f32 v11, v0  }
0x2a2: {  	s29 =	sadd.s32 $0xBA80, s1;
	v1 =	vadd.f32 v14, v1;
	v5 =	vadd.f32 v7, v5;
	v7 =	vld [tilespmem:s3+$0x180]  }
0x2a3: {  	s30 =	sor.u32 s0, s29;
	v53 =	vld [tilespmem:s28+$0x380];
	v8 =	vadd.f32 v47, v8;
	v0 =	vadd.f32 v13, v0  }
0x2a4: {  	v54 =	vld [tilespmem:s30+$0x0];
	v1 =	vadd.f32 v16, v1;
	v5 =	vadd.f32 v48, v5  }
0x2a5: {  	s11 =	sadd.s32 $0xBB80, s1;
	v55 =	vld [tilespmem:s3+$0x380];
	v0 =	vadd.f32 v15, v0;
	v6 =	vadd.f32 v6, v8  }
0x2a6: {  	s12 =	sor.u32 s0, s11;
	v1 =	vadd.f32 v18, v1;
	v8 =	vld [tilespmem:s3+$0x280];
	v5 =	vadd.f32 v49, v5  }
0x2a7: {  	s14 =	sadd.s32 $0xBC00, s1;
	v57 =	vld [tilespmem:s12+$0x0];
	v0 =	vadd.f32 v17, v0;
	v6 =	vadd.f32 v7, v6  }
0x2a8: {  	s15 =	sor.u32 s0, s14;
	v1 =	vadd.f32 v20, v1;
	v7 =	vld [tilespmem:s3+$0x300];
	v5 =	vadd.f32 v50, v5  }
0x2a9: {  	s31 =	sadd.s32 $0xBB00, s1;
	s16 =	sor.u32 s10, s11;
	v58 =	vld [tilespmem:s15+$0x0];
	v0 =	vadd.f32 v19, v0;
	v6 =	vadd.f32 v51, v6  }
0x2aa: {  	v59 =	vld [tilespmem:s16+$0x0];
	s3 =	sor.u32 s0, s31;
	v1 =	vadd.f32 v22, v1;
	v5 =	vadd.f32 v52, v5  }
0x2ab: {  	s19 =	sadd.s32 $0xBC80, s1;
	s4 =	sor.u32 s10, s29;
	v56 =	vld [tilespmem:s3+$0x0];
	v0 =	vadd.f32 v21, v0;
	v6 =	vadd.f32 v8, v6  }
0x2ac: {  	s20 =	sor.u32 s0, s19;
	v1 =	vadd.f32 v24, v1;
	v8 =	vld [tilespmem:s4+$0x0];
	v5 =	vadd.f32 v53, v5  }
0x2ad: {  	s22 =	sadd.s32 $0xBD00, s1;
	s13 =	sor.u32 s10, s31;
	v60 =	vld [tilespmem:s20+$0x0];
	v0 =	vadd.f32 v23, v0;
	v6 =	vadd.f32 v7, v6  }
0x2ae: {  	s23 =	sor.u32 s0, s22;
	v1 =	vadd.f32 v26, v1;
	v7 =	vld [tilespmem:s13+$0x0];
	v5 =	vadd.f32 v54, v5  }
0x2af: {  	v61 =	vld [tilespmem:s23+$0x0];
	v0 =	vadd.f32 v25, v0;
	v6 =	vadd.f32 v55, v6  }
0x2b0: {  	s25 =	simm.s32 $0x9F00;
	v2 =	vld [tilespmem:s9+$0xA180];
	v1 =	vadd.f32 v28, v1;
	v5 =	vadd.f32 v56, v5  }
0x2b1: {  	s21 =	sor.u32 s10, s14;
	v4 =	vld [tilespmem:s25+$0x0];
	v0 =	vadd.f32 v27, v0;
	v6 =	vadd.f32 v8, v6  }
0x2b2: {  	s5 =	simm.s32 $0xA180;
	v1 =	vadd.f32 v30, v1;
	v8 =	vld [tilespmem:s21+$0x0];
	v5 =	vadd.f32 v57, v5  }
0x2b3: {  	s24 =	sor.u32 s10, s19;
	s25 =	sadd.s32 $0xBD80, s1;
	v3 =	vld [tilespmem:s5+$0x0];
	v0 =	vadd.f32 v29, v0;
	v6 =	vadd.f32 v7, v6  }
0x2b4: {  	s26 =	sor.u32 s0, s25;
	v1 =	vadd.f32 v32, v1;
	v7 =	vld [tilespmem:s24+$0x0];
	v5 =	vadd.f32 v58, v5  }
0x2b5: {  	s1 =	sadd.s32 $0xBE00, s1;
	v62 =	vld [tilespmem:s26+$0x0];
	s28 =	sor.u32 s10, s22;
	v0 =	vmul.f32 v31, v0;
	v6 =	vadd.f32 v59, v6  }
0x2b6: {  	s29 =	sor.u32 s0, s1;
	v4 =	vmul.f32 v4, v1;
	v1 =	vld [tilespmem:s28+$0x0];
	v5 =	vadd.f32 v60, v5  }
0x2b7: {  	s30 =	sor.u32 s10, s25;
	s31 =	sand.u32 $0x380, s6;
	v63 =	vmul.f32 v2, v0;
	v0 =	vld [tilespmem:s29+$0x0];
	v6 =	vadd.f32 v8, v6  }
0x2b8: {  	s0 =	sor.u32 s31, s0;
	v4 =	vmul.f32 v3, v4;
	v2 =	vld [tilespmem:s30+$0x0];
	v5 =	vadd.f32 v61, v5  }
0x2b9: {  	s7 =	simm.s32 $0x2;
	s1 =	sor.u32 s10, s1;
	s6 =	simm.s32 $0xA400;
	v3 =	vld [tilespmem:s0+$0x9F00];
	[tilespmem:s9+$0xA400] =	vst v63;
	v6 =	vadd.f32 v7, v6  }
0x2ba: {  	s11 =	simm.s32 $0x40;
	s10 =	simm.s32 $0x200;
	[tilespmem:s6+$0x0] =	vst v4;
	v4 =	vld [tilespmem:s1+$0x0];
	s9 =	simm.s32 $0x9F20;
	v5 =	vadd.f32 v62, v5  }
.LBB2_19:
0x2bb: {  	s13 =	sand.u32 $0x60, s11;
	s14 =	sand.u32 $0x1C00, s10;
	v1 =	vadd.f32 v1, v6;
	v6 =	vld [tilespmem:s0+$0xA180];
	s5 =	sadd.s32 $0x20, s5  }
0x2bc: {  	s7 =	sadd.s32 $0x2, s7;
	s1 =	sadd.s32 $0xA680, s14;
	s12 =	sor.u32 $0x10, s13;
	v7 =	vld [tilespmem:s9+$0x0];
	v0 =	vadd.f32 v0, v5  }
0x2bd: {  	p0 =	slt.u32 s7, $0x26;
	s2 =	sor.u32 s13, s1;
	s1 =	sor.u32 s12, s1;
	v1 =	vadd.f32 v2, v1;
	v2 =	vld [tilespmem:s5+$0x0]  }
0x2be: {  	v5 =	vld [tilespmem:s1+$0x0];
	v0 =	vmul.f32 v3, v0  }
0x2bf: {  	v3 =	vld [tilespmem:s1+$0x80];
	v1 =	vadd.f32 v4, v1  }
0x2c0: {  	v4 =	vld [tilespmem:s2+$0x0];
	v0 =	vmul.f32 v6, v0  }
0x2c1: {  	v6 =	vld [tilespmem:s1+$0x100];
	v1 =	vmul.f32 v7, v1  }
0x2c2: {  	v7 =	vld [tilespmem:s2+$0x80];
	[tilespmem:s0+$0xA400] =	vst v0  }
0x2c3: {  	v0 =	vld [tilespmem:s1+$0x180];
	v1 =	vmul.f32 v2, v1  }
0x2c4: {  	s6 =	sadd.s32 $0x20, s6;
	v2 =	vld [tilespmem:s2+$0x100];
	v3 =	vadd.f32 v3, v5  }
0x2c5: {  	v5 =	vld [tilespmem:s1+$0x200];
	[tilespmem:s6+$0x0] =	vst v1  }
0x2c6: {  	v1 =	vld [tilespmem:s2+$0x180];
	v3 =	vadd.f32 v6, v3  }
0x2c7: {  	v4 =	vadd.f32 v7, v4;
	v6 =	vld [tilespmem:s1+$0x280]  }
0x2c8: {  	v7 =	vld [tilespmem:s2+$0x200];
	v0 =	vadd.f32 v0, v3  }
0x2c9: {  	v2 =	vadd.f32 v2, v4;
	v3 =	vld [tilespmem:s1+$0x300]  }
0x2ca: {  	v4 =	vld [tilespmem:s2+$0x280];
	v0 =	vadd.f32 v5, v0  }
0x2cb: {  	s0 =	sadd.s32 $0xBA80, s14;
	v1 =	vadd.f32 v1, v2;
	v2 =	vld [tilespmem:s1+$0x380]  }
0x2cc: {  	s1 =	sor.u32 s13, s0;
	s0 =	sor.u32 s12, s0;
	v5 =	vld [tilespmem:s2+$0x300];
	v0 =	vadd.f32 v6, v0  }
0x2cd: {  	s3 =	sadd.s32 $0xBB00, s14;
	v1 =	vadd.f32 v7, v1;
	v6 =	vld [tilespmem:s0+$0x0]  }
0x2ce: {  	s0 =	sor.u32 s13, s3;
	v7 =	vld [tilespmem:s2+$0x380];
	v0 =	vadd.f32 v3, v0;
	s2 =	sor.u32 s12, s3  }
0x2cf: {  	s3 =	sadd.s32 $0xBB80, s14;
	v1 =	vadd.f32 v4, v1;
	v3 =	vld [tilespmem:s2+$0x0]  }
0x2d0: {  	s2 =	sor.u32 s12, s3;
	v4 =	vld [tilespmem:s1+$0x0];
	s1 =	sor.u32 s13, s3;
	v0 =	vadd.f32 v2, v0  }
0x2d1: {  	s3 =	sadd.s32 $0xBC00, s14;
	v1 =	vadd.f32 v5, v1;
	v2 =	vld [tilespmem:s2+$0x0]  }
0x2d2: {  	s2 =	sor.u32 s12, s3;
	v5 =	vld [tilespmem:s0+$0x0];
	s0 =	sor.u32 s13, s3;
	v0 =	vadd.f32 v6, v0  }
0x2d3: {  	s3 =	sadd.s32 $0xBC80, s14;
	v1 =	vadd.f32 v7, v1;
	v6 =	vld [tilespmem:s2+$0x0]  }
0x2d4: {  	s2 =	sor.u32 s12, s3;
	v7 =	vld [tilespmem:s1+$0x0];
	s1 =	sor.u32 s13, s3;
	v0 =	vadd.f32 v3, v0  }
0x2d5: {  	s3 =	sadd.s32 $0xBD00, s14;
	v1 =	vadd.f32 v4, v1;
	v3 =	vld [tilespmem:s2+$0x0]  }
0x2d6: {  	s2 =	sor.u32 s12, s3;
	v4 =	vld [tilespmem:s0+$0x0];
	s0 =	sor.u32 s13, s3;
	v0 =	vadd.f32 v2, v0  }
0x2d7: {  	s3 =	sadd.s32 $0xBD80, s14;
	v1 =	vadd.f32 v5, v1;
	v5 =	vld [tilespmem:s2+$0x0]  }
0x2d8: {  	s2 =	sor.u32 s12, s3;
	v8 =	vld [tilespmem:s1+$0x0];
	s1 =	sor.u32 s13, s3;
	v0 =	vadd.f32 v6, v0  }
0x2d9: {  	s3 =	sadd.s32 $0xBE00, s14;
	v2 =	vadd.f32 v7, v1;
	v7 =	vld [tilespmem:s2+$0x0]  }
.Ltmp9:
0x2da: {  	s2 =	sor.u32 s13, s3;
	v1 =	vld [tilespmem:s0+$0x0];
	v3 =	vadd.f32 v3, v0;
	s0 =	sor.u32 s12, s3;
	(pc) =	sbr.rel @p0 .LBB2_19-.Ltmp9, $4  }
0x2db: {  	v4 =	vadd.f32 v4, v2;
	v0 =	vld [tilespmem:s0+$0x0];
	s0 =	sand.u32 $0x380, s11  }
0x2dc: {  	v2 =	vld [tilespmem:s1+$0x0];
	v5 =	vadd.f32 v5, v3;
	s0 =	sor.u32 s0, s12  }
0x2dd: {  	v6 =	vadd.f32 v8, v4;
	v3 =	vld [tilespmem:s0+$0x9F00]  }
0x2de: {  	s10 =	sadd.s32 $0x100, s10;
	s9 =	sadd.s32 $0x20, s9;
	s11 =	sadd.s32 $0x20, s11;
	v4 =	vld [tilespmem:s2+$0x0];
	v5 =	vadd.f32 v7, v5  }
0x2df: {  	v1 =	vadd.f32 v1, v6  }
0x2e0: {  	v6 =	vld [tilespmem:s9+$0x0]  }
0x2e1: {  	v7 =	vld [tilespmem:s0+$0xA180];
	s1 =	sadd.s32 $0x20, s5;
	v1 =	vadd.f32 v2, v1  }
0x2e2: {  	v0 =	vadd.f32 v0, v5;
	v2 =	vld [tilespmem:s1+$0x0]  }
0x2e3: {  	v1 =	vadd.f32 v4, v1  }
0x2e4: {  	v0 =	vmul.f32 v3, v0  }
0x2e5: {  	v1 =	vmul.f32 v6, v1  }
0x2e6: {  	v0 =	vmul.f32 v7, v0  }
0x2e7: {  	v1 =	vmul.f32 v2, v1  }
0x2e8: {  	s26 =	sadd.s32 $0x20, s6;
	[tilespmem:s0+$0xA400] =	vst v0  }
0x2e9: {  	s28 =	simm.s32 $0xA400;
	s29 =	simm.s32 $0x3;
	[tilespmem:s26+$0x0] =	vst v1  }
0x2ea: {  	[spmem:s8] =	stream.linear.scatter [tilespmem:s28], [sflag:$0x3], $0x280, $0x38;
	[tilespmem:$0x17510] =	vst v63  }
0x2eb: {  	_ =	swait.ge [sflag:s29], $0x280  }
0x2ec: {  	[sflag:s29] =	ssyncset.done $0x0  }
0x2ed: {  	[sflag:s29] =	ssyncadd.s32 $0xFFFFFD80  }
0x2ee: {  	s30 =	simm.s32 $0x2;
	s0 =	simm.s32 $0x4F00;
	[bflag:$0x0] =	sbarrier.arrive $0xFFFF  }
0x2ef: {  	[tilespmem:s0], [sflag:$0x1] =	stream.linear.gather [spmem:s18], $0x2800, $0x38;
	[tilespmem:$0x17510] =	vst v63  }
0x2f0: {  	_ =	swait.ge [sflag:s30], $0x2800  }
0x2f1: {  	[sflag:s30] =	ssyncset.done $0x0  }
0x2f2: {  	s31 =	simm.s32 $0x1;
	[sflag:s30] =	ssyncadd.s32 $0xFFFFD800  }
0x2f3: {  	_ =	swait.ge [sflag:s31], $0x2800  }
0x2f4: {  	[sflag:s31] =	ssyncset.done $0x0  }
0x2f5: {  	s3 =	simm.s32 $0x20;
	[sflag:s31] =	ssyncadd.s32 $0xFFFFD800  }
0x2f6: {  	s1 =	simm.s32 $0x27A0;
	v0 =	vld [tilespmem:s3+$0x20]  }
0x2f7: {  	v1 =	vld [tilespmem:s1+$0x20]  }
0x2f8: {  	v2 =	vld [tilespmem:s1+$0xFFFFFFE0]  }
0x2f9: {  	v3 =	vld [tilespmem:s3+$0xFFFFFFF0]  }
0x2fa: {  	v4 =	vld [tilespmem:s1+$0xFFFFFFF0]  }
0x2fb: {  	v6 =	vld [tilespmem:s3+$0x0]  }
0x2fc: {  	v7 =	vld [tilespmem:s1+$0x0]  }
0x2fd: {  	v9 =	vld [tilespmem:s3+$0x10]  }
0x2fe: {  	v12 =	vld [tilespmem:s1+$0x10]  }
0x2ff: {  	v13 =	vld [tilespmem:s3+$0xFFFFFFE0]  }
0x300: {  	s2 =	simm.s32 $0xF800;
	v0 =	vld.idx.msk [tilespmem:v0+s0+$0x0], $0xffff  }
0x301: {  	v1 =	vld.idx.msk [tilespmem:v1+s2+$0x0], $0xffff  }
0x302: {  	v5 =	vld.idx.msk [tilespmem:v2+s2+$0x0], $0xffff  }
0x303: {  	v10 =	vld.idx.msk [tilespmem:v3+s0+$0x0], $0xffff  }
0x304: {  	v11 =	vld.idx.msk [tilespmem:v4+s2+$0x0], $0xffff  }
0x305: {  	v6 =	vld.idx.msk [tilespmem:v6+s0+$0x0], $0xffff  }
0x306: {  	v8 =	vld.idx.msk [tilespmem:v7+s2+$0x0], $0xffff  }
0x307: {  	v7 =	vld.idx.msk [tilespmem:v9+s0+$0x0], $0xffff;
	v0 =	vmul.f32 v1, v0  }
0x308: {  	v9 =	vld.idx.msk [tilespmem:v12+s2+$0x0], $0xffff;
	v3 =	vimm.f32 $0.0e+00;
	v1 =	vimm.f32 $0.0e+00  }
0x309: {  	s4 =	simm.s32 $0x70;
	s3 =	simm.s32 $0x0;
	v12 =	vld.idx.msk [tilespmem:v13+s0+$0x0], $0xffff;
	v2 =	vimm.f32 $0.0e+00;
	v4 =	vimm.f32 $0.0e+00;
	v0 =	vadd.f32 v0, v1  }
.LBB2_21:
0x30a: {  	v13 =	vld [tilespmem:s4+$0x20];
	v10 =	vmul.f32 v11, v10;
	s1 =	sadd.s32 $0x50, s1  }
0x30b: {  	s3 =	sadd.s32 $0x5, s3;
	v11 =	vld [tilespmem:s1+$0x20]  }
0x30c: {  	p0 =	slt.u32 s3, $0x26C;
	v6 =	vmul.f32 v8, v6;
	v14 =	vld [tilespmem:s1+$0xFFFFFFE0];
	v1 =	vadd.f32 v10, v1  }
0x30d: {  	v8 =	vld [tilespmem:s4+$0xFFFFFFF0]  }
0x30e: {  	v3 =	vadd.f32 v6, v3;
	v6 =	vmul.f32 v9, v7;
	v15 =	vld [tilespmem:s1+$0xFFFFFFF0]  }
0x30f: {  	v5 =	vmul.f32 v5, v12;
	v7 =	vld [tilespmem:s4+$0x0]  }
0x310: {  	v2 =	vadd.f32 v6, v2;
	v9 =	vld [tilespmem:s1+$0x0]  }
0x311: {  	v4 =	vadd.f32 v5, v4;
	v12 =	vld [tilespmem:s4+$0x10]  }
0x312: {  	v13 =	vld.idx.msk [tilespmem:v13+s0+$0x0], $0xffff  }
0x313: {  	v16 =	vld.idx.msk [tilespmem:v11+s2+$0x0], $0xffff  }
0x314: {  	v17 =	vld [tilespmem:s1+$0x10]  }
0x315: {  	v18 =	vld [tilespmem:s4+$0xFFFFFFE0]  }
0x316: {  	v5 =	vld.idx.msk [tilespmem:v14+s2+$0x0], $0xffff  }
0x317: {  	v10 =	vld.idx.msk [tilespmem:v8+s0+$0x0], $0xffff  }
0x318: {  	v11 =	vld.idx.msk [tilespmem:v15+s2+$0x0], $0xffff  }
.Ltmp10:
0x319: {  	v13 =	vmul.f32 v16, v13;
	v6 =	vld.idx.msk [tilespmem:v7+s0+$0x0], $0xffff;
	(pc) =	sbr.rel @p0 .LBB2_21-.Ltmp10, $4  }
0x31a: {  	v8 =	vld.idx.msk [tilespmem:v9+s2+$0x0], $0xffff  }
0x31b: {  	v0 =	vadd.f32 v13, v0;
	v7 =	vld.idx.msk [tilespmem:v12+s0+$0x0], $0xffff  }
0x31c: {  	v9 =	vld.idx.msk [tilespmem:v17+s2+$0x0], $0xffff  }
0x31d: {  	s4 =	sadd.s32 $0x50, s4;
	v12 =	vld.idx.msk [tilespmem:v18+s0+$0x0], $0xffff  }
0x31e: {  	_ =	sdelay $0x3  }
0x31f: {  	v10 =	vmul.f32 v11, v10;
	v5 =	vmul.f32 v5, v12;
	_ =	sdelay $0x1  }
0x320: {  	v6 =	vmul.f32 v8, v6;
	v1 =	vadd.f32 v10, v1;
	v4 =	vadd.f32 v5, v4;
	_ =	sdelay $0x1  }
0x321: {  	v3 =	vadd.f32 v6, v3;
	v63 =	vmul.f32 v9, v7;
	v1 =	vadd.f32 v1, v4;
	_ =	sdelay $0x1  }
0x322: {  	v2 =	vadd.f32 v63, v2;
	v1 =	vadd.f32 v3, v1;
	_ =	sdelay $0x1  }
0x323: {  	v1 =	vadd.f32 v2, v1;
	_ =	sdelay $0x1  }
0x324: {  	v0 =	vadd.f32 v0, v1  }
0x325: {  	s0 =	sshll.u32 s17, $0x4;
	s2 =	rddreg [dreg:$0x6]  }
0x326: {  	s1 =	simm.s32 $0xF680;
	s31 =	simm.s32 $0x3;
	s0 =	sadd.s32 s0, s2;
	[tilespmem:$0xF680] =	vst v0  }
0x327: {  	[spmem:s0] =	stream.linear.scatter [tilespmem:s1], [sflag:$0x3], $0x10, $0x38;
	[tilespmem:$0x17510] =	vst v63  }
0x328: {  	_ =	swait.ge [sflag:s31], $0x10  }
0x329: {  	[sflag:s31] =	ssyncset.done $0x0  }
0x32a: {  	[sflag:s31] =	ssyncadd.s32 $0xFFFFFFF0  }
0x32b: {  	p0 =	sne.s32 s17, $0x0;
	[bflag:$0x0] =	sbarrier.arrive $0xFFFF  }
0x32c: {  	_ =	sfence.sel @p0 $0x180000  }
0x32d: {  	[bflag:$0x0] =	sbarrier.arrive @p0 $0xFFFF  }
0x32e: {  	_ =	strace @p0 $0x90000047  }
0x32f: {  	s0 =	simm.s32 @!p0 $0xF700;
	[bflag:$0x2] =	sbarrier.arrive @p0 $0xFFFF  }
0x330: {  	[tilespmem:s0], [sflag:$0x3] =	stream.linear.gather @!p0 [spmem:s2], $0x100, $0x38;
	[tilespmem:$0x17510] =	vst v63  }
0x331: {  	s0 =	simm.s32 @!p0 $0x3  }
0x332: {  	_ =	swait.ge @!p0 [sflag:s0], $0x100  }
0x333: {  	[sflag:s0] =	ssyncset.done @!p0 $0x0  }
0x334: {  	[sflag:s0] =	ssyncadd.s32 @!p0 $0xFFFFFF00  }
0x335: {  	v0 =	vld @!p0 [tilespmem:$0xF700];
	_ =	sdelay $0x1  }
0x336: {  	v1 =	vld @!p0 [tilespmem:$0xF710];
	_ =	sdelay $0x1  }
0x337: {  	v2 =	vld @!p0 [tilespmem:$0xF720]  }
0x338: {  	v0 =	vadd.f32 @!p0 $0.0e+00, v0  }
0x339: {  	v3 =	vld @!p0 [tilespmem:$0xF730]  }
0x33a: {  	v0 =	vadd.f32 @!p0 v1, v0  }
0x33b: {  	v1 =	vld @!p0 [tilespmem:$0xF740]  }
0x33c: {  	v0 =	vadd.f32 @!p0 v2, v0  }
0x33d: {  	v2 =	vld @!p0 [tilespmem:$0xF750]  }
0x33e: {  	v0 =	vadd.f32 @!p0 v3, v0  }
0x33f: {  	v3 =	vld @!p0 [tilespmem:$0xF760]  }
0x340: {  	v0 =	vadd.f32 @!p0 v1, v0  }
0x341: {  	v1 =	vld @!p0 [tilespmem:$0xF770]  }
0x342: {  	v0 =	vadd.f32 @!p0 v2, v0  }
0x343: {  	v2 =	vld @!p0 [tilespmem:$0xF780]  }
0x344: {  	v0 =	vadd.f32 @!p0 v3, v0  }
0x345: {  	v3 =	vld @!p0 [tilespmem:$0xF790]  }
0x346: {  	v0 =	vadd.f32 @!p0 v1, v0  }
0x347: {  	v1 =	vld @!p0 [tilespmem:$0xF7A0]  }
0x348: {  	v0 =	vadd.f32 @!p0 v2, v0  }
0x349: {  	v2 =	vld @!p0 [tilespmem:$0xF7B0]  }
0x34a: {  	v0 =	vadd.f32 @!p0 v3, v0  }
0x34b: {  	v3 =	vld @!p0 [tilespmem:$0xF7C0]  }
0x34c: {  	v0 =	vadd.f32 @!p0 v1, v0  }
0x34d: {  	v1 =	vld @!p0 [tilespmem:$0xF7D0]  }
0x34e: {  	v0 =	vadd.f32 @!p0 v2, v0  }
0x34f: {  	v2 =	vld @!p0 [tilespmem:$0xF7E0]  }
0x350: {  	v0 =	vadd.f32 @!p0 v3, v0  }
0x351: {  	v3 =	vld @!p0 [tilespmem:$0xF7F0]  }
0x352: {  	v0 =	vadd.f32 @!p0 v1, v0;
	_ =	sdelay $0x1  }
0x353: {  	v0 =	vadd.f32 @!p0 v2, v0;
	_ =	sdelay $0x1  }
0x354: {  	v0 =	vadd.f32 @!p0 v3, v0;
	_ =	sdelay $0x1  }
0x355: {  	(xrf2) =	vadd.scan.msk.f32 @!p0 $0xffff, v0;
	_ =	sdelay $0x9  }
0x356: {  	v0, _, _ =	vpop @!p0 (xrf2)  }
0x357: {  	v0 =	vbroadcast @!p0 v0, $0xF;
	_ =	sdelay $0x1  }
0x358: {  	s1 =	simm.s32 @!p0 $0x0;
	s2 =	simm.s32 @!p0 $0xF680;
	s3 =	rddreg [dreg:$0x1];
	[tilespmem:$0xF680] =	vst @!p0 v0  }
0x359: {  	[hbm4b:s3+s1] =	stream.linear.scatter @!p0 [tilespmem:s2], [sflag:$0x3], $0x80, $0x38;
	[tilespmem:$0x17510] =	vst v63  }
0x35a: {  	_ =	swait.ge @!p0 [sflag:s0], $0x80  }
0x35b: {  	[sflag:s0] =	ssyncset.done @!p0 $0x0  }
0x35c: {  	[sflag:s0] =	ssyncadd.s32 @!p0 $0xFFFFFF80  }
0x35d: {  	_ =	sfence.sel @!p0 $0x180000  }
0x35e: {  	[bflag:$0x0] =	sbarrier.arrive @!p0 $0xFFFF  }
0x35f: {  	_ =	strace @!p0 $0x90000047  }
0x360: {  	[bflag:$0x2] =	sbarrier.arrive @!p0 $0xFFFF  }
0x361: {  	s0 =	rddreg [dreg:$0x7]  }
0x362: {  	s0 =	sadd.s32 @!p0 $0x100000, s0  }
0x363: {  	[sflag:s0] =	ssyncadd.tile.s32 @!p0 $0x1;
	_ =	shalt  }
.Lfunc_end2:
_tile_overlayer_lowered:
.L_overlay_start_2:
0x364: {  	(tag) =	ssettag $0x2  }
0x365: {  	s0 =	rddreg [dreg:$0x0];
	s2 =	stileid.u32  }
0x366: {  	s1 =	rddreg [dreg:$0x1];
	p0 =	sne.s32 s2, $0x0  }
0x367: {  	s3 =	rddreg [dreg:$0x2];
	[bflag:$0x3] =	sbarrier.arrive $0xFFFF;
	s2 =	simm.s32 @!p0 $0x1C03  }
0x368: {  	[timem:s3], [sflag:s2] =	dma.local @!p0 [hbm:s0], s1  }
0x369: {  	s0 =	simm.s32 @!p0 $0x3  }
0x36a: {  	_ =	swait.ge @!p0 [sflag:s0], s1  }
0x36b: {  	s1 =	ssub.s32 @!p0 $0x0, s1;
	[sflag:s0] =	ssyncset.done @!p0 $0x0  }
0x36c: {  	[sflag:s0] =	ssyncadd.s32 @!p0 s1  }
0x36d: {  	[bflag:$0x3] =	sbarrier.arrive $0xFFFF  }
0x36e: {  	_ =	shalt  }

</sc_bundles>
